<compile_context>
chip_gen: v7x
topology: tpu7x:2x2x1
jax: 0.10.2.dev20260603
libtpu: 0.0.44.dev20260713+nightly
codegen_flags: <defaults>
</compile_context>

<pallas_src>
import functools

import jax
import jax.numpy as jnp
from jax import lax
from jax.experimental import pallas as pl
from jax.experimental.pallas import tpu as pltpu
from jax.experimental.pallas import tpu_sc as plsc

NC = 2
NS = 16
NW = NC * NS
TCH = 16


def _tc_pack(codebooks, S, K, D):

    KB = 1024
    W = D // 2

    def body(x_ref, o_ref):
        bf = x_ref[0].astype(jnp.bfloat16)
        u = lax.bitcast_convert_type(bf, jnp.uint16).astype(jnp.uint32)
        word = u[:, :W] | (u[:, W:] << 16)
        o_ref[0] = lax.bitcast_convert_type(word, jnp.int32)

    return pl.pallas_call(
        body,
        grid=(S, K // KB),
        in_specs=[pl.BlockSpec((1, KB, D), lambda s, k: (s, k, 0))],
        out_specs=pl.BlockSpec((1, KB, W), lambda s, k: (s, k, 0)),
        out_shape=jax.ShapeDtypeStruct((S, K, W), jnp.int32),
    )(codebooks)


def _sc_decode(widx, cbw, S, D, P):
    NCH = P // TCH
    W = D // 2
    mesh = plsc.VectorSubcoreMesh(core_axis_name="c", subcore_axis_name="s")

    @functools.partial(
        pl.kernel,
        out_type=jax.ShapeDtypeStruct((NW * P, W), jnp.int32),
        mesh=mesh,
        compiler_params=pltpu.CompilerParams(needs_layout_passes=False),
        scratch_types=[
            pltpu.VMEM((NCH * S, TCH), jnp.int32),
            pltpu.VMEM((2, S * TCH, W), jnp.int32),
            pltpu.SemaphoreType.DMA,
            pltpu.SemaphoreType.DMA,
            pltpu.SemaphoreType.DMA,
            pltpu.SemaphoreType.DMA,
        ],
    )
    def sc_decode(
        idx_hbm, cb_hbm, out_hbm, idx_v, sbuf, sem0, sem1, osem0, osem1
    ):
        sems = (sem0, sem1)
        osems = (osem0, osem1)
        w = lax.axis_index("s") * NC + lax.axis_index("c")
        pltpu.sync_copy(idx_hbm.at[w], idx_v)

        def fire(c, par):
            for s in range(S):
                pltpu.async_copy(
                    cb_hbm.at[idx_v.at[c * S + s]],
                    sbuf.at[par, pl.ds(s * TCH, TCH)],
                    sems[par],
                )

        def drain(par):
            pltpu.make_async_copy(
                cb_hbm.at[pl.ds(0, S * TCH)], sbuf.at[par], sems[par]
            ).wait()

        def wait_out(par):
            pltpu.make_async_copy(
                sbuf.at[par, pl.ds(0, TCH)],
                out_hbm.at[pl.ds(0, TCH)],
                osems[par],
            ).wait()

        fire(0, 0)

        def outer(cc, carry):
            for par in range(2):
                c = cc * 2 + par
                cn = jnp.minimum(c + 1, NCH - 1)
                if par == 0:
                    @pl.when(cc > 0)
                    def _():
                        wait_out(1 - par)
                else:
                    wait_out(1 - par)
                fire(cn, 1 - par)
                drain(par)

                @plsc.parallel_loop(0, TCH, unroll=2)
                def t_body(t):
                    for k in range(W // 16):
                        sl = pl.ds(k * 16, 16)

                        def ld(s):
                            return plsc.bitcast(
                                sbuf[par, s * TCH + t, sl], jnp.bfloat16
                            )

                        v01 = ld(0) + ld(1)
                        v23 = ld(2) + ld(3)
                        v45 = ld(4) + ld(5)
                        v67 = ld(6) + ld(7)
                        r = (v01 + v23) + (v45 + v67)
                        sbuf[par, t, sl] = plsc.bitcast(r, jnp.int32)

                pltpu.async_copy(
                    sbuf.at[par, pl.ds(0, TCH)],
                    out_hbm.at[pl.ds(w * P + c * TCH, TCH)],
                    osems[par],
                )
            return carry

        lax.fori_loop(0, NCH // 2, outer, 0)
        drain(0)
        wait_out(1)

    return sc_decode(widx, cbw)


def _tc_unpack_transpose(tmp, B, T, D):
    W = D // 2

    TT = 2048

    def body(x_ref, o_ref):
        wrd = x_ref[0]
        lo = lax.bitcast_convert_type(
            lax.shift_left(wrd, 16), jnp.float32
        )
        hi = lax.bitcast_convert_type(
            wrd & jnp.int32(-65536), jnp.float32
        )
        o_ref[0, :W, :] = jnp.swapaxes(lo, 0, 1)
        o_ref[0, W:, :] = jnp.swapaxes(hi, 0, 1)

    return pl.pallas_call(
        body,
        grid=(B, T // TT),
        in_specs=[pl.BlockSpec((1, TT, W), lambda b, t: (b, t, 0))],
        out_specs=pl.BlockSpec((1, D, TT), lambda b, t: (b, 0, t)),
        out_shape=jax.ShapeDtypeStruct((B, D, T), jnp.float32),
    )(tmp)


def kernel(stage_indices, codebooks):
    S, K, D = codebooks.shape
    _, B, T = stage_indices.shape
    P = B * T // NW
    NCH = P // TCH

    cbw = _tc_pack(codebooks, S, K, D).reshape(S * K, D // 2)
    idx = stage_indices.astype(jnp.int32) + (
        jnp.arange(S, dtype=jnp.int32) * K
    )[:, None, None]
    widx = (
        idx.transpose(1, 2, 0)
        .reshape(NW, NCH, TCH, S)
        .transpose(0, 1, 3, 2)
        .reshape(NW, NCH * S, TCH)
    )

    tmp = _sc_decode(widx, cbw, S, D, P)
    return _tc_unpack_transpose(tmp.reshape(B, T, D // 2), B, T, D)

# --- scband reference (transcript-rebuilt; emitter-appended) ---
"""Pipeline reference for scband-hierarchical-rvqdecoder-23398981829011 (READ-ONLY COPY).

The authoritative reference and input builder live on the scoring server;
editing this copy changes nothing except your own understanding.
"""

import jax, jax.numpy as jnp
import numpy as np

NUM_STAGES = 8
CODEBOOK_SIZE = 1024
INPUT_DIM = 256
B = 16
T = 2048


def setup_inputs(seed: int = 0) -> dict:
    key = jax.random.key(seed)
    k_idx, k_cb = jax.random.split(key)
    stage_indices = jax.random.randint(k_idx, (NUM_STAGES, B, T), 0, CODEBOOK_SIZE, dtype=jnp.int64 if jax.config.jax_enable_x64 else jnp.int32)
    # Learned parameters: one codebook per RVQ stage, [S, K, D]
    codebooks = jax.random.normal(k_cb, (NUM_STAGES, CODEBOOK_SIZE, INPUT_DIM), dtype=jnp.float32)
    return {"stage_indices": stage_indices, "codebooks": codebooks}


def reference(stage_indices, codebooks):
    # HierarchicalRVQDecoder.forward:
    #   reconstructed = zeros(B, D, T)
    #   for each stage: reconstructed += quantizers[s].decode_from_indices(indices[s])
    # decode_from_indices is an embedding lookup into that stage's codebook,
    # producing [B, D, T] features.
    def decode_stage(cb, idx):
        # cb: [K, D], idx: [B, T] -> [B, T, D]
        return jnp.take(cb, idx, axis=0)

    stage_feats = jax.vmap(decode_stage)(codebooks, stage_indices)  # [S, B, T, D]
    reconstructed = jnp.sum(stage_feats, axis=0)  # [B, T, D]
    reconstructed = jnp.transpose(reconstructed, (0, 2, 1))  # [B, D, T]
    return reconstructed

if __name__ == "__main__":
    import jax
    _d = setup_inputs()
    print(jax.jit(kernel)(*tuple(_d.values())))

</pallas_src>

<mosaic_0001>
#map = affine_map<(d0, d1) -> (0, 0, 0)>
#map1 = affine_map<(d0, d1) -> (0, 0)>
module attributes {stable_mosaic.version = 14 : i64} {
  func.func @sc_decode(%arg0: i32, %arg1: i32, %arg2: memref<32x512x16xi32, #tpu.memory_space<hbm>>, %arg3: memref<8192x128xi32, #tpu.memory_space<hbm>>, %arg4: memref<32768x128xi32, #tpu.memory_space<hbm>>, %arg5: memref<512x16xi32, #tpu.memory_space<vmem>>, %arg6: memref<2x128x128xi32, #tpu.memory_space<vmem>>, %arg7: memref<!tpu.dma_semaphore, #tpu.memory_space<semaphore_mem>>, %arg8: memref<!tpu.dma_semaphore, #tpu.memory_space<semaphore_mem>>, %arg9: memref<!tpu.dma_semaphore, #tpu.memory_space<semaphore_mem>>, %arg10: memref<!tpu.dma_semaphore, #tpu.memory_space<semaphore_mem>>) attributes {dimension_semantics = [#tpu.dimension_semantics<core_parallel>, #tpu.dimension_semantics<subcore_parallel>], iteration_bounds = array<i64: 2, 16>, scalar_prefetch = 0 : i64, scratch_operands = 6 : i64, tpu.core_type = #tpu.core_type<sc_vector_subcore>, window_params = [{transform_indices = #map}, {transform_indices = #map1}, {transform_indices = #map1}]} {
    %mul3A = arith.constant 2 : i32
    %mul3A_0 = arith.muli %arg1, %mul3A : i32
    %add3A = arith.addi %mul3A_0, %arg0 : i32
    "tpu.region"() ({
      %run_scoped3A = tpu.sem_alloc : memref<!tpu.dma_semaphore, #tpu.memory_space<semaphore_mem>>
      %dma_start3A_130 = arith.constant 0 : i32
      %dma_start3A_131 = arith.constant 0 : i32
      %dma_start3A_132 = tpu.memref_slice %arg2[%add3A, %dma_start3A_130, %dma_start3A_131] : memref<32x512x16xi32, #tpu.memory_space<hbm>> -> memref<1x512x16xi32, #tpu.memory_space<hbm>>
      %dma_start3A_133 = tpu.memref_squeeze %dma_start3A_132 : memref<1x512x16xi32, #tpu.memory_space<hbm>> -> memref<512x16xi32, #tpu.memory_space<hbm>>
      %dma_start3A_134 = arith.constant 0 : i32
      %dma_start3A_135 = arith.constant 0 : i32
      %dma_start3A_136 = tpu.memref_slice %arg2[%add3A, %dma_start3A_134, %dma_start3A_135] : memref<32x512x16xi32, #tpu.memory_space<hbm>> -> memref<1x512x16xi32, #tpu.memory_space<hbm>>
      %dma_start3A_137 = tpu.memref_squeeze %dma_start3A_136 : memref<1x512x16xi32, #tpu.memory_space<hbm>> -> memref<512x16xi32, #tpu.memory_space<hbm>>
      tpu.enqueue_dma source(%dma_start3A_137 : memref<512x16xi32, #tpu.memory_space<hbm>>) target(%arg5 : memref<512x16xi32, #tpu.memory_space<vmem>>) target_semaphore(%run_scoped3A : memref<!tpu.dma_semaphore, #tpu.memory_space<semaphore_mem>>)
      %dma_wait3A_138 = arith.constant 0 : i32
      %dma_wait3A_139 = arith.constant 0 : i32
      %dma_wait3A_140 = tpu.memref_slice %arg2[%add3A, %dma_wait3A_138, %dma_wait3A_139] : memref<32x512x16xi32, #tpu.memory_space<hbm>> -> memref<1x512x16xi32, #tpu.memory_space<hbm>>
      %dma_wait3A_141 = tpu.memref_squeeze %dma_wait3A_140 : memref<1x512x16xi32, #tpu.memory_space<hbm>> -> memref<512x16xi32, #tpu.memory_space<hbm>>
      %dma_wait3A_142 = arith.constant 0 : i32
      %dma_wait3A_143 = arith.constant 0 : i32
      %dma_wait3A_144 = tpu.memref_slice %arg2[%add3A, %dma_wait3A_142, %dma_wait3A_143] : memref<32x512x16xi32, #tpu.memory_space<hbm>> -> memref<1x512x16xi32, #tpu.memory_space<hbm>>
      %dma_wait3A_145 = tpu.memref_squeeze %dma_wait3A_144 : memref<1x512x16xi32, #tpu.memory_space<hbm>> -> memref<512x16xi32, #tpu.memory_space<hbm>>
      tpu.wait_dma2 semaphore(%run_scoped3A : memref<!tpu.dma_semaphore, #tpu.memory_space<semaphore_mem>>) src(%dma_wait3A_145 : memref<512x16xi32, #tpu.memory_space<hbm>>) dst(%arg5 : memref<512x16xi32, #tpu.memory_space<vmem>>)
      tpu.yield
    }) : () -> ()
    %dma_start3A = arith.constant 0 : i32
    %dma_start3A_1 = arith.constant 0 : i32
    %dma_start3A_2 = arith.constant 0 : i32
    %dma_start3A_3 = arith.constant 0 : i32
    %dma_start3A_4 = tpu.memref_slice %arg6[%dma_start3A_1, %dma_start3A_2, %dma_start3A_3] : memref<2x128x128xi32, #tpu.memory_space<vmem>> -> memref<1x16x128xi32, #tpu.memory_space<vmem>>
    %dma_start3A_5 = tpu.memref_squeeze %dma_start3A_4 : memref<1x16x128xi32, #tpu.memory_space<vmem>> -> memref<16x128xi32, #tpu.memory_space<vmem>>
    %dma_start3A_6 = arith.constant 0 : i32
    %dma_start3A_7 = tpu.memref_slice %arg5[%dma_start3A, %dma_start3A_6] : memref<512x16xi32, #tpu.memory_space<vmem>> -> memref<1x16xi32, #tpu.memory_space<vmem>>
    %dma_start3A_8 = tpu.memref_squeeze %dma_start3A_7 : memref<1x16xi32, #tpu.memory_space<vmem>> -> memref<16xi32, #tpu.memory_space<vmem>>
    %dma_start3A_9 = arith.constant 0 : i32
    %dma_start3A_10 = arith.constant 0 : i32
    %dma_start3A_11 = tpu.memref_slice %arg3[%dma_start3A_9, %dma_start3A_10] : memref<8192x128xi32, #tpu.memory_space<hbm>> -> memref<8192x128xi32, #tpu.memory_space<hbm>>
    tpu.enqueue_indirect_dma source(%dma_start3A_11 : memref<8192x128xi32, #tpu.memory_space<hbm>>) target(%dma_start3A_5 : memref<16x128xi32, #tpu.memory_space<vmem>>) offsets(%dma_start3A_8 : memref<16xi32, #tpu.memory_space<vmem>>) semaphore(%arg7 : memref<!tpu.dma_semaphore, #tpu.memory_space<semaphore_mem>>)
    %dma_start3A_12 = arith.constant 1 : i32
    %dma_start3A_13 = arith.constant 0 : i32
    %dma_start3A_14 = arith.constant 16 : i32
    %dma_start3A_15 = arith.constant 0 : i32
    %dma_start3A_16 = tpu.memref_slice %arg6[%dma_start3A_13, %dma_start3A_14, %dma_start3A_15] : memref<2x128x128xi32, #tpu.memory_space<vmem>> -> memref<1x16x128xi32, #tpu.memory_space<vmem>>
    %dma_start3A_17 = tpu.memref_squeeze %dma_start3A_16 : memref<1x16x128xi32, #tpu.memory_space<vmem>> -> memref<16x128xi32, #tpu.memory_space<vmem>>
    %dma_start3A_18 = arith.constant 0 : i32
    %dma_start3A_19 = tpu.memref_slice %arg5[%dma_start3A_12, %dma_start3A_18] : memref<512x16xi32, #tpu.memory_space<vmem>> -> memref<1x16xi32, #tpu.memory_space<vmem>>
    %dma_start3A_20 = tpu.memref_squeeze %dma_start3A_19 : memref<1x16xi32, #tpu.memory_space<vmem>> -> memref<16xi32, #tpu.memory_space<vmem>>
    %dma_start3A_21 = arith.constant 0 : i32
    %dma_start3A_22 = arith.constant 0 : i32
    %dma_start3A_23 = tpu.memref_slice %arg3[%dma_start3A_21, %dma_start3A_22] : memref<8192x128xi32, #tpu.memory_space<hbm>> -> memref<8192x128xi32, #tpu.memory_space<hbm>>
    tpu.enqueue_indirect_dma source(%dma_start3A_23 : memref<8192x128xi32, #tpu.memory_space<hbm>>) target(%dma_start3A_17 : memref<16x128xi32, #tpu.memory_space<vmem>>) offsets(%dma_start3A_20 : memref<16xi32, #tpu.memory_space<vmem>>) semaphore(%arg7 : memref<!tpu.dma_semaphore, #tpu.memory_space<semaphore_mem>>)
    %dma_start3A_24 = arith.constant 2 : i32
    %dma_start3A_25 = arith.constant 0 : i32
    %dma_start3A_26 = arith.constant 32 : i32
    %dma_start3A_27 = arith.constant 0 : i32
    %dma_start3A_28 = tpu.memref_slice %arg6[%dma_start3A_25, %dma_start3A_26, %dma_start3A_27] : memref<2x128x128xi32, #tpu.memory_space<vmem>> -> memref<1x16x128xi32, #tpu.memory_space<vmem>>
    %dma_start3A_29 = tpu.memref_squeeze %dma_start3A_28 : memref<1x16x128xi32, #tpu.memory_space<vmem>> -> memref<16x128xi32, #tpu.memory_space<vmem>>
    %dma_start3A_30 = arith.constant 0 : i32
    %dma_start3A_31 = tpu.memref_slice %arg5[%dma_start3A_24, %dma_start3A_30] : memref<512x16xi32, #tpu.memory_space<vmem>> -> memref<1x16xi32, #tpu.memory_space<vmem>>
    %dma_start3A_32 = tpu.memref_squeeze %dma_start3A_31 : memref<1x16xi32, #tpu.memory_space<vmem>> -> memref<16xi32, #tpu.memory_space<vmem>>
    %dma_start3A_33 = arith.constant 0 : i32
    %dma_start3A_34 = arith.constant 0 : i32
    %dma_start3A_35 = tpu.memref_slice %arg3[%dma_start3A_33, %dma_start3A_34] : memref<8192x128xi32, #tpu.memory_space<hbm>> -> memref<8192x128xi32, #tpu.memory_space<hbm>>
    tpu.enqueue_indirect_dma source(%dma_start3A_35 : memref<8192x128xi32, #tpu.memory_space<hbm>>) target(%dma_start3A_29 : memref<16x128xi32, #tpu.memory_space<vmem>>) offsets(%dma_start3A_32 : memref<16xi32, #tpu.memory_space<vmem>>) semaphore(%arg7 : memref<!tpu.dma_semaphore, #tpu.memory_space<semaphore_mem>>)
    %dma_start3A_36 = arith.constant 3 : i32
    %dma_start3A_37 = arith.constant 0 : i32
    %dma_start3A_38 = arith.constant 48 : i32
    %dma_start3A_39 = arith.constant 0 : i32
    %dma_start3A_40 = tpu.memref_slice %arg6[%dma_start3A_37, %dma_start3A_38, %dma_start3A_39] : memref<2x128x128xi32, #tpu.memory_space<vmem>> -> memref<1x16x128xi32, #tpu.memory_space<vmem>>
    %dma_start3A_41 = tpu.memref_squeeze %dma_start3A_40 : memref<1x16x128xi32, #tpu.memory_space<vmem>> -> memref<16x128xi32, #tpu.memory_space<vmem>>
    %dma_start3A_42 = arith.constant 0 : i32
    %dma_start3A_43 = tpu.memref_slice %arg5[%dma_start3A_36, %dma_start3A_42] : memref<512x16xi32, #tpu.memory_space<vmem>> -> memref<1x16xi32, #tpu.memory_space<vmem>>
    %dma_start3A_44 = tpu.memref_squeeze %dma_start3A_43 : memref<1x16xi32, #tpu.memory_space<vmem>> -> memref<16xi32, #tpu.memory_space<vmem>>
    %dma_start3A_45 = arith.constant 0 : i32
    %dma_start3A_46 = arith.constant 0 : i32
    %dma_start3A_47 = tpu.memref_slice %arg3[%dma_start3A_45, %dma_start3A_46] : memref<8192x128xi32, #tpu.memory_space<hbm>> -> memref<8192x128xi32, #tpu.memory_space<hbm>>
    tpu.enqueue_indirect_dma source(%dma_start3A_47 : memref<8192x128xi32, #tpu.memory_space<hbm>>) target(%dma_start3A_41 : memref<16x128xi32, #tpu.memory_space<vmem>>) offsets(%dma_start3A_44 : memref<16xi32, #tpu.memory_space<vmem>>) semaphore(%arg7 : memref<!tpu.dma_semaphore, #tpu.memory_space<semaphore_mem>>)
    %dma_start3A_48 = arith.constant 4 : i32
    %dma_start3A_49 = arith.constant 0 : i32
    %dma_start3A_50 = arith.constant 64 : i32
    %dma_start3A_51 = arith.constant 0 : i32
    %dma_start3A_52 = tpu.memref_slice %arg6[%dma_start3A_49, %dma_start3A_50, %dma_start3A_51] : memref<2x128x128xi32, #tpu.memory_space<vmem>> -> memref<1x16x128xi32, #tpu.memory_space<vmem>>
    %dma_start3A_53 = tpu.memref_squeeze %dma_start3A_52 : memref<1x16x128xi32, #tpu.memory_space<vmem>> -> memref<16x128xi32, #tpu.memory_space<vmem>>
    %dma_start3A_54 = arith.constant 0 : i32
    %dma_start3A_55 = tpu.memref_slice %arg5[%dma_start3A_48, %dma_start3A_54] : memref<512x16xi32, #tpu.memory_space<vmem>> -> memref<1x16xi32, #tpu.memory_space<vmem>>
    %dma_start3A_56 = tpu.memref_squeeze %dma_start3A_55 : memref<1x16xi32, #tpu.memory_space<vmem>> -> memref<16xi32, #tpu.memory_space<vmem>>
    %dma_start3A_57 = arith.constant 0 : i32
    %dma_start3A_58 = arith.constant 0 : i32
    %dma_start3A_59 = tpu.memref_slice %arg3[%dma_start3A_57, %dma_start3A_58] : memref<8192x128xi32, #tpu.memory_space<hbm>> -> memref<8192x128xi32, #tpu.memory_space<hbm>>
    tpu.enqueue_indirect_dma source(%dma_start3A_59 : memref<8192x128xi32, #tpu.memory_space<hbm>>) target(%dma_start3A_53 : memref<16x128xi32, #tpu.memory_space<vmem>>) offsets(%dma_start3A_56 : memref<16xi32, #tpu.memory_space<vmem>>) semaphore(%arg7 : memref<!tpu.dma_semaphore, #tpu.memory_space<semaphore_mem>>)
    %dma_start3A_60 = arith.constant 5 : i32
    %dma_start3A_61 = arith.constant 0 : i32
    %dma_start3A_62 = arith.constant 80 : i32
    %dma_start3A_63 = arith.constant 0 : i32
    %dma_start3A_64 = tpu.memref_slice %arg6[%dma_start3A_61, %dma_start3A_62, %dma_start3A_63] : memref<2x128x128xi32, #tpu.memory_space<vmem>> -> memref<1x16x128xi32, #tpu.memory_space<vmem>>
    %dma_start3A_65 = tpu.memref_squeeze %dma_start3A_64 : memref<1x16x128xi32, #tpu.memory_space<vmem>> -> memref<16x128xi32, #tpu.memory_space<vmem>>
    %dma_start3A_66 = arith.constant 0 : i32
    %dma_start3A_67 = tpu.memref_slice %arg5[%dma_start3A_60, %dma_start3A_66] : memref<512x16xi32, #tpu.memory_space<vmem>> -> memref<1x16xi32, #tpu.memory_space<vmem>>
    %dma_start3A_68 = tpu.memref_squeeze %dma_start3A_67 : memref<1x16xi32, #tpu.memory_space<vmem>> -> memref<16xi32, #tpu.memory_space<vmem>>
    %dma_start3A_69 = arith.constant 0 : i32
    %dma_start3A_70 = arith.constant 0 : i32
    %dma_start3A_71 = tpu.memref_slice %arg3[%dma_start3A_69, %dma_start3A_70] : memref<8192x128xi32, #tpu.memory_space<hbm>> -> memref<8192x128xi32, #tpu.memory_space<hbm>>
    tpu.enqueue_indirect_dma source(%dma_start3A_71 : memref<8192x128xi32, #tpu.memory_space<hbm>>) target(%dma_start3A_65 : memref<16x128xi32, #tpu.memory_space<vmem>>) offsets(%dma_start3A_68 : memref<16xi32, #tpu.memory_space<vmem>>) semaphore(%arg7 : memref<!tpu.dma_semaphore, #tpu.memory_space<semaphore_mem>>)
    %dma_start3A_72 = arith.constant 6 : i32
    %dma_start3A_73 = arith.constant 0 : i32
    %dma_start3A_74 = arith.constant 96 : i32
    %dma_start3A_75 = arith.constant 0 : i32
    %dma_start3A_76 = tpu.memref_slice %arg6[%dma_start3A_73, %dma_start3A_74, %dma_start3A_75] : memref<2x128x128xi32, #tpu.memory_space<vmem>> -> memref<1x16x128xi32, #tpu.memory_space<vmem>>
    %dma_start3A_77 = tpu.memref_squeeze %dma_start3A_76 : memref<1x16x128xi32, #tpu.memory_space<vmem>> -> memref<16x128xi32, #tpu.memory_space<vmem>>
    %dma_start3A_78 = arith.constant 0 : i32
    %dma_start3A_79 = tpu.memref_slice %arg5[%dma_start3A_72, %dma_start3A_78] : memref<512x16xi32, #tpu.memory_space<vmem>> -> memref<1x16xi32, #tpu.memory_space<vmem>>
    %dma_start3A_80 = tpu.memref_squeeze %dma_start3A_79 : memref<1x16xi32, #tpu.memory_space<vmem>> -> memref<16xi32, #tpu.memory_space<vmem>>
    %dma_start3A_81 = arith.constant 0 : i32
    %dma_start3A_82 = arith.constant 0 : i32
    %dma_start3A_83 = tpu.memref_slice %arg3[%dma_start3A_81, %dma_start3A_82] : memref<8192x128xi32, #tpu.memory_space<hbm>> -> memref<8192x128xi32, #tpu.memory_space<hbm>>
    tpu.enqueue_indirect_dma source(%dma_start3A_83 : memref<8192x128xi32, #tpu.memory_space<hbm>>) target(%dma_start3A_77 : memref<16x128xi32, #tpu.memory_space<vmem>>) offsets(%dma_start3A_80 : memref<16xi32, #tpu.memory_space<vmem>>) semaphore(%arg7 : memref<!tpu.dma_semaphore, #tpu.memory_space<semaphore_mem>>)
    %dma_start3A_84 = arith.constant 7 : i32
    %dma_start3A_85 = arith.constant 0 : i32
    %dma_start3A_86 = arith.constant 112 : i32
    %dma_start3A_87 = arith.constant 0 : i32
    %dma_start3A_88 = tpu.memref_slice %arg6[%dma_start3A_85, %dma_start3A_86, %dma_start3A_87] : memref<2x128x128xi32, #tpu.memory_space<vmem>> -> memref<1x16x128xi32, #tpu.memory_space<vmem>>
    %dma_start3A_89 = tpu.memref_squeeze %dma_start3A_88 : memref<1x16x128xi32, #tpu.memory_space<vmem>> -> memref<16x128xi32, #tpu.memory_space<vmem>>
    %dma_start3A_90 = arith.constant 0 : i32
    %dma_start3A_91 = tpu.memref_slice %arg5[%dma_start3A_84, %dma_start3A_90] : memref<512x16xi32, #tpu.memory_space<vmem>> -> memref<1x16xi32, #tpu.memory_space<vmem>>
    %dma_start3A_92 = tpu.memref_squeeze %dma_start3A_91 : memref<1x16xi32, #tpu.memory_space<vmem>> -> memref<16xi32, #tpu.memory_space<vmem>>
    %dma_start3A_93 = arith.constant 0 : i32
    %dma_start3A_94 = arith.constant 0 : i32
    %dma_start3A_95 = tpu.memref_slice %arg3[%dma_start3A_93, %dma_start3A_94] : memref<8192x128xi32, #tpu.memory_space<hbm>> -> memref<8192x128xi32, #tpu.memory_space<hbm>>
    tpu.enqueue_indirect_dma source(%dma_start3A_95 : memref<8192x128xi32, #tpu.memory_space<hbm>>) target(%dma_start3A_89 : memref<16x128xi32, #tpu.memory_space<vmem>>) offsets(%dma_start3A_92 : memref<16xi32, #tpu.memory_space<vmem>>) semaphore(%arg7 : memref<!tpu.dma_semaphore, #tpu.memory_space<semaphore_mem>>)
    %scan3A = arith.constant 0 : i32
    %scan3A_96 = arith.constant 0 : i32
    %scan3A_97 = arith.constant 32 : i32
    %scan3A_98 = arith.addi %scan3A_96, %scan3A_97 : i32
    %scan3A_99 = arith.constant 1 : i32
    scf.for %scan3A_130 = %scan3A_96 to %scan3A_98 step %scan3A_99  : i32 {
      %mul3A_131 = arith.constant 2 : i32
      %mul3A_132 = arith.muli %scan3A_130, %mul3A_131 : i32
      %add3A_133 = arith.constant 0 : i32
      %add3A_134 = arith.addi %mul3A_132, %add3A_133 : i32
      %add3A_135 = arith.constant 1 : i32
      %add3A_136 = arith.addi %add3A_134, %add3A_135 : i32
      %min3A = arith.constant 63 : i32
      %min3A_137 = arith.minsi %add3A_136, %min3A : i32
      %gt3A = arith.constant 0 : i32
      %gt3A_138 = arith.cmpi sgt, %scan3A_130, %gt3A : i32
      %convert_element_type3A = arith.extui %gt3A_138 : i1 to i32
      %cond3A = arith.constant 0 : i32
      %cond3A_139 = arith.cmpi ne, %convert_element_type3A, %cond3A : i32
      scf.if %cond3A_139 {
        %dma_wait3A_474 = arith.constant 1 : i32
        %dma_wait3A_475 = arith.constant 0 : i32
        %dma_wait3A_476 = arith.constant 0 : i32
        %dma_wait3A_477 = tpu.memref_slice %arg6[%dma_wait3A_474, %dma_wait3A_475, %dma_wait3A_476] : memref<2x128x128xi32, #tpu.memory_space<vmem>> -> memref<1x16x128xi32, #tpu.memory_space<vmem>>
        %dma_wait3A_478 = tpu.memref_squeeze %dma_wait3A_477 : memref<1x16x128xi32, #tpu.memory_space<vmem>> -> memref<16x128xi32, #tpu.memory_space<vmem>>
        %dma_wait3A_479 = arith.constant 0 : i32
        %dma_wait3A_480 = arith.constant 0 : i32
        %dma_wait3A_481 = tpu.memref_slice %arg4[%dma_wait3A_479, %dma_wait3A_480] : memref<32768x128xi32, #tpu.memory_space<hbm>> -> memref<16x128xi32, #tpu.memory_space<hbm>>
        %dma_wait3A_482 = arith.constant 0 : i32
        %dma_wait3A_483 = arith.constant 0 : i32
        %dma_wait3A_484 = tpu.memref_slice %arg4[%dma_wait3A_482, %dma_wait3A_483] : memref<32768x128xi32, #tpu.memory_space<hbm>> -> memref<16x128xi32, #tpu.memory_space<hbm>>
        %dma_wait3A_485 = arith.constant 0 : i32
        %dma_wait3A_486 = arith.constant 0 : i32
        %dma_wait3A_487 = tpu.memref_slice %arg6[%dma_wait3A_474, %dma_wait3A_485, %dma_wait3A_486] : memref<2x128x128xi32, #tpu.memory_space<vmem>> -> memref<1x16x128xi32, #tpu.memory_space<vmem>>
        %dma_wait3A_488 = tpu.memref_squeeze %dma_wait3A_487 : memref<1x16x128xi32, #tpu.memory_space<vmem>> -> memref<16x128xi32, #tpu.memory_space<vmem>>
        tpu.wait_dma2 semaphore(%arg10 : memref<!tpu.dma_semaphore, #tpu.memory_space<semaphore_mem>>) src(%dma_wait3A_488 : memref<16x128xi32, #tpu.memory_space<vmem>>) dst(%dma_wait3A_484 : memref<16x128xi32, #tpu.memory_space<hbm>>)
      } else {
      }
      %mul3A_140 = arith.constant 8 : i32
      %mul3A_141 = arith.muli %min3A_137, %mul3A_140 : i32
      %add3A_142 = arith.constant 0 : i32
      %add3A_143 = arith.addi %mul3A_141, %add3A_142 : i32
      %dma_start3A_144 = arith.constant 1 : i32
      %dma_start3A_145 = arith.constant 0 : i32
      %dma_start3A_146 = arith.constant 0 : i32
      %dma_start3A_147 = tpu.memref_slice %arg6[%dma_start3A_144, %dma_start3A_145, %dma_start3A_146] : memref<2x128x128xi32, #tpu.memory_space<vmem>> -> memref<1x16x128xi32, #tpu.memory_space<vmem>>
      %dma_start3A_148 = tpu.memref_squeeze %dma_start3A_147 : memref<1x16x128xi32, #tpu.memory_space<vmem>> -> memref<16x128xi32, #tpu.memory_space<vmem>>
      %dma_start3A_149 = arith.constant 0 : i32
      %dma_start3A_150 = tpu.memref_slice %arg5[%add3A_143, %dma_start3A_149] : memref<512x16xi32, #tpu.memory_space<vmem>> -> memref<1x16xi32, #tpu.memory_space<vmem>>
      %dma_start3A_151 = tpu.memref_squeeze %dma_start3A_150 : memref<1x16xi32, #tpu.memory_space<vmem>> -> memref<16xi32, #tpu.memory_space<vmem>>
      %dma_start3A_152 = arith.constant 0 : i32
      %dma_start3A_153 = arith.constant 0 : i32
      %dma_start3A_154 = tpu.memref_slice %arg3[%dma_start3A_152, %dma_start3A_153] : memref<8192x128xi32, #tpu.memory_space<hbm>> -> memref<8192x128xi32, #tpu.memory_space<hbm>>
      tpu.enqueue_indirect_dma source(%dma_start3A_154 : memref<8192x128xi32, #tpu.memory_space<hbm>>) target(%dma_start3A_148 : memref<16x128xi32, #tpu.memory_space<vmem>>) offsets(%dma_start3A_151 : memref<16xi32, #tpu.memory_space<vmem>>) semaphore(%arg8 : memref<!tpu.dma_semaphore, #tpu.memory_space<semaphore_mem>>)
      %mul3A_155 = arith.constant 8 : i32
      %mul3A_156 = arith.muli %min3A_137, %mul3A_155 : i32
      %add3A_157 = arith.constant 1 : i32
      %add3A_158 = arith.addi %mul3A_156, %add3A_157 : i32
      %dma_start3A_159 = arith.constant 1 : i32
      %dma_start3A_160 = arith.constant 16 : i32
      %dma_start3A_161 = arith.constant 0 : i32
      %dma_start3A_162 = tpu.memref_slice %arg6[%dma_start3A_159, %dma_start3A_160, %dma_start3A_161] : memref<2x128x128xi32, #tpu.memory_space<vmem>> -> memref<1x16x128xi32, #tpu.memory_space<vmem>>
      %dma_start3A_163 = tpu.memref_squeeze %dma_start3A_162 : memref<1x16x128xi32, #tpu.memory_space<vmem>> -> memref<16x128xi32, #tpu.memory_space<vmem>>
      %dma_start3A_164 = arith.constant 0 : i32
      %dma_start3A_165 = tpu.memref_slice %arg5[%add3A_158, %dma_start3A_164] : memref<512x16xi32, #tpu.memory_space<vmem>> -> memref<1x16xi32, #tpu.memory_space<vmem>>
      %dma_start3A_166 = tpu.memref_squeeze %dma_start3A_165 : memref<1x16xi32, #tpu.memory_space<vmem>> -> memref<16xi32, #tpu.memory_space<vmem>>
      %dma_start3A_167 = arith.constant 0 : i32
      %dma_start3A_168 = arith.constant 0 : i32
      %dma_start3A_169 = tpu.memref_slice %arg3[%dma_start3A_167, %dma_start3A_168] : memref<8192x128xi32, #tpu.memory_space<hbm>> -> memref<8192x128xi32, #tpu.memory_space<hbm>>
      tpu.enqueue_indirect_dma source(%dma_start3A_169 : memref<8192x128xi32, #tpu.memory_space<hbm>>) target(%dma_start3A_163 : memref<16x128xi32, #tpu.memory_space<vmem>>) offsets(%dma_start3A_166 : memref<16xi32, #tpu.memory_space<vmem>>) semaphore(%arg8 : memref<!tpu.dma_semaphore, #tpu.memory_space<semaphore_mem>>)
      %mul3A_170 = arith.constant 8 : i32
      %mul3A_171 = arith.muli %min3A_137, %mul3A_170 : i32
      %add3A_172 = arith.constant 2 : i32
      %add3A_173 = arith.addi %mul3A_171, %add3A_172 : i32
      %dma_start3A_174 = arith.constant 1 : i32
      %dma_start3A_175 = arith.constant 32 : i32
      %dma_start3A_176 = arith.constant 0 : i32
      %dma_start3A_177 = tpu.memref_slice %arg6[%dma_start3A_174, %dma_start3A_175, %dma_start3A_176] : memref<2x128x128xi32, #tpu.memory_space<vmem>> -> memref<1x16x128xi32, #tpu.memory_space<vmem>>
      %dma_start3A_178 = tpu.memref_squeeze %dma_start3A_177 : memref<1x16x128xi32, #tpu.memory_space<vmem>> -> memref<16x128xi32, #tpu.memory_space<vmem>>
      %dma_start3A_179 = arith.constant 0 : i32
      %dma_start3A_180 = tpu.memref_slice %arg5[%add3A_173, %dma_start3A_179] : memref<512x16xi32, #tpu.memory_space<vmem>> -> memref<1x16xi32, #tpu.memory_space<vmem>>
      %dma_start3A_181 = tpu.memref_squeeze %dma_start3A_180 : memref<1x16xi32, #tpu.memory_space<vmem>> -> memref<16xi32, #tpu.memory_space<vmem>>
      %dma_start3A_182 = arith.constant 0 : i32
      %dma_start3A_183 = arith.constant 0 : i32
      %dma_start3A_184 = tpu.memref_slice %arg3[%dma_start3A_182, %dma_start3A_183] : memref<8192x128xi32, #tpu.memory_space<hbm>> -> memref<8192x128xi32, #tpu.memory_space<hbm>>
      tpu.enqueue_indirect_dma source(%dma_start3A_184 : memref<8192x128xi32, #tpu.memory_space<hbm>>) target(%dma_start3A_178 : memref<16x128xi32, #tpu.memory_space<vmem>>) offsets(%dma_start3A_181 : memref<16xi32, #tpu.memory_space<vmem>>) semaphore(%arg8 : memref<!tpu.dma_semaphore, #tpu.memory_space<semaphore_mem>>)
      %mul3A_185 = arith.constant 8 : i32
      %mul3A_186 = arith.muli %min3A_137, %mul3A_185 : i32
      %add3A_187 = arith.constant 3 : i32
      %add3A_188 = arith.addi %mul3A_186, %add3A_187 : i32
      %dma_start3A_189 = arith.constant 1 : i32
      %dma_start3A_190 = arith.constant 48 : i32
      %dma_start3A_191 = arith.constant 0 : i32
      %dma_start3A_192 = tpu.memref_slice %arg6[%dma_start3A_189, %dma_start3A_190, %dma_start3A_191] : memref<2x128x128xi32, #tpu.memory_space<vmem>> -> memref<1x16x128xi32, #tpu.memory_space<vmem>>
      %dma_start3A_193 = tpu.memref_squeeze %dma_start3A_192 : memref<1x16x128xi32, #tpu.memory_space<vmem>> -> memref<16x128xi32, #tpu.memory_space<vmem>>
      %dma_start3A_194 = arith.constant 0 : i32
      %dma_start3A_195 = tpu.memref_slice %arg5[%add3A_188, %dma_start3A_194] : memref<512x16xi32, #tpu.memory_space<vmem>> -> memref<1x16xi32, #tpu.memory_space<vmem>>
      %dma_start3A_196 = tpu.memref_squeeze %dma_start3A_195 : memref<1x16xi32, #tpu.memory_space<vmem>> -> memref<16xi32, #tpu.memory_space<vmem>>
      %dma_start3A_197 = arith.constant 0 : i32
      %dma_start3A_198 = arith.constant 0 : i32
      %dma_start3A_199 = tpu.memref_slice %arg3[%dma_start3A_197, %dma_start3A_198] : memref<8192x128xi32, #tpu.memory_space<hbm>> -> memref<8192x128xi32, #tpu.memory_space<hbm>>
      tpu.enqueue_indirect_dma source(%dma_start3A_199 : memref<8192x128xi32, #tpu.memory_space<hbm>>) target(%dma_start3A_193 : memref<16x128xi32, #tpu.memory_space<vmem>>) offsets(%dma_start3A_196 : memref<16xi32, #tpu.memory_space<vmem>>) semaphore(%arg8 : memref<!tpu.dma_semaphore, #tpu.memory_space<semaphore_mem>>)
      %mul3A_200 = arith.constant 8 : i32
      %mul3A_201 = arith.muli %min3A_137, %mul3A_200 : i32
      %add3A_202 = arith.constant 4 : i32
      %add3A_203 = arith.addi %mul3A_201, %add3A_202 : i32
      %dma_start3A_204 = arith.constant 1 : i32
      %dma_start3A_205 = arith.constant 64 : i32
      %dma_start3A_206 = arith.constant 0 : i32
      %dma_start3A_207 = tpu.memref_slice %arg6[%dma_start3A_204, %dma_start3A_205, %dma_start3A_206] : memref<2x128x128xi32, #tpu.memory_space<vmem>> -> memref<1x16x128xi32, #tpu.memory_space<vmem>>
      %dma_start3A_208 = tpu.memref_squeeze %dma_start3A_207 : memref<1x16x128xi32, #tpu.memory_space<vmem>> -> memref<16x128xi32, #tpu.memory_space<vmem>>
      %dma_start3A_209 = arith.constant 0 : i32
      %dma_start3A_210 = tpu.memref_slice %arg5[%add3A_203, %dma_start3A_209] : memref<512x16xi32, #tpu.memory_space<vmem>> -> memref<1x16xi32, #tpu.memory_space<vmem>>
      %dma_start3A_211 = tpu.memref_squeeze %dma_start3A_210 : memref<1x16xi32, #tpu.memory_space<vmem>> -> memref<16xi32, #tpu.memory_space<vmem>>
      %dma_start3A_212 = arith.constant 0 : i32
      %dma_start3A_213 = arith.constant 0 : i32
      %dma_start3A_214 = tpu.memref_slice %arg3[%dma_start3A_212, %dma_start3A_213] : memref<8192x128xi32, #tpu.memory_space<hbm>> -> memref<8192x128xi32, #tpu.memory_space<hbm>>
      tpu.enqueue_indirect_dma source(%dma_start3A_214 : memref<8192x128xi32, #tpu.memory_space<hbm>>) target(%dma_start3A_208 : memref<16x128xi32, #tpu.memory_space<vmem>>) offsets(%dma_start3A_211 : memref<16xi32, #tpu.memory_space<vmem>>) semaphore(%arg8 : memref<!tpu.dma_semaphore, #tpu.memory_space<semaphore_mem>>)
      %mul3A_215 = arith.constant 8 : i32
      %mul3A_216 = arith.muli %min3A_137, %mul3A_215 : i32
      %add3A_217 = arith.constant 5 : i32
      %add3A_218 = arith.addi %mul3A_216, %add3A_217 : i32
      %dma_start3A_219 = arith.constant 1 : i32
      %dma_start3A_220 = arith.constant 80 : i32
      %dma_start3A_221 = arith.constant 0 : i32
      %dma_start3A_222 = tpu.memref_slice %arg6[%dma_start3A_219, %dma_start3A_220, %dma_start3A_221] : memref<2x128x128xi32, #tpu.memory_space<vmem>> -> memref<1x16x128xi32, #tpu.memory_space<vmem>>
      %dma_start3A_223 = tpu.memref_squeeze %dma_start3A_222 : memref<1x16x128xi32, #tpu.memory_space<vmem>> -> memref<16x128xi32, #tpu.memory_space<vmem>>
      %dma_start3A_224 = arith.constant 0 : i32
      %dma_start3A_225 = tpu.memref_slice %arg5[%add3A_218, %dma_start3A_224] : memref<512x16xi32, #tpu.memory_space<vmem>> -> memref<1x16xi32, #tpu.memory_space<vmem>>
      %dma_start3A_226 = tpu.memref_squeeze %dma_start3A_225 : memref<1x16xi32, #tpu.memory_space<vmem>> -> memref<16xi32, #tpu.memory_space<vmem>>
      %dma_start3A_227 = arith.constant 0 : i32
      %dma_start3A_228 = arith.constant 0 : i32
      %dma_start3A_229 = tpu.memref_slice %arg3[%dma_start3A_227, %dma_start3A_228] : memref<8192x128xi32, #tpu.memory_space<hbm>> -> memref<8192x128xi32, #tpu.memory_space<hbm>>
      tpu.enqueue_indirect_dma source(%dma_start3A_229 : memref<8192x128xi32, #tpu.memory_space<hbm>>) target(%dma_start3A_223 : memref<16x128xi32, #tpu.memory_space<vmem>>) offsets(%dma_start3A_226 : memref<16xi32, #tpu.memory_space<vmem>>) semaphore(%arg8 : memref<!tpu.dma_semaphore, #tpu.memory_space<semaphore_mem>>)
      %mul3A_230 = arith.constant 8 : i32
      %mul3A_231 = arith.muli %min3A_137, %mul3A_230 : i32
      %add3A_232 = arith.constant 6 : i32
      %add3A_233 = arith.addi %mul3A_231, %add3A_232 : i32
      %dma_start3A_234 = arith.constant 1 : i32
      %dma_start3A_235 = arith.constant 96 : i32
      %dma_start3A_236 = arith.constant 0 : i32
      %dma_start3A_237 = tpu.memref_slice %arg6[%dma_start3A_234, %dma_start3A_235, %dma_start3A_236] : memref<2x128x128xi32, #tpu.memory_space<vmem>> -> memref<1x16x128xi32, #tpu.memory_space<vmem>>
      %dma_start3A_238 = tpu.memref_squeeze %dma_start3A_237 : memref<1x16x128xi32, #tpu.memory_space<vmem>> -> memref<16x128xi32, #tpu.memory_space<vmem>>
      %dma_start3A_239 = arith.constant 0 : i32
      %dma_start3A_240 = tpu.memref_slice %arg5[%add3A_233, %dma_start3A_239] : memref<512x16xi32, #tpu.memory_space<vmem>> -> memref<1x16xi32, #tpu.memory_space<vmem>>
      %dma_start3A_241 = tpu.memref_squeeze %dma_start3A_240 : memref<1x16xi32, #tpu.memory_space<vmem>> -> memref<16xi32, #tpu.memory_space<vmem>>
      %dma_start3A_242 = arith.constant 0 : i32
      %dma_start3A_243 = arith.constant 0 : i32
      %dma_start3A_244 = tpu.memref_slice %arg3[%dma_start3A_242, %dma_start3A_243] : memref<8192x128xi32, #tpu.memory_space<hbm>> -> memref<8192x128xi32, #tpu.memory_space<hbm>>
      tpu.enqueue_indirect_dma source(%dma_start3A_244 : memref<8192x128xi32, #tpu.memory_space<hbm>>) target(%dma_start3A_238 : memref<16x128xi32, #tpu.memory_space<vmem>>) offsets(%dma_start3A_241 : memref<16xi32, #tpu.memory_space<vmem>>) semaphore(%arg8 : memref<!tpu.dma_semaphore, #tpu.memory_space<semaphore_mem>>)
      %mul3A_245 = arith.constant 8 : i32
      %mul3A_246 = arith.muli %min3A_137, %mul3A_245 : i32
      %add3A_247 = arith.constant 7 : i32
      %add3A_248 = arith.addi %mul3A_246, %add3A_247 : i32
      %dma_start3A_249 = arith.constant 1 : i32
      %dma_start3A_250 = arith.constant 112 : i32
      %dma_start3A_251 = arith.constant 0 : i32
      %dma_start3A_252 = tpu.memref_slice %arg6[%dma_start3A_249, %dma_start3A_250, %dma_start3A_251] : memref<2x128x128xi32, #tpu.memory_space<vmem>> -> memref<1x16x128xi32, #tpu.memory_space<vmem>>
      %dma_start3A_253 = tpu.memref_squeeze %dma_start3A_252 : memref<1x16x128xi32, #tpu.memory_space<vmem>> -> memref<16x128xi32, #tpu.memory_space<vmem>>
      %dma_start3A_254 = arith.constant 0 : i32
      %dma_start3A_255 = tpu.memref_slice %arg5[%add3A_248, %dma_start3A_254] : memref<512x16xi32, #tpu.memory_space<vmem>> -> memref<1x16xi32, #tpu.memory_space<vmem>>
      %dma_start3A_256 = tpu.memref_squeeze %dma_start3A_255 : memref<1x16xi32, #tpu.memory_space<vmem>> -> memref<16xi32, #tpu.memory_space<vmem>>
      %dma_start3A_257 = arith.constant 0 : i32
      %dma_start3A_258 = arith.constant 0 : i32
      %dma_start3A_259 = tpu.memref_slice %arg3[%dma_start3A_257, %dma_start3A_258] : memref<8192x128xi32, #tpu.memory_space<hbm>> -> memref<8192x128xi32, #tpu.memory_space<hbm>>
      tpu.enqueue_indirect_dma source(%dma_start3A_259 : memref<8192x128xi32, #tpu.memory_space<hbm>>) target(%dma_start3A_253 : memref<16x128xi32, #tpu.memory_space<vmem>>) offsets(%dma_start3A_256 : memref<16xi32, #tpu.memory_space<vmem>>) semaphore(%arg8 : memref<!tpu.dma_semaphore, #tpu.memory_space<semaphore_mem>>)
      %dma_wait3A_260 = arith.constant 0 : i32
      %dma_wait3A_261 = arith.constant 0 : i32
      %dma_wait3A_262 = arith.constant 0 : i32
      %dma_wait3A_263 = tpu.memref_slice %arg6[%dma_wait3A_260, %dma_wait3A_261, %dma_wait3A_262] : memref<2x128x128xi32, #tpu.memory_space<vmem>> -> memref<1x128x128xi32, #tpu.memory_space<vmem>>
      %dma_wait3A_264 = tpu.memref_squeeze %dma_wait3A_263 : memref<1x128x128xi32, #tpu.memory_space<vmem>> -> memref<128x128xi32, #tpu.memory_space<vmem>>
      %dma_wait3A_265 = arith.constant 0 : i32
      %dma_wait3A_266 = arith.constant 0 : i32
      %dma_wait3A_267 = tpu.memref_slice %arg3[%dma_wait3A_265, %dma_wait3A_266] : memref<8192x128xi32, #tpu.memory_space<hbm>> -> memref<128x128xi32, #tpu.memory_space<hbm>>
      %dma_wait3A_268 = arith.constant 0 : i32
      %dma_wait3A_269 = arith.constant 0 : i32
      %dma_wait3A_270 = tpu.memref_slice %arg6[%dma_wait3A_260, %dma_wait3A_268, %dma_wait3A_269] : memref<2x128x128xi32, #tpu.memory_space<vmem>> -> memref<1x128x128xi32, #tpu.memory_space<vmem>>
      %dma_wait3A_271 = tpu.memref_squeeze %dma_wait3A_270 : memref<1x128x128xi32, #tpu.memory_space<vmem>> -> memref<128x128xi32, #tpu.memory_space<vmem>>
      %dma_wait3A_272 = arith.constant 0 : i32
      %dma_wait3A_273 = arith.constant 0 : i32
      %dma_wait3A_274 = tpu.memref_slice %arg3[%dma_wait3A_272, %dma_wait3A_273] : memref<8192x128xi32, #tpu.memory_space<hbm>> -> memref<128x128xi32, #tpu.memory_space<hbm>>
      tpu.wait_dma2 semaphore(%arg7 : memref<!tpu.dma_semaphore, #tpu.memory_space<semaphore_mem>>) src(%dma_wait3A_274 : memref<128x128xi32, #tpu.memory_space<hbm>>) dst(%dma_wait3A_271 : memref<128x128xi32, #tpu.memory_space<vmem>>)
      %parallel_loop3A = arith.constant 0 : i32
      %parallel_loop3A_275 = arith.constant 16 : i32
      %parallel_loop3A_276 = arith.constant 1 : i32
      scf.for %parallel_loop3A_474 = %parallel_loop3A to %parallel_loop3A_275 step %parallel_loop3A_276  : i32 {
        %parallel_loop3A_475 = arith.constant 0 : i32
        %parallel_loop3A_476 = arith.addi %parallel_loop3A_475, %parallel_loop3A_474 : i32
        %parallel_loop3A_477 = arith.constant 0 : i32
        %parallel_loop3A_478 = arith.index_cast %parallel_loop3A_477 : i32 to index
        %parallel_loop3A_479 = arith.index_cast %parallel_loop3A_476 : i32 to index
        %parallel_loop3A_480 = arith.constant 0 : index
        %parallel_loop3A_481 = tpu.vector_load %arg6[%parallel_loop3A_478, %parallel_loop3A_479, %parallel_loop3A_480] {strides = array<i32>} : memref<2x128x128xi32, #tpu.memory_space<vmem>>, vector<16xi32>,
        %parallel_loop3A_482 = vector.bitcast %parallel_loop3A_481 : vector<16xi32> to vector<32xbf16>
        %parallel_loop3A_483 = arith.constant 16 : i32
        %parallel_loop3A_484 = arith.addi %parallel_loop3A_483, %parallel_loop3A_474 : i32
        %parallel_loop3A_485 = arith.constant 0 : i32
        %parallel_loop3A_486 = arith.index_cast %parallel_loop3A_485 : i32 to index
        %parallel_loop3A_487 = arith.index_cast %parallel_loop3A_484 : i32 to index
        %parallel_loop3A_488 = arith.constant 0 : index
        %parallel_loop3A_489 = tpu.vector_load %arg6[%parallel_loop3A_486, %parallel_loop3A_487, %parallel_loop3A_488] {strides = array<i32>} : memref<2x128x128xi32, #tpu.memory_space<vmem>>, vector<16xi32>,
        %parallel_loop3A_490 = vector.bitcast %parallel_loop3A_489 : vector<16xi32> to vector<32xbf16>
        %parallel_loop3A_491 = arith.addf %parallel_loop3A_482, %parallel_loop3A_490 : vector<32xbf16>
        %parallel_loop3A_492 = arith.constant 32 : i32
        %parallel_loop3A_493 = arith.addi %parallel_loop3A_492, %parallel_loop3A_474 : i32
        %parallel_loop3A_494 = arith.constant 0 : i32
        %parallel_loop3A_495 = arith.index_cast %parallel_loop3A_494 : i32 to index
        %parallel_loop3A_496 = arith.index_cast %parallel_loop3A_493 : i32 to index
        %parallel_loop3A_497 = arith.constant 0 : index
        %parallel_loop3A_498 = tpu.vector_load %arg6[%parallel_loop3A_495, %parallel_loop3A_496, %parallel_loop3A_497] {strides = array<i32>} : memref<2x128x128xi32, #tpu.memory_space<vmem>>, vector<16xi32>,
        %parallel_loop3A_499 = vector.bitcast %parallel_loop3A_498 : vector<16xi32> to vector<32xbf16>
        %parallel_loop3A_500 = arith.constant 48 : i32
        %parallel_loop3A_501 = arith.addi %parallel_loop3A_500, %parallel_loop3A_474 : i32
        %parallel_loop3A_502 = arith.constant 0 : i32
        %parallel_loop3A_503 = arith.index_cast %parallel_loop3A_502 : i32 to index
        %parallel_loop3A_504 = arith.index_cast %parallel_loop3A_501 : i32 to index
        %parallel_loop3A_505 = arith.constant 0 : index
        %parallel_loop3A_506 = tpu.vector_load %arg6[%parallel_loop3A_503, %parallel_loop3A_504, %parallel_loop3A_505] {strides = array<i32>} : memref<2x128x128xi32, #tpu.memory_space<vmem>>, vector<16xi32>,
        %parallel_loop3A_507 = vector.bitcast %parallel_loop3A_506 : vector<16xi32> to vector<32xbf16>
        %parallel_loop3A_508 = arith.addf %parallel_loop3A_499, %parallel_loop3A_507 : vector<32xbf16>
        %parallel_loop3A_509 = arith.constant 64 : i32
        %parallel_loop3A_510 = arith.addi %parallel_loop3A_509, %parallel_loop3A_474 : i32
        %parallel_loop3A_511 = arith.constant 0 : i32
        %parallel_loop3A_512 = arith.index_cast %parallel_loop3A_511 : i32 to index
        %parallel_loop3A_513 = arith.index_cast %parallel_loop3A_510 : i32 to index
        %parallel_loop3A_514 = arith.constant 0 : index
        %parallel_loop3A_515 = tpu.vector_load %arg6[%parallel_loop3A_512, %parallel_loop3A_513, %parallel_loop3A_514] {strides = array<i32>} : memref<2x128x128xi32, #tpu.memory_space<vmem>>, vector<16xi32>,
        %parallel_loop3A_516 = vector.bitcast %parallel_loop3A_515 : vector<16xi32> to vector<32xbf16>
        %parallel_loop3A_517 = arith.constant 80 : i32
        %parallel_loop3A_518 = arith.addi %parallel_loop3A_517, %parallel_loop3A_474 : i32
        %parallel_loop3A_519 = arith.constant 0 : i32
        %parallel_loop3A_520 = arith.index_cast %parallel_loop3A_519 : i32 to index
        %parallel_loop3A_521 = arith.index_cast %parallel_loop3A_518 : i32 to index
        %parallel_loop3A_522 = arith.constant 0 : index
        %parallel_loop3A_523 = tpu.vector_load %arg6[%parallel_loop3A_520, %parallel_loop3A_521, %parallel_loop3A_522] {strides = array<i32>} : memref<2x128x128xi32, #tpu.memory_space<vmem>>, vector<16xi32>,
        %parallel_loop3A_524 = vector.bitcast %parallel_loop3A_523 : vector<16xi32> to vector<32xbf16>
        %parallel_loop3A_525 = arith.addf %parallel_loop3A_516, %parallel_loop3A_524 : vector<32xbf16>
        %parallel_loop3A_526 = arith.constant 96 : i32
        %parallel_loop3A_527 = arith.addi %parallel_loop3A_526, %parallel_loop3A_474 : i32
        %parallel_loop3A_528 = arith.constant 0 : i32
        %parallel_loop3A_529 = arith.index_cast %parallel_loop3A_528 : i32 to index
        %parallel_loop3A_530 = arith.index_cast %parallel_loop3A_527 : i32 to index
        %parallel_loop3A_531 = arith.constant 0 : index
        %parallel_loop3A_532 = tpu.vector_load %arg6[%parallel_loop3A_529, %parallel_loop3A_530, %parallel_loop3A_531] {strides = array<i32>} : memref<2x128x128xi32, #tpu.memory_space<vmem>>, vector<16xi32>,
        %parallel_loop3A_533 = vector.bitcast %parallel_loop3A_532 : vector<16xi32> to vector<32xbf16>
        %parallel_loop3A_534 = arith.constant 112 : i32
        %parallel_loop3A_535 = arith.addi %parallel_loop3A_534, %parallel_loop3A_474 : i32
        %parallel_loop3A_536 = arith.constant 0 : i32
        %parallel_loop3A_537 = arith.index_cast %parallel_loop3A_536 : i32 to index
        %parallel_loop3A_538 = arith.index_cast %parallel_loop3A_535 : i32 to index
        %parallel_loop3A_539 = arith.constant 0 : index
        %parallel_loop3A_540 = tpu.vector_load %arg6[%parallel_loop3A_537, %parallel_loop3A_538, %parallel_loop3A_539] {strides = array<i32>} : memref<2x128x128xi32, #tpu.memory_space<vmem>>, vector<16xi32>,
        %parallel_loop3A_541 = vector.bitcast %parallel_loop3A_540 : vector<16xi32> to vector<32xbf16>
        %parallel_loop3A_542 = arith.addf %parallel_loop3A_533, %parallel_loop3A_541 : vector<32xbf16>
        %parallel_loop3A_543 = arith.addf %parallel_loop3A_491, %parallel_loop3A_508 : vector<32xbf16>
        %parallel_loop3A_544 = arith.addf %parallel_loop3A_525, %parallel_loop3A_542 : vector<32xbf16>
        %parallel_loop3A_545 = arith.addf %parallel_loop3A_543, %parallel_loop3A_544 : vector<32xbf16>
        %parallel_loop3A_546 = vector.bitcast %parallel_loop3A_545 : vector<32xbf16> to vector<16xi32>
        %parallel_loop3A_547 = arith.constant 0 : i32
        %parallel_loop3A_548 = arith.index_cast %parallel_loop3A_547 : i32 to index
        %parallel_loop3A_549 = arith.index_cast %parallel_loop3A_474 : i32 to index
        %parallel_loop3A_550 = arith.constant 0 : index
        %parallel_loop3A_551 = tpu.vector_load %arg6[%parallel_loop3A_548, %parallel_loop3A_549, %parallel_loop3A_550] {strides = array<i32>} : memref<2x128x128xi32, #tpu.memory_space<vmem>>, vector<16xi32>,
        tpu.vector_store %arg6[%parallel_loop3A_548, %parallel_loop3A_549, %parallel_loop3A_550], %parallel_loop3A_546 {strides = array<i32>} : memref<2x128x128xi32, #tpu.memory_space<vmem>>, vector<16xi32>,
        %parallel_loop3A_552 = arith.constant 0 : i32
        %parallel_loop3A_553 = arith.addi %parallel_loop3A_552, %parallel_loop3A_474 : i32
        %parallel_loop3A_554 = arith.constant 0 : i32
        %parallel_loop3A_555 = arith.index_cast %parallel_loop3A_554 : i32 to index
        %parallel_loop3A_556 = arith.index_cast %parallel_loop3A_553 : i32 to index
        %parallel_loop3A_557 = arith.constant 16 : index
        %parallel_loop3A_558 = tpu.vector_load %arg6[%parallel_loop3A_555, %parallel_loop3A_556, %parallel_loop3A_557] {strides = array<i32>} : memref<2x128x128xi32, #tpu.memory_space<vmem>>, vector<16xi32>,
        %parallel_loop3A_559 = vector.bitcast %parallel_loop3A_558 : vector<16xi32> to vector<32xbf16>
        %parallel_loop3A_560 = arith.constant 16 : i32
        %parallel_loop3A_561 = arith.addi %parallel_loop3A_560, %parallel_loop3A_474 : i32
        %parallel_loop3A_562 = arith.constant 0 : i32
        %parallel_loop3A_563 = arith.index_cast %parallel_loop3A_562 : i32 to index
        %parallel_loop3A_564 = arith.index_cast %parallel_loop3A_561 : i32 to index
        %parallel_loop3A_565 = arith.constant 16 : index
        %parallel_loop3A_566 = tpu.vector_load %arg6[%parallel_loop3A_563, %parallel_loop3A_564, %parallel_loop3A_565] {strides = array<i32>} : memref<2x128x128xi32, #tpu.memory_space<vmem>>, vector<16xi32>,
        %parallel_loop3A_567 = vector.bitcast %parallel_loop3A_566 : vector<16xi32> to vector<32xbf16>
        %parallel_loop3A_568 = arith.addf %parallel_loop3A_559, %parallel_loop3A_567 : vector<32xbf16>
        %parallel_loop3A_569 = arith.constant 32 : i32
        %parallel_loop3A_570 = arith.addi %parallel_loop3A_569, %parallel_loop3A_474 : i32
        %parallel_loop3A_571 = arith.constant 0 : i32
        %parallel_loop3A_572 = arith.index_cast %parallel_loop3A_571 : i32 to index
        %parallel_loop3A_573 = arith.index_cast %parallel_loop3A_570 : i32 to index
        %parallel_loop3A_574 = arith.constant 16 : index
        %parallel_loop3A_575 = tpu.vector_load %arg6[%parallel_loop3A_572, %parallel_loop3A_573, %parallel_loop3A_574] {strides = array<i32>} : memref<2x128x128xi32, #tpu.memory_space<vmem>>, vector<16xi32>,
        %parallel_loop3A_576 = vector.bitcast %parallel_loop3A_575 : vector<16xi32> to vector<32xbf16>
        %parallel_loop3A_577 = arith.constant 48 : i32
        %parallel_loop3A_578 = arith.addi %parallel_loop3A_577, %parallel_loop3A_474 : i32
        %parallel_loop3A_579 = arith.constant 0 : i32
        %parallel_loop3A_580 = arith.index_cast %parallel_loop3A_579 : i32 to index
        %parallel_loop3A_581 = arith.index_cast %parallel_loop3A_578 : i32 to index
        %parallel_loop3A_582 = arith.constant 16 : index
        %parallel_loop3A_583 = tpu.vector_load %arg6[%parallel_loop3A_580, %parallel_loop3A_581, %parallel_loop3A_582] {strides = array<i32>} : memref<2x128x128xi32, #tpu.memory_space<vmem>>, vector<16xi32>,
        %parallel_loop3A_584 = vector.bitcast %parallel_loop3A_583 : vector<16xi32> to vector<32xbf16>
        %parallel_loop3A_585 = arith.addf %parallel_loop3A_576, %parallel_loop3A_584 : vector<32xbf16>
        %parallel_loop3A_586 = arith.constant 64 : i32
        %parallel_loop3A_587 = arith.addi %parallel_loop3A_586, %parallel_loop3A_474 : i32
        %parallel_loop3A_588 = arith.constant 0 : i32
        %parallel_loop3A_589 = arith.index_cast %parallel_loop3A_588 : i32 to index
        %parallel_loop3A_590 = arith.index_cast %parallel_loop3A_587 : i32 to index
        %parallel_loop3A_591 = arith.constant 16 : index
        %parallel_loop3A_592 = tpu.vector_load %arg6[%parallel_loop3A_589, %parallel_loop3A_590, %parallel_loop3A_591] {strides = array<i32>} : memref<2x128x128xi32, #tpu.memory_space<vmem>>, vector<16xi32>,
        %parallel_loop3A_593 = vector.bitcast %parallel_loop3A_592 : vector<16xi32> to vector<32xbf16>
        %parallel_loop3A_594 = arith.constant 80 : i32
        %parallel_loop3A_595 = arith.addi %parallel_loop3A_594, %parallel_loop3A_474 : i32
        %parallel_loop3A_596 = arith.constant 0 : i32
        %parallel_loop3A_597 = arith.index_cast %parallel_loop3A_596 : i32 to index
        %parallel_loop3A_598 = arith.index_cast %parallel_loop3A_595 : i32 to index
        %parallel_loop3A_599 = arith.constant 16 : index
        %parallel_loop3A_600 = tpu.vector_load %arg6[%parallel_loop3A_597, %parallel_loop3A_598, %parallel_loop3A_599] {strides = array<i32>} : memref<2x128x128xi32, #tpu.memory_space<vmem>>, vector<16xi32>,
        %parallel_loop3A_601 = vector.bitcast %parallel_loop3A_600 : vector<16xi32> to vector<32xbf16>
        %parallel_loop3A_602 = arith.addf %parallel_loop3A_593, %parallel_loop3A_601 : vector<32xbf16>
        %parallel_loop3A_603 = arith.constant 96 : i32
        %parallel_loop3A_604 = arith.addi %parallel_loop3A_603, %parallel_loop3A_474 : i32
        %parallel_loop3A_605 = arith.constant 0 : i32
        %parallel_loop3A_606 = arith.index_cast %parallel_loop3A_605 : i32 to index
        %parallel_loop3A_607 = arith.index_cast %parallel_loop3A_604 : i32 to index
        %parallel_loop3A_608 = arith.constant 16 : index
        %parallel_loop3A_609 = tpu.vector_load %arg6[%parallel_loop3A_606, %parallel_loop3A_607, %parallel_loop3A_608] {strides = array<i32>} : memref<2x128x128xi32, #tpu.memory_space<vmem>>, vector<16xi32>,
        %parallel_loop3A_610 = vector.bitcast %parallel_loop3A_609 : vector<16xi32> to vector<32xbf16>
        %parallel_loop3A_611 = arith.constant 112 : i32
        %parallel_loop3A_612 = arith.addi %parallel_loop3A_611, %parallel_loop3A_474 : i32
        %parallel_loop3A_613 = arith.constant 0 : i32
        %parallel_loop3A_614 = arith.index_cast %parallel_loop3A_613 : i32 to index
        %parallel_loop3A_615 = arith.index_cast %parallel_loop3A_612 : i32 to index
        %parallel_loop3A_616 = arith.constant 16 : index
        %parallel_loop3A_617 = tpu.vector_load %arg6[%parallel_loop3A_614, %parallel_loop3A_615, %parallel_loop3A_616] {strides = array<i32>} : memref<2x128x128xi32, #tpu.memory_space<vmem>>, vector<16xi32>,
        %parallel_loop3A_618 = vector.bitcast %parallel_loop3A_617 : vector<16xi32> to vector<32xbf16>
        %parallel_loop3A_619 = arith.addf %parallel_loop3A_610, %parallel_loop3A_618 : vector<32xbf16>
        %parallel_loop3A_620 = arith.addf %parallel_loop3A_568, %parallel_loop3A_585 : vector<32xbf16>
        %parallel_loop3A_621 = arith.addf %parallel_loop3A_602, %parallel_loop3A_619 : vector<32xbf16>
        %parallel_loop3A_622 = arith.addf %parallel_loop3A_620, %parallel_loop3A_621 : vector<32xbf16>
        %parallel_loop3A_623 = vector.bitcast %parallel_loop3A_622 : vector<32xbf16> to vector<16xi32>
        %parallel_loop3A_624 = arith.constant 0 : i32
        %parallel_loop3A_625 = arith.index_cast %parallel_loop3A_624 : i32 to index
        %parallel_loop3A_626 = arith.index_cast %parallel_loop3A_474 : i32 to index
        %parallel_loop3A_627 = arith.constant 16 : index
        %parallel_loop3A_628 = tpu.vector_load %arg6[%parallel_loop3A_625, %parallel_loop3A_626, %parallel_loop3A_627] {strides = array<i32>} : memref<2x128x128xi32, #tpu.memory_space<vmem>>, vector<16xi32>,
        tpu.vector_store %arg6[%parallel_loop3A_625, %parallel_loop3A_626, %parallel_loop3A_627], %parallel_loop3A_623 {strides = array<i32>} : memref<2x128x128xi32, #tpu.memory_space<vmem>>, vector<16xi32>,
        %parallel_loop3A_629 = arith.constant 0 : i32
        %parallel_loop3A_630 = arith.addi %parallel_loop3A_629, %parallel_loop3A_474 : i32
        %parallel_loop3A_631 = arith.constant 0 : i32
        %parallel_loop3A_632 = arith.index_cast %parallel_loop3A_631 : i32 to index
        %parallel_loop3A_633 = arith.index_cast %parallel_loop3A_630 : i32 to index
        %parallel_loop3A_634 = arith.constant 32 : index
        %parallel_loop3A_635 = tpu.vector_load %arg6[%parallel_loop3A_632, %parallel_loop3A_633, %parallel_loop3A_634] {strides = array<i32>} : memref<2x128x128xi32, #tpu.memory_space<vmem>>, vector<16xi32>,
        %parallel_loop3A_636 = vector.bitcast %parallel_loop3A_635 : vector<16xi32> to vector<32xbf16>
        %parallel_loop3A_637 = arith.constant 16 : i32
        %parallel_loop3A_638 = arith.addi %parallel_loop3A_637, %parallel_loop3A_474 : i32
        %parallel_loop3A_639 = arith.constant 0 : i32
        %parallel_loop3A_640 = arith.index_cast %parallel_loop3A_639 : i32 to index
        %parallel_loop3A_641 = arith.index_cast %parallel_loop3A_638 : i32 to index
        %parallel_loop3A_642 = arith.constant 32 : index
        %parallel_loop3A_643 = tpu.vector_load %arg6[%parallel_loop3A_640, %parallel_loop3A_641, %parallel_loop3A_642] {strides = array<i32>} : memref<2x128x128xi32, #tpu.memory_space<vmem>>, vector<16xi32>,
        %parallel_loop3A_644 = vector.bitcast %parallel_loop3A_643 : vector<16xi32> to vector<32xbf16>
        %parallel_loop3A_645 = arith.addf %parallel_loop3A_636, %parallel_loop3A_644 : vector<32xbf16>
        %parallel_loop3A_646 = arith.constant 32 : i32
        %parallel_loop3A_647 = arith.addi %parallel_loop3A_646, %parallel_loop3A_474 : i32
        %parallel_loop3A_648 = arith.constant 0 : i32
        %parallel_loop3A_649 = arith.index_cast %parallel_loop3A_648 : i32 to index
        %parallel_loop3A_650 = arith.index_cast %parallel_loop3A_647 : i32 to index
        %parallel_loop3A_651 = arith.constant 32 : index
        %parallel_loop3A_652 = tpu.vector_load %arg6[%parallel_loop3A_649, %parallel_loop3A_650, %parallel_loop3A_651] {strides = array<i32>} : memref<2x128x128xi32, #tpu.memory_space<vmem>>, vector<16xi32>,
        %parallel_loop3A_653 = vector.bitcast %parallel_loop3A_652 : vector<16xi32> to vector<32xbf16>
        %parallel_loop3A_654 = arith.constant 48 : i32
        %parallel_loop3A_655 = arith.addi %parallel_loop3A_654, %parallel_loop3A_474 : i32
        %parallel_loop3A_656 = arith.constant 0 : i32
        %parallel_loop3A_657 = arith.index_cast %parallel_loop3A_656 : i32 to index
        %parallel_loop3A_658 = arith.index_cast %parallel_loop3A_655 : i32 to index
        %parallel_loop3A_659 = arith.constant 32 : index
        %parallel_loop3A_660 = tpu.vector_load %arg6[%parallel_loop3A_657, %parallel_loop3A_658, %parallel_loop3A_659] {strides = array<i32>} : memref<2x128x128xi32, #tpu.memory_space<vmem>>, vector<16xi32>,
        %parallel_loop3A_661 = vector.bitcast %parallel_loop3A_660 : vector<16xi32> to vector<32xbf16>
        %parallel_loop3A_662 = arith.addf %parallel_loop3A_653, %parallel_loop3A_661 : vector<32xbf16>
        %parallel_loop3A_663 = arith.constant 64 : i32
        %parallel_loop3A_664 = arith.addi %parallel_loop3A_663, %parallel_loop3A_474 : i32
        %parallel_loop3A_665 = arith.constant 0 : i32
        %parallel_loop3A_666 = arith.index_cast %parallel_loop3A_665 : i32 to index
        %parallel_loop3A_667 = arith.index_cast %parallel_loop3A_664 : i32 to index
        %parallel_loop3A_668 = arith.constant 32 : index
        %parallel_loop3A_669 = tpu.vector_load %arg6[%parallel_loop3A_666, %parallel_loop3A_667, %parallel_loop3A_668] {strides = array<i32>} : memref<2x128x128xi32, #tpu.memory_space<vmem>>, vector<16xi32>,
        %parallel_loop3A_670 = vector.bitcast %parallel_loop3A_669 : vector<16xi32> to vector<32xbf16>
        %parallel_loop3A_671 = arith.constant 80 : i32
        %parallel_loop3A_672 = arith.addi %parallel_loop3A_671, %parallel_loop3A_474 : i32
        %parallel_loop3A_673 = arith.constant 0 : i32
        %parallel_loop3A_674 = arith.index_cast %parallel_loop3A_673 : i32 to index
        %parallel_loop3A_675 = arith.index_cast %parallel_loop3A_672 : i32 to index
        %parallel_loop3A_676 = arith.constant 32 : index
        %parallel_loop3A_677 = tpu.vector_load %arg6[%parallel_loop3A_674, %parallel_loop3A_675, %parallel_loop3A_676] {strides = array<i32>} : memref<2x128x128xi32, #tpu.memory_space<vmem>>, vector<16xi32>,
        %parallel_loop3A_678 = vector.bitcast %parallel_loop3A_677 : vector<16xi32> to vector<32xbf16>
        %parallel_loop3A_679 = arith.addf %parallel_loop3A_670, %parallel_loop3A_678 : vector<32xbf16>
        %parallel_loop3A_680 = arith.constant 96 : i32
        %parallel_loop3A_681 = arith.addi %parallel_loop3A_680, %parallel_loop3A_474 : i32
        %parallel_loop3A_682 = arith.constant 0 : i32
        %parallel_loop3A_683 = arith.index_cast %parallel_loop3A_682 : i32 to index
        %parallel_loop3A_684 = arith.index_cast %parallel_loop3A_681 : i32 to index
        %parallel_loop3A_685 = arith.constant 32 : index
        %parallel_loop3A_686 = tpu.vector_load %arg6[%parallel_loop3A_683, %parallel_loop3A_684, %parallel_loop3A_685] {strides = array<i32>} : memref<2x128x128xi32, #tpu.memory_space<vmem>>, vector<16xi32>,
        %parallel_loop3A_687 = vector.bitcast %parallel_loop3A_686 : vector<16xi32> to vector<32xbf16>
        %parallel_loop3A_688 = arith.constant 112 : i32
        %parallel_loop3A_689 = arith.addi %parallel_loop3A_688, %parallel_loop3A_474 : i32
        %parallel_loop3A_690 = arith.constant 0 : i32
        %parallel_loop3A_691 = arith.index_cast %parallel_loop3A_690 : i32 to index
        %parallel_loop3A_692 = arith.index_cast %parallel_loop3A_689 : i32 to index
        %parallel_loop3A_693 = arith.constant 32 : index
        %parallel_loop3A_694 = tpu.vector_load %arg6[%parallel_loop3A_691, %parallel_loop3A_692, %parallel_loop3A_693] {strides = array<i32>} : memref<2x128x128xi32, #tpu.memory_space<vmem>>, vector<16xi32>,
        %parallel_loop3A_695 = vector.bitcast %parallel_loop3A_694 : vector<16xi32> to vector<32xbf16>
        %parallel_loop3A_696 = arith.addf %parallel_loop3A_687, %parallel_loop3A_695 : vector<32xbf16>
        %parallel_loop3A_697 = arith.addf %parallel_loop3A_645, %parallel_loop3A_662 : vector<32xbf16>
        %parallel_loop3A_698 = arith.addf %parallel_loop3A_679, %parallel_loop3A_696 : vector<32xbf16>
        %parallel_loop3A_699 = arith.addf %parallel_loop3A_697, %parallel_loop3A_698 : vector<32xbf16>
        %parallel_loop3A_700 = vector.bitcast %parallel_loop3A_699 : vector<32xbf16> to vector<16xi32>
        %parallel_loop3A_701 = arith.constant 0 : i32
        %parallel_loop3A_702 = arith.index_cast %parallel_loop3A_701 : i32 to index
        %parallel_loop3A_703 = arith.index_cast %parallel_loop3A_474 : i32 to index
        %parallel_loop3A_704 = arith.constant 32 : index
        %parallel_loop3A_705 = tpu.vector_load %arg6[%parallel_loop3A_702, %parallel_loop3A_703, %parallel_loop3A_704] {strides = array<i32>} : memref<2x128x128xi32, #tpu.memory_space<vmem>>, vector<16xi32>,
        tpu.vector_store %arg6[%parallel_loop3A_702, %parallel_loop3A_703, %parallel_loop3A_704], %parallel_loop3A_700 {strides = array<i32>} : memref<2x128x128xi32, #tpu.memory_space<vmem>>, vector<16xi32>,
        %parallel_loop3A_706 = arith.constant 0 : i32
        %parallel_loop3A_707 = arith.addi %parallel_loop3A_706, %parallel_loop3A_474 : i32
        %parallel_loop3A_708 = arith.constant 0 : i32
        %parallel_loop3A_709 = arith.index_cast %parallel_loop3A_708 : i32 to index
        %parallel_loop3A_710 = arith.index_cast %parallel_loop3A_707 : i32 to index
        %parallel_loop3A_711 = arith.constant 48 : index
        %parallel_loop3A_712 = tpu.vector_load %arg6[%parallel_loop3A_709, %parallel_loop3A_710, %parallel_loop3A_711] {strides = array<i32>} : memref<2x128x128xi32, #tpu.memory_space<vmem>>, vector<16xi32>,
        %parallel_loop3A_713 = vector.bitcast %parallel_loop3A_712 : vector<16xi32> to vector<32xbf16>
        %parallel_loop3A_714 = arith.constant 16 : i32
        %parallel_loop3A_715 = arith.addi %parallel_loop3A_714, %parallel_loop3A_474 : i32
        %parallel_loop3A_716 = arith.constant 0 : i32
        %parallel_loop3A_717 = arith.index_cast %parallel_loop3A_716 : i32 to index
        %parallel_loop3A_718 = arith.index_cast %parallel_loop3A_715 : i32 to index
        %parallel_loop3A_719 = arith.constant 48 : index
        %parallel_loop3A_720 = tpu.vector_load %arg6[%parallel_loop3A_717, %parallel_loop3A_718, %parallel_loop3A_719] {strides = array<i32>} : memref<2x128x128xi32, #tpu.memory_space<vmem>>, vector<16xi32>,
        %parallel_loop3A_721 = vector.bitcast %parallel_loop3A_720 : vector<16xi32> to vector<32xbf16>
        %parallel_loop3A_722 = arith.addf %parallel_loop3A_713, %parallel_loop3A_721 : vector<32xbf16>
        %parallel_loop3A_723 = arith.constant 32 : i32
        %parallel_loop3A_724 = arith.addi %parallel_loop3A_723, %parallel_loop3A_474 : i32
        %parallel_loop3A_725 = arith.constant 0 : i32
        %parallel_loop3A_726 = arith.index_cast %parallel_loop3A_725 : i32 to index
        %parallel_loop3A_727 = arith.index_cast %parallel_loop3A_724 : i32 to index
        %parallel_loop3A_728 = arith.constant 48 : index
        %parallel_loop3A_729 = tpu.vector_load %arg6[%parallel_loop3A_726, %parallel_loop3A_727, %parallel_loop3A_728] {strides = array<i32>} : memref<2x128x128xi32, #tpu.memory_space<vmem>>, vector<16xi32>,
        %parallel_loop3A_730 = vector.bitcast %parallel_loop3A_729 : vector<16xi32> to vector<32xbf16>
        %parallel_loop3A_731 = arith.constant 48 : i32
        %parallel_loop3A_732 = arith.addi %parallel_loop3A_731, %parallel_loop3A_474 : i32
        %parallel_loop3A_733 = arith.constant 0 : i32
        %parallel_loop3A_734 = arith.index_cast %parallel_loop3A_733 : i32 to index
        %parallel_loop3A_735 = arith.index_cast %parallel_loop3A_732 : i32 to index
        %parallel_loop3A_736 = arith.constant 48 : index
        %parallel_loop3A_737 = tpu.vector_load %arg6[%parallel_loop3A_734, %parallel_loop3A_735, %parallel_loop3A_736] {strides = array<i32>} : memref<2x128x128xi32, #tpu.memory_space<vmem>>, vector<16xi32>,
        %parallel_loop3A_738 = vector.bitcast %parallel_loop3A_737 : vector<16xi32> to vector<32xbf16>
        %parallel_loop3A_739 = arith.addf %parallel_loop3A_730, %parallel_loop3A_738 : vector<32xbf16>
        %parallel_loop3A_740 = arith.constant 64 : i32
        %parallel_loop3A_741 = arith.addi %parallel_loop3A_740, %parallel_loop3A_474 : i32
        %parallel_loop3A_742 = arith.constant 0 : i32
        %parallel_loop3A_743 = arith.index_cast %parallel_loop3A_742 : i32 to index
        %parallel_loop3A_744 = arith.index_cast %parallel_loop3A_741 : i32 to index
        %parallel_loop3A_745 = arith.constant 48 : index
        %parallel_loop3A_746 = tpu.vector_load %arg6[%parallel_loop3A_743, %parallel_loop3A_744, %parallel_loop3A_745] {strides = array<i32>} : memref<2x128x128xi32, #tpu.memory_space<vmem>>, vector<16xi32>,
        %parallel_loop3A_747 = vector.bitcast %parallel_loop3A_746 : vector<16xi32> to vector<32xbf16>
        %parallel_loop3A_748 = arith.constant 80 : i32
        %parallel_loop3A_749 = arith.addi %parallel_loop3A_748, %parallel_loop3A_474 : i32
        %parallel_loop3A_750 = arith.constant 0 : i32
        %parallel_loop3A_751 = arith.index_cast %parallel_loop3A_750 : i32 to index
        %parallel_loop3A_752 = arith.index_cast %parallel_loop3A_749 : i32 to index
        %parallel_loop3A_753 = arith.constant 48 : index
        %parallel_loop3A_754 = tpu.vector_load %arg6[%parallel_loop3A_751, %parallel_loop3A_752, %parallel_loop3A_753] {strides = array<i32>} : memref<2x128x128xi32, #tpu.memory_space<vmem>>, vector<16xi32>,
        %parallel_loop3A_755 = vector.bitcast %parallel_loop3A_754 : vector<16xi32> to vector<32xbf16>
        %parallel_loop3A_756 = arith.addf %parallel_loop3A_747, %parallel_loop3A_755 : vector<32xbf16>
        %parallel_loop3A_757 = arith.constant 96 : i32
        %parallel_loop3A_758 = arith.addi %parallel_loop3A_757, %parallel_loop3A_474 : i32
        %parallel_loop3A_759 = arith.constant 0 : i32
        %parallel_loop3A_760 = arith.index_cast %parallel_loop3A_759 : i32 to index
        %parallel_loop3A_761 = arith.index_cast %parallel_loop3A_758 : i32 to index
        %parallel_loop3A_762 = arith.constant 48 : index
        %parallel_loop3A_763 = tpu.vector_load %arg6[%parallel_loop3A_760, %parallel_loop3A_761, %parallel_loop3A_762] {strides = array<i32>} : memref<2x128x128xi32, #tpu.memory_space<vmem>>, vector<16xi32>,
        %parallel_loop3A_764 = vector.bitcast %parallel_loop3A_763 : vector<16xi32> to vector<32xbf16>
        %parallel_loop3A_765 = arith.constant 112 : i32
        %parallel_loop3A_766 = arith.addi %parallel_loop3A_765, %parallel_loop3A_474 : i32
        %parallel_loop3A_767 = arith.constant 0 : i32
        %parallel_loop3A_768 = arith.index_cast %parallel_loop3A_767 : i32 to index
        %parallel_loop3A_769 = arith.index_cast %parallel_loop3A_766 : i32 to index
        %parallel_loop3A_770 = arith.constant 48 : index
        %parallel_loop3A_771 = tpu.vector_load %arg6[%parallel_loop3A_768, %parallel_loop3A_769, %parallel_loop3A_770] {strides = array<i32>} : memref<2x128x128xi32, #tpu.memory_space<vmem>>, vector<16xi32>,
        %parallel_loop3A_772 = vector.bitcast %parallel_loop3A_771 : vector<16xi32> to vector<32xbf16>
        %parallel_loop3A_773 = arith.addf %parallel_loop3A_764, %parallel_loop3A_772 : vector<32xbf16>
        %parallel_loop3A_774 = arith.addf %parallel_loop3A_722, %parallel_loop3A_739 : vector<32xbf16>
        %parallel_loop3A_775 = arith.addf %parallel_loop3A_756, %parallel_loop3A_773 : vector<32xbf16>
        %parallel_loop3A_776 = arith.addf %parallel_loop3A_774, %parallel_loop3A_775 : vector<32xbf16>
        %parallel_loop3A_777 = vector.bitcast %parallel_loop3A_776 : vector<32xbf16> to vector<16xi32>
        %parallel_loop3A_778 = arith.constant 0 : i32
        %parallel_loop3A_779 = arith.index_cast %parallel_loop3A_778 : i32 to index
        %parallel_loop3A_780 = arith.index_cast %parallel_loop3A_474 : i32 to index
        %parallel_loop3A_781 = arith.constant 48 : index
        %parallel_loop3A_782 = tpu.vector_load %arg6[%parallel_loop3A_779, %parallel_loop3A_780, %parallel_loop3A_781] {strides = array<i32>} : memref<2x128x128xi32, #tpu.memory_space<vmem>>, vector<16xi32>,
        tpu.vector_store %arg6[%parallel_loop3A_779, %parallel_loop3A_780, %parallel_loop3A_781], %parallel_loop3A_777 {strides = array<i32>} : memref<2x128x128xi32, #tpu.memory_space<vmem>>, vector<16xi32>,
        %parallel_loop3A_783 = arith.constant 0 : i32
        %parallel_loop3A_784 = arith.addi %parallel_loop3A_783, %parallel_loop3A_474 : i32
        %parallel_loop3A_785 = arith.constant 0 : i32
        %parallel_loop3A_786 = arith.index_cast %parallel_loop3A_785 : i32 to index
        %parallel_loop3A_787 = arith.index_cast %parallel_loop3A_784 : i32 to index
        %parallel_loop3A_788 = arith.constant 64 : index
        %parallel_loop3A_789 = tpu.vector_load %arg6[%parallel_loop3A_786, %parallel_loop3A_787, %parallel_loop3A_788] {strides = array<i32>} : memref<2x128x128xi32, #tpu.memory_space<vmem>>, vector<16xi32>,
        %parallel_loop3A_790 = vector.bitcast %parallel_loop3A_789 : vector<16xi32> to vector<32xbf16>
        %parallel_loop3A_791 = arith.constant 16 : i32
        %parallel_loop3A_792 = arith.addi %parallel_loop3A_791, %parallel_loop3A_474 : i32
        %parallel_loop3A_793 = arith.constant 0 : i32
        %parallel_loop3A_794 = arith.index_cast %parallel_loop3A_793 : i32 to index
        %parallel_loop3A_795 = arith.index_cast %parallel_loop3A_792 : i32 to index
        %parallel_loop3A_796 = arith.constant 64 : index
        %parallel_loop3A_797 = tpu.vector_load %arg6[%parallel_loop3A_794, %parallel_loop3A_795, %parallel_loop3A_796] {strides = array<i32>} : memref<2x128x128xi32, #tpu.memory_space<vmem>>, vector<16xi32>,
        %parallel_loop3A_798 = vector.bitcast %parallel_loop3A_797 : vector<16xi32> to vector<32xbf16>
        %parallel_loop3A_799 = arith.addf %parallel_loop3A_790, %parallel_loop3A_798 : vector<32xbf16>
        %parallel_loop3A_800 = arith.constant 32 : i32
        %parallel_loop3A_801 = arith.addi %parallel_loop3A_800, %parallel_loop3A_474 : i32
        %parallel_loop3A_802 = arith.constant 0 : i32
        %parallel_loop3A_803 = arith.index_cast %parallel_loop3A_802 : i32 to index
        %parallel_loop3A_804 = arith.index_cast %parallel_loop3A_801 : i32 to index
        %parallel_loop3A_805 = arith.constant 64 : index
        %parallel_loop3A_806 = tpu.vector_load %arg6[%parallel_loop3A_803, %parallel_loop3A_804, %parallel_loop3A_805] {strides = array<i32>} : memref<2x128x128xi32, #tpu.memory_space<vmem>>, vector<16xi32>,
        %parallel_loop3A_807 = vector.bitcast %parallel_loop3A_806 : vector<16xi32> to vector<32xbf16>
        %parallel_loop3A_808 = arith.constant 48 : i32
        %parallel_loop3A_809 = arith.addi %parallel_loop3A_808, %parallel_loop3A_474 : i32
        %parallel_loop3A_810 = arith.constant 0 : i32
        %parallel_loop3A_811 = arith.index_cast %parallel_loop3A_810 : i32 to index
        %parallel_loop3A_812 = arith.index_cast %parallel_loop3A_809 : i32 to index
        %parallel_loop3A_813 = arith.constant 64 : index
        %parallel_loop3A_814 = tpu.vector_load %arg6[%parallel_loop3A_811, %parallel_loop3A_812, %parallel_loop3A_813] {strides = array<i32>} : memref<2x128x128xi32, #tpu.memory_space<vmem>>, vector<16xi32>,
        %parallel_loop3A_815 = vector.bitcast %parallel_loop3A_814 : vector<16xi32> to vector<32xbf16>
        %parallel_loop3A_816 = arith.addf %parallel_loop3A_807, %parallel_loop3A_815 : vector<32xbf16>
        %parallel_loop3A_817 = arith.constant 64 : i32
        %parallel_loop3A_818 = arith.addi %parallel_loop3A_817, %parallel_loop3A_474 : i32
        %parallel_loop3A_819 = arith.constant 0 : i32
        %parallel_loop3A_820 = arith.index_cast %parallel_loop3A_819 : i32 to index
        %parallel_loop3A_821 = arith.index_cast %parallel_loop3A_818 : i32 to index
        %parallel_loop3A_822 = arith.constant 64 : index
        %parallel_loop3A_823 = tpu.vector_load %arg6[%parallel_loop3A_820, %parallel_loop3A_821, %parallel_loop3A_822] {strides = array<i32>} : memref<2x128x128xi32, #tpu.memory_space<vmem>>, vector<16xi32>,
        %parallel_loop3A_824 = vector.bitcast %parallel_loop3A_823 : vector<16xi32> to vector<32xbf16>
        %parallel_loop3A_825 = arith.constant 80 : i32
        %parallel_loop3A_826 = arith.addi %parallel_loop3A_825, %parallel_loop3A_474 : i32
        %parallel_loop3A_827 = arith.constant 0 : i32
        %parallel_loop3A_828 = arith.index_cast %parallel_loop3A_827 : i32 to index
        %parallel_loop3A_829 = arith.index_cast %parallel_loop3A_826 : i32 to index
        %parallel_loop3A_830 = arith.constant 64 : index
        %parallel_loop3A_831 = tpu.vector_load %arg6[%parallel_loop3A_828, %parallel_loop3A_829, %parallel_loop3A_830] {strides = array<i32>} : memref<2x128x128xi32, #tpu.memory_space<vmem>>, vector<16xi32>,
        %parallel_loop3A_832 = vector.bitcast %parallel_loop3A_831 : vector<16xi32> to vector<32xbf16>
        %parallel_loop3A_833 = arith.addf %parallel_loop3A_824, %parallel_loop3A_832 : vector<32xbf16>
        %parallel_loop3A_834 = arith.constant 96 : i32
        %parallel_loop3A_835 = arith.addi %parallel_loop3A_834, %parallel_loop3A_474 : i32
        %parallel_loop3A_836 = arith.constant 0 : i32
        %parallel_loop3A_837 = arith.index_cast %parallel_loop3A_836 : i32 to index
        %parallel_loop3A_838 = arith.index_cast %parallel_loop3A_835 : i32 to index
        %parallel_loop3A_839 = arith.constant 64 : index
        %parallel_loop3A_840 = tpu.vector_load %arg6[%parallel_loop3A_837, %parallel_loop3A_838, %parallel_loop3A_839] {strides = array<i32>} : memref<2x128x128xi32, #tpu.memory_space<vmem>>, vector<16xi32>,
        %parallel_loop3A_841 = vector.bitcast %parallel_loop3A_840 : vector<16xi32> to vector<32xbf16>
        %parallel_loop3A_842 = arith.constant 112 : i32
        %parallel_loop3A_843 = arith.addi %parallel_loop3A_842, %parallel_loop3A_474 : i32
        %parallel_loop3A_844 = arith.constant 0 : i32
        %parallel_loop3A_845 = arith.index_cast %parallel_loop3A_844 : i32 to index
        %parallel_loop3A_846 = arith.index_cast %parallel_loop3A_843 : i32 to index
        %parallel_loop3A_847 = arith.constant 64 : index
        %parallel_loop3A_848 = tpu.vector_load %arg6[%parallel_loop3A_845, %parallel_loop3A_846, %parallel_loop3A_847] {strides = array<i32>} : memref<2x128x128xi32, #tpu.memory_space<vmem>>, vector<16xi32>,
        %parallel_loop3A_849 = vector.bitcast %parallel_loop3A_848 : vector<16xi32> to vector<32xbf16>
        %parallel_loop3A_850 = arith.addf %parallel_loop3A_841, %parallel_loop3A_849 : vector<32xbf16>
        %parallel_loop3A_851 = arith.addf %parallel_loop3A_799, %parallel_loop3A_816 : vector<32xbf16>
        %parallel_loop3A_852 = arith.addf %parallel_loop3A_833, %parallel_loop3A_850 : vector<32xbf16>
        %parallel_loop3A_853 = arith.addf %parallel_loop3A_851, %parallel_loop3A_852 : vector<32xbf16>
        %parallel_loop3A_854 = vector.bitcast %parallel_loop3A_853 : vector<32xbf16> to vector<16xi32>
        %parallel_loop3A_855 = arith.constant 0 : i32
        %parallel_loop3A_856 = arith.index_cast %parallel_loop3A_855 : i32 to index
        %parallel_loop3A_857 = arith.index_cast %parallel_loop3A_474 : i32 to index
        %parallel_loop3A_858 = arith.constant 64 : index
        %parallel_loop3A_859 = tpu.vector_load %arg6[%parallel_loop3A_856, %parallel_loop3A_857, %parallel_loop3A_858] {strides = array<i32>} : memref<2x128x128xi32, #tpu.memory_space<vmem>>, vector<16xi32>,
        tpu.vector_store %arg6[%parallel_loop3A_856, %parallel_loop3A_857, %parallel_loop3A_858], %parallel_loop3A_854 {strides = array<i32>} : memref<2x128x128xi32, #tpu.memory_space<vmem>>, vector<16xi32>,
        %parallel_loop3A_860 = arith.constant 0 : i32
        %parallel_loop3A_861 = arith.addi %parallel_loop3A_860, %parallel_loop3A_474 : i32
        %parallel_loop3A_862 = arith.constant 0 : i32
        %parallel_loop3A_863 = arith.index_cast %parallel_loop3A_862 : i32 to index
        %parallel_loop3A_864 = arith.index_cast %parallel_loop3A_861 : i32 to index
        %parallel_loop3A_865 = arith.constant 80 : index
        %parallel_loop3A_866 = tpu.vector_load %arg6[%parallel_loop3A_863, %parallel_loop3A_864, %parallel_loop3A_865] {strides = array<i32>} : memref<2x128x128xi32, #tpu.memory_space<vmem>>, vector<16xi32>,
        %parallel_loop3A_867 = vector.bitcast %parallel_loop3A_866 : vector<16xi32> to vector<32xbf16>
        %parallel_loop3A_868 = arith.constant 16 : i32
        %parallel_loop3A_869 = arith.addi %parallel_loop3A_868, %parallel_loop3A_474 : i32
        %parallel_loop3A_870 = arith.constant 0 : i32
        %parallel_loop3A_871 = arith.index_cast %parallel_loop3A_870 : i32 to index
        %parallel_loop3A_872 = arith.index_cast %parallel_loop3A_869 : i32 to index
        %parallel_loop3A_873 = arith.constant 80 : index
        %parallel_loop3A_874 = tpu.vector_load %arg6[%parallel_loop3A_871, %parallel_loop3A_872, %parallel_loop3A_873] {strides = array<i32>} : memref<2x128x128xi32, #tpu.memory_space<vmem>>, vector<16xi32>,
        %parallel_loop3A_875 = vector.bitcast %parallel_loop3A_874 : vector<16xi32> to vector<32xbf16>
        %parallel_loop3A_876 = arith.addf %parallel_loop3A_867, %parallel_loop3A_875 : vector<32xbf16>
        %parallel_loop3A_877 = arith.constant 32 : i32
        %parallel_loop3A_878 = arith.addi %parallel_loop3A_877, %parallel_loop3A_474 : i32
        %parallel_loop3A_879 = arith.constant 0 : i32
        %parallel_loop3A_880 = arith.index_cast %parallel_loop3A_879 : i32 to index
        %parallel_loop3A_881 = arith.index_cast %parallel_loop3A_878 : i32 to index
        %parallel_loop3A_882 = arith.constant 80 : index
        %parallel_loop3A_883 = tpu.vector_load %arg6[%parallel_loop3A_880, %parallel_loop3A_881, %parallel_loop3A_882] {strides = array<i32>} : memref<2x128x128xi32, #tpu.memory_space<vmem>>, vector<16xi32>,
        %parallel_loop3A_884 = vector.bitcast %parallel_loop3A_883 : vector<16xi32> to vector<32xbf16>
        %parallel_loop3A_885 = arith.constant 48 : i32
        %parallel_loop3A_886 = arith.addi %parallel_loop3A_885, %parallel_loop3A_474 : i32
        %parallel_loop3A_887 = arith.constant 0 : i32
        %parallel_loop3A_888 = arith.index_cast %parallel_loop3A_887 : i32 to index
        %parallel_loop3A_889 = arith.index_cast %parallel_loop3A_886 : i32 to index
        %parallel_loop3A_890 = arith.constant 80 : index
        %parallel_loop3A_891 = tpu.vector_load %arg6[%parallel_loop3A_888, %parallel_loop3A_889, %parallel_loop3A_890] {strides = array<i32>} : memref<2x128x128xi32, #tpu.memory_space<vmem>>, vector<16xi32>,
        %parallel_loop3A_892 = vector.bitcast %parallel_loop3A_891 : vector<16xi32> to vector<32xbf16>
        %parallel_loop3A_893 = arith.addf %parallel_loop3A_884, %parallel_loop3A_892 : vector<32xbf16>
        %parallel_loop3A_894 = arith.constant 64 : i32
        %parallel_loop3A_895 = arith.addi %parallel_loop3A_894, %parallel_loop3A_474 : i32
        %parallel_loop3A_896 = arith.constant 0 : i32
        %parallel_loop3A_897 = arith.index_cast %parallel_loop3A_896 : i32 to index
        %parallel_loop3A_898 = arith.index_cast %parallel_loop3A_895 : i32 to index
        %parallel_loop3A_899 = arith.constant 80 : index
        %parallel_loop3A_900 = tpu.vector_load %arg6[%parallel_loop3A_897, %parallel_loop3A_898, %parallel_loop3A_899] {strides = array<i32>} : memref<2x128x128xi32, #tpu.memory_space<vmem>>, vector<16xi32>,
        %parallel_loop3A_901 = vector.bitcast %parallel_loop3A_900 : vector<16xi32> to vector<32xbf16>
        %parallel_loop3A_902 = arith.constant 80 : i32
        %parallel_loop3A_903 = arith.addi %parallel_loop3A_902, %parallel_loop3A_474 : i32
        %parallel_loop3A_904 = arith.constant 0 : i32
        %parallel_loop3A_905 = arith.index_cast %parallel_loop3A_904 : i32 to index
        %parallel_loop3A_906 = arith.index_cast %parallel_loop3A_903 : i32 to index
        %parallel_loop3A_907 = arith.constant 80 : index
        %parallel_loop3A_908 = tpu.vector_load %arg6[%parallel_loop3A_905, %parallel_loop3A_906, %parallel_loop3A_907] {strides = array<i32>} : memref<2x128x128xi32, #tpu.memory_space<vmem>>, vector<16xi32>,
        %parallel_loop3A_909 = vector.bitcast %parallel_loop3A_908 : vector<16xi32> to vector<32xbf16>
        %parallel_loop3A_910 = arith.addf %parallel_loop3A_901, %parallel_loop3A_909 : vector<32xbf16>
        %parallel_loop3A_911 = arith.constant 96 : i32
        %parallel_loop3A_912 = arith.addi %parallel_loop3A_911, %parallel_loop3A_474 : i32
        %parallel_loop3A_913 = arith.constant 0 : i32
        %parallel_loop3A_914 = arith.index_cast %parallel_loop3A_913 : i32 to index
        %parallel_loop3A_915 = arith.index_cast %parallel_loop3A_912 : i32 to index
        %parallel_loop3A_916 = arith.constant 80 : index
        %parallel_loop3A_917 = tpu.vector_load %arg6[%parallel_loop3A_914, %parallel_loop3A_915, %parallel_loop3A_916] {strides = array<i32>} : memref<2x128x128xi32, #tpu.memory_space<vmem>>, vector<16xi32>,
        %parallel_loop3A_918 = vector.bitcast %parallel_loop3A_917 : vector<16xi32> to vector<32xbf16>
        %parallel_loop3A_919 = arith.constant 112 : i32
        %parallel_loop3A_920 = arith.addi %parallel_loop3A_919, %parallel_loop3A_474 : i32
        %parallel_loop3A_921 = arith.constant 0 : i32
        %parallel_loop3A_922 = arith.index_cast %parallel_loop3A_921 : i32 to index
        %parallel_loop3A_923 = arith.index_cast %parallel_loop3A_920 : i32 to index
        %parallel_loop3A_924 = arith.constant 80 : index
        %parallel_loop3A_925 = tpu.vector_load %arg6[%parallel_loop3A_922, %parallel_loop3A_923, %parallel_loop3A_924] {strides = array<i32>} : memref<2x128x128xi32, #tpu.memory_space<vmem>>, vector<16xi32>,
        %parallel_loop3A_926 = vector.bitcast %parallel_loop3A_925 : vector<16xi32> to vector<32xbf16>
        %parallel_loop3A_927 = arith.addf %parallel_loop3A_918, %parallel_loop3A_926 : vector<32xbf16>
        %parallel_loop3A_928 = arith.addf %parallel_loop3A_876, %parallel_loop3A_893 : vector<32xbf16>
        %parallel_loop3A_929 = arith.addf %parallel_loop3A_910, %parallel_loop3A_927 : vector<32xbf16>
        %parallel_loop3A_930 = arith.addf %parallel_loop3A_928, %parallel_loop3A_929 : vector<32xbf16>
        %parallel_loop3A_931 = vector.bitcast %parallel_loop3A_930 : vector<32xbf16> to vector<16xi32>
        %parallel_loop3A_932 = arith.constant 0 : i32
        %parallel_loop3A_933 = arith.index_cast %parallel_loop3A_932 : i32 to index
        %parallel_loop3A_934 = arith.index_cast %parallel_loop3A_474 : i32 to index
        %parallel_loop3A_935 = arith.constant 80 : index
        %parallel_loop3A_936 = tpu.vector_load %arg6[%parallel_loop3A_933, %parallel_loop3A_934, %parallel_loop3A_935] {strides = array<i32>} : memref<2x128x128xi32, #tpu.memory_space<vmem>>, vector<16xi32>,
        tpu.vector_store %arg6[%parallel_loop3A_933, %parallel_loop3A_934, %parallel_loop3A_935], %parallel_loop3A_931 {strides = array<i32>} : memref<2x128x128xi32, #tpu.memory_space<vmem>>, vector<16xi32>,
        %parallel_loop3A_937 = arith.constant 0 : i32
        %parallel_loop3A_938 = arith.addi %parallel_loop3A_937, %parallel_loop3A_474 : i32
        %parallel_loop3A_939 = arith.constant 0 : i32
        %parallel_loop3A_940 = arith.index_cast %parallel_loop3A_939 : i32 to index
        %parallel_loop3A_941 = arith.index_cast %parallel_loop3A_938 : i32 to index
        %parallel_loop3A_942 = arith.constant 96 : index
        %parallel_loop3A_943 = tpu.vector_load %arg6[%parallel_loop3A_940, %parallel_loop3A_941, %parallel_loop3A_942] {strides = array<i32>} : memref<2x128x128xi32, #tpu.memory_space<vmem>>, vector<16xi32>,
        %parallel_loop3A_944 = vector.bitcast %parallel_loop3A_943 : vector<16xi32> to vector<32xbf16>
        %parallel_loop3A_945 = arith.constant 16 : i32
        %parallel_loop3A_946 = arith.addi %parallel_loop3A_945, %parallel_loop3A_474 : i32
        %parallel_loop3A_947 = arith.constant 0 : i32
        %parallel_loop3A_948 = arith.index_cast %parallel_loop3A_947 : i32 to index
        %parallel_loop3A_949 = arith.index_cast %parallel_loop3A_946 : i32 to index
        %parallel_loop3A_950 = arith.constant 96 : index
        %parallel_loop3A_951 = tpu.vector_load %arg6[%parallel_loop3A_948, %parallel_loop3A_949, %parallel_loop3A_950] {strides = array<i32>} : memref<2x128x128xi32, #tpu.memory_space<vmem>>, vector<16xi32>,
        %parallel_loop3A_952 = vector.bitcast %parallel_loop3A_951 : vector<16xi32> to vector<32xbf16>
        %parallel_loop3A_953 = arith.addf %parallel_loop3A_944, %parallel_loop3A_952 : vector<32xbf16>
        %parallel_loop3A_954 = arith.constant 32 : i32
        %parallel_loop3A_955 = arith.addi %parallel_loop3A_954, %parallel_loop3A_474 : i32
        %parallel_loop3A_956 = arith.constant 0 : i32
        %parallel_loop3A_957 = arith.index_cast %parallel_loop3A_956 : i32 to index
        %parallel_loop3A_958 = arith.index_cast %parallel_loop3A_955 : i32 to index
        %parallel_loop3A_959 = arith.constant 96 : index
        %parallel_loop3A_960 = tpu.vector_load %arg6[%parallel_loop3A_957, %parallel_loop3A_958, %parallel_loop3A_959] {strides = array<i32>} : memref<2x128x128xi32, #tpu.memory_space<vmem>>, vector<16xi32>,
        %parallel_loop3A_961 = vector.bitcast %parallel_loop3A_960 : vector<16xi32> to vector<32xbf16>
        %parallel_loop3A_962 = arith.constant 48 : i32
        %parallel_loop3A_963 = arith.addi %parallel_loop3A_962, %parallel_loop3A_474 : i32
        %parallel_loop3A_964 = arith.constant 0 : i32
        %parallel_loop3A_965 = arith.index_cast %parallel_loop3A_964 : i32 to index
        %parallel_loop3A_966 = arith.index_cast %parallel_loop3A_963 : i32 to index
        %parallel_loop3A_967 = arith.constant 96 : index
        %parallel_loop3A_968 = tpu.vector_load %arg6[%parallel_loop3A_965, %parallel_loop3A_966, %parallel_loop3A_967] {strides = array<i32>} : memref<2x128x128xi32, #tpu.memory_space<vmem>>, vector<16xi32>,
        %parallel_loop3A_969 = vector.bitcast %parallel_loop3A_968 : vector<16xi32> to vector<32xbf16>
        %parallel_loop3A_970 = arith.addf %parallel_loop3A_961, %parallel_loop3A_969 : vector<32xbf16>
        %parallel_loop3A_971 = arith.constant 64 : i32
        %parallel_loop3A_972 = arith.addi %parallel_loop3A_971, %parallel_loop3A_474 : i32
        %parallel_loop3A_973 = arith.constant 0 : i32
        %parallel_loop3A_974 = arith.index_cast %parallel_loop3A_973 : i32 to index
        %parallel_loop3A_975 = arith.index_cast %parallel_loop3A_972 : i32 to index
        %parallel_loop3A_976 = arith.constant 96 : index
        %parallel_loop3A_977 = tpu.vector_load %arg6[%parallel_loop3A_974, %parallel_loop3A_975, %parallel_loop3A_976] {strides = array<i32>} : memref<2x128x128xi32, #tpu.memory_space<vmem>>, vector<16xi32>,
        %parallel_loop3A_978 = vector.bitcast %parallel_loop3A_977 : vector<16xi32> to vector<32xbf16>
        %parallel_loop3A_979 = arith.constant 80 : i32
        %parallel_loop3A_980 = arith.addi %parallel_loop3A_979, %parallel_loop3A_474 : i32
        %parallel_loop3A_981 = arith.constant 0 : i32
        %parallel_loop3A_982 = arith.index_cast %parallel_loop3A_981 : i32 to index
        %parallel_loop3A_983 = arith.index_cast %parallel_loop3A_980 : i32 to index
        %parallel_loop3A_984 = arith.constant 96 : index
        %parallel_loop3A_985 = tpu.vector_load %arg6[%parallel_loop3A_982, %parallel_loop3A_983, %parallel_loop3A_984] {strides = array<i32>} : memref<2x128x128xi32, #tpu.memory_space<vmem>>, vector<16xi32>,
        %parallel_loop3A_986 = vector.bitcast %parallel_loop3A_985 : vector<16xi32> to vector<32xbf16>
        %parallel_loop3A_987 = arith.addf %parallel_loop3A_978, %parallel_loop3A_986 : vector<32xbf16>
        %parallel_loop3A_988 = arith.constant 96 : i32
        %parallel_loop3A_989 = arith.addi %parallel_loop3A_988, %parallel_loop3A_474 : i32
        %parallel_loop3A_990 = arith.constant 0 : i32
        %parallel_loop3A_991 = arith.index_cast %parallel_loop3A_990 : i32 to index
        %parallel_loop3A_992 = arith.index_cast %parallel_loop3A_989 : i32 to index
        %parallel_loop3A_993 = arith.constant 96 : index
        %parallel_loop3A_994 = tpu.vector_load %arg6[%parallel_loop3A_991, %parallel_loop3A_992, %parallel_loop3A_993] {strides = array<i32>} : memref<2x128x128xi32, #tpu.memory_space<vmem>>, vector<16xi32>,
        %parallel_loop3A_995 = vector.bitcast %parallel_loop3A_994 : vector<16xi32> to vector<32xbf16>
        %parallel_loop3A_996 = arith.constant 112 : i32
        %parallel_loop3A_997 = arith.addi %parallel_loop3A_996, %parallel_loop3A_474 : i32
        %parallel_loop3A_998 = arith.constant 0 : i32
        %parallel_loop3A_999 = arith.index_cast %parallel_loop3A_998 : i32 to index
        %parallel_loop3A_1000 = arith.index_cast %parallel_loop3A_997 : i32 to index
        %parallel_loop3A_1001 = arith.constant 96 : index
        %parallel_loop3A_1002 = tpu.vector_load %arg6[%parallel_loop3A_999, %parallel_loop3A_1000, %parallel_loop3A_1001] {strides = array<i32>} : memref<2x128x128xi32, #tpu.memory_space<vmem>>, vector<16xi32>,
        %parallel_loop3A_1003 = vector.bitcast %parallel_loop3A_1002 : vector<16xi32> to vector<32xbf16>
        %parallel_loop3A_1004 = arith.addf %parallel_loop3A_995, %parallel_loop3A_1003 : vector<32xbf16>
        %parallel_loop3A_1005 = arith.addf %parallel_loop3A_953, %parallel_loop3A_970 : vector<32xbf16>
        %parallel_loop3A_1006 = arith.addf %parallel_loop3A_987, %parallel_loop3A_1004 : vector<32xbf16>
        %parallel_loop3A_1007 = arith.addf %parallel_loop3A_1005, %parallel_loop3A_1006 : vector<32xbf16>
        %parallel_loop3A_1008 = vector.bitcast %parallel_loop3A_1007 : vector<32xbf16> to vector<16xi32>
        %parallel_loop3A_1009 = arith.constant 0 : i32
        %parallel_loop3A_1010 = arith.index_cast %parallel_loop3A_1009 : i32 to index
        %parallel_loop3A_1011 = arith.index_cast %parallel_loop3A_474 : i32 to index
        %parallel_loop3A_1012 = arith.constant 96 : index
        %parallel_loop3A_1013 = tpu.vector_load %arg6[%parallel_loop3A_1010, %parallel_loop3A_1011, %parallel_loop3A_1012] {strides = array<i32>} : memref<2x128x128xi32, #tpu.memory_space<vmem>>, vector<16xi32>,
        tpu.vector_store %arg6[%parallel_loop3A_1010, %parallel_loop3A_1011, %parallel_loop3A_1012], %parallel_loop3A_1008 {strides = array<i32>} : memref<2x128x128xi32, #tpu.memory_space<vmem>>, vector<16xi32>,
        %parallel_loop3A_1014 = arith.constant 0 : i32
        %parallel_loop3A_1015 = arith.addi %parallel_loop3A_1014, %parallel_loop3A_474 : i32
        %parallel_loop3A_1016 = arith.constant 0 : i32
        %parallel_loop3A_1017 = arith.index_cast %parallel_loop3A_1016 : i32 to index
        %parallel_loop3A_1018 = arith.index_cast %parallel_loop3A_1015 : i32 to index
        %parallel_loop3A_1019 = arith.constant 112 : index
        %parallel_loop3A_1020 = tpu.vector_load %arg6[%parallel_loop3A_1017, %parallel_loop3A_1018, %parallel_loop3A_1019] {strides = array<i32>} : memref<2x128x128xi32, #tpu.memory_space<vmem>>, vector<16xi32>,
        %parallel_loop3A_1021 = vector.bitcast %parallel_loop3A_1020 : vector<16xi32> to vector<32xbf16>
        %parallel_loop3A_1022 = arith.constant 16 : i32
        %parallel_loop3A_1023 = arith.addi %parallel_loop3A_1022, %parallel_loop3A_474 : i32
        %parallel_loop3A_1024 = arith.constant 0 : i32
        %parallel_loop3A_1025 = arith.index_cast %parallel_loop3A_1024 : i32 to index
        %parallel_loop3A_1026 = arith.index_cast %parallel_loop3A_1023 : i32 to index
        %parallel_loop3A_1027 = arith.constant 112 : index
        %parallel_loop3A_1028 = tpu.vector_load %arg6[%parallel_loop3A_1025, %parallel_loop3A_1026, %parallel_loop3A_1027] {strides = array<i32>} : memref<2x128x128xi32, #tpu.memory_space<vmem>>, vector<16xi32>,
        %parallel_loop3A_1029 = vector.bitcast %parallel_loop3A_1028 : vector<16xi32> to vector<32xbf16>
        %parallel_loop3A_1030 = arith.addf %parallel_loop3A_1021, %parallel_loop3A_1029 : vector<32xbf16>
        %parallel_loop3A_1031 = arith.constant 32 : i32
        %parallel_loop3A_1032 = arith.addi %parallel_loop3A_1031, %parallel_loop3A_474 : i32
        %parallel_loop3A_1033 = arith.constant 0 : i32
        %parallel_loop3A_1034 = arith.index_cast %parallel_loop3A_1033 : i32 to index
        %parallel_loop3A_1035 = arith.index_cast %parallel_loop3A_1032 : i32 to index
        %parallel_loop3A_1036 = arith.constant 112 : index
        %parallel_loop3A_1037 = tpu.vector_load %arg6[%parallel_loop3A_1034, %parallel_loop3A_1035, %parallel_loop3A_1036] {strides = array<i32>} : memref<2x128x128xi32, #tpu.memory_space<vmem>>, vector<16xi32>,
        %parallel_loop3A_1038 = vector.bitcast %parallel_loop3A_1037 : vector<16xi32> to vector<32xbf16>
        %parallel_loop3A_1039 = arith.constant 48 : i32
        %parallel_loop3A_1040 = arith.addi %parallel_loop3A_1039, %parallel_loop3A_474 : i32
        %parallel_loop3A_1041 = arith.constant 0 : i32
        %parallel_loop3A_1042 = arith.index_cast %parallel_loop3A_1041 : i32 to index
        %parallel_loop3A_1043 = arith.index_cast %parallel_loop3A_1040 : i32 to index
        %parallel_loop3A_1044 = arith.constant 112 : index
        %parallel_loop3A_1045 = tpu.vector_load %arg6[%parallel_loop3A_1042, %parallel_loop3A_1043, %parallel_loop3A_1044] {strides = array<i32>} : memref<2x128x128xi32, #tpu.memory_space<vmem>>, vector<16xi32>,
        %parallel_loop3A_1046 = vector.bitcast %parallel_loop3A_1045 : vector<16xi32> to vector<32xbf16>
        %parallel_loop3A_1047 = arith.addf %parallel_loop3A_1038, %parallel_loop3A_1046 : vector<32xbf16>
        %parallel_loop3A_1048 = arith.constant 64 : i32
        %parallel_loop3A_1049 = arith.addi %parallel_loop3A_1048, %parallel_loop3A_474 : i32
        %parallel_loop3A_1050 = arith.constant 0 : i32
        %parallel_loop3A_1051 = arith.index_cast %parallel_loop3A_1050 : i32 to index
        %parallel_loop3A_1052 = arith.index_cast %parallel_loop3A_1049 : i32 to index
        %parallel_loop3A_1053 = arith.constant 112 : index
        %parallel_loop3A_1054 = tpu.vector_load %arg6[%parallel_loop3A_1051, %parallel_loop3A_1052, %parallel_loop3A_1053] {strides = array<i32>} : memref<2x128x128xi32, #tpu.memory_space<vmem>>, vector<16xi32>,
        %parallel_loop3A_1055 = vector.bitcast %parallel_loop3A_1054 : vector<16xi32> to vector<32xbf16>
        %parallel_loop3A_1056 = arith.constant 80 : i32
        %parallel_loop3A_1057 = arith.addi %parallel_loop3A_1056, %parallel_loop3A_474 : i32
        %parallel_loop3A_1058 = arith.constant 0 : i32
        %parallel_loop3A_1059 = arith.index_cast %parallel_loop3A_1058 : i32 to index
        %parallel_loop3A_1060 = arith.index_cast %parallel_loop3A_1057 : i32 to index
        %parallel_loop3A_1061 = arith.constant 112 : index
        %parallel_loop3A_1062 = tpu.vector_load %arg6[%parallel_loop3A_1059, %parallel_loop3A_1060, %parallel_loop3A_1061] {strides = array<i32>} : memref<2x128x128xi32, #tpu.memory_space<vmem>>, vector<16xi32>,
        %parallel_loop3A_1063 = vector.bitcast %parallel_loop3A_1062 : vector<16xi32> to vector<32xbf16>
        %parallel_loop3A_1064 = arith.addf %parallel_loop3A_1055, %parallel_loop3A_1063 : vector<32xbf16>
        %parallel_loop3A_1065 = arith.constant 96 : i32
        %parallel_loop3A_1066 = arith.addi %parallel_loop3A_1065, %parallel_loop3A_474 : i32
        %parallel_loop3A_1067 = arith.constant 0 : i32
        %parallel_loop3A_1068 = arith.index_cast %parallel_loop3A_1067 : i32 to index
        %parallel_loop3A_1069 = arith.index_cast %parallel_loop3A_1066 : i32 to index
        %parallel_loop3A_1070 = arith.constant 112 : index
        %parallel_loop3A_1071 = tpu.vector_load %arg6[%parallel_loop3A_1068, %parallel_loop3A_1069, %parallel_loop3A_1070] {strides = array<i32>} : memref<2x128x128xi32, #tpu.memory_space<vmem>>, vector<16xi32>,
        %parallel_loop3A_1072 = vector.bitcast %parallel_loop3A_1071 : vector<16xi32> to vector<32xbf16>
        %parallel_loop3A_1073 = arith.constant 112 : i32
        %parallel_loop3A_1074 = arith.addi %parallel_loop3A_1073, %parallel_loop3A_474 : i32
        %parallel_loop3A_1075 = arith.constant 0 : i32
        %parallel_loop3A_1076 = arith.index_cast %parallel_loop3A_1075 : i32 to index
        %parallel_loop3A_1077 = arith.index_cast %parallel_loop3A_1074 : i32 to index
        %parallel_loop3A_1078 = arith.constant 112 : index
        %parallel_loop3A_1079 = tpu.vector_load %arg6[%parallel_loop3A_1076, %parallel_loop3A_1077, %parallel_loop3A_1078] {strides = array<i32>} : memref<2x128x128xi32, #tpu.memory_space<vmem>>, vector<16xi32>,
        %parallel_loop3A_1080 = vector.bitcast %parallel_loop3A_1079 : vector<16xi32> to vector<32xbf16>
        %parallel_loop3A_1081 = arith.addf %parallel_loop3A_1072, %parallel_loop3A_1080 : vector<32xbf16>
        %parallel_loop3A_1082 = arith.addf %parallel_loop3A_1030, %parallel_loop3A_1047 : vector<32xbf16>
        %parallel_loop3A_1083 = arith.addf %parallel_loop3A_1064, %parallel_loop3A_1081 : vector<32xbf16>
        %parallel_loop3A_1084 = arith.addf %parallel_loop3A_1082, %parallel_loop3A_1083 : vector<32xbf16>
        %parallel_loop3A_1085 = vector.bitcast %parallel_loop3A_1084 : vector<32xbf16> to vector<16xi32>
        %parallel_loop3A_1086 = arith.constant 0 : i32
        %parallel_loop3A_1087 = arith.index_cast %parallel_loop3A_1086 : i32 to index
        %parallel_loop3A_1088 = arith.index_cast %parallel_loop3A_474 : i32 to index
        %parallel_loop3A_1089 = arith.constant 112 : index
        %parallel_loop3A_1090 = tpu.vector_load %arg6[%parallel_loop3A_1087, %parallel_loop3A_1088, %parallel_loop3A_1089] {strides = array<i32>} : memref<2x128x128xi32, #tpu.memory_space<vmem>>, vector<16xi32>,
        tpu.vector_store %arg6[%parallel_loop3A_1087, %parallel_loop3A_1088, %parallel_loop3A_1089], %parallel_loop3A_1085 {strides = array<i32>} : memref<2x128x128xi32, #tpu.memory_space<vmem>>, vector<16xi32>,
      } {sc.loop_unroll_factor = 2 : i64, sc.parallel_access}
      %mul3A_277 = arith.constant 1024 : i32
      %mul3A_278 = arith.muli %add3A, %mul3A_277 : i32
      %mul3A_279 = arith.constant 16 : i32
      %mul3A_280 = arith.muli %add3A_134, %mul3A_279 : i32
      %add3A_281 = arith.addi %mul3A_278, %mul3A_280 : i32
      %dma_start3A_282 = arith.constant 0 : i32
      %dma_start3A_283 = arith.constant 0 : i32
      %dma_start3A_284 = arith.constant 0 : i32
      %dma_start3A_285 = tpu.memref_slice %arg6[%dma_start3A_282, %dma_start3A_283, %dma_start3A_284] : memref<2x128x128xi32, #tpu.memory_space<vmem>> -> memref<1x16x128xi32, #tpu.memory_space<vmem>>
      %dma_start3A_286 = tpu.memref_squeeze %dma_start3A_285 : memref<1x16x128xi32, #tpu.memory_space<vmem>> -> memref<16x128xi32, #tpu.memory_space<vmem>>
      %dma_start3A_287 = arith.constant 0 : i32
      %dma_start3A_288 = tpu.memref_slice %arg4[%add3A_281, %dma_start3A_287] : memref<32768x128xi32, #tpu.memory_space<hbm>> -> memref<16x128xi32, #tpu.memory_space<hbm>>
      %dma_start3A_289 = arith.constant 0 : i32
      %dma_start3A_290 = tpu.memref_slice %arg4[%add3A_281, %dma_start3A_289] : memref<32768x128xi32, #tpu.memory_space<hbm>> -> memref<16x128xi32, #tpu.memory_space<hbm>>
      %dma_start3A_291 = arith.constant 0 : i32
      %dma_start3A_292 = arith.constant 0 : i32
      %dma_start3A_293 = tpu.memref_slice %arg6[%dma_start3A_282, %dma_start3A_291, %dma_start3A_292] : memref<2x128x128xi32, #tpu.memory_space<vmem>> -> memref<1x16x128xi32, #tpu.memory_space<vmem>>
      %dma_start3A_294 = tpu.memref_squeeze %dma_start3A_293 : memref<1x16x128xi32, #tpu.memory_space<vmem>> -> memref<16x128xi32, #tpu.memory_space<vmem>>
      tpu.enqueue_dma source(%dma_start3A_294 : memref<16x128xi32, #tpu.memory_space<vmem>>) target(%dma_start3A_290 : memref<16x128xi32, #tpu.memory_space<hbm>>) target_semaphore(%arg9 : memref<!tpu.dma_semaphore, #tpu.memory_space<semaphore_mem>>)
      %mul3A_295 = arith.constant 2 : i32
      %mul3A_296 = arith.muli %scan3A_130, %mul3A_295 : i32
      %add3A_297 = arith.constant 1 : i32
      %add3A_298 = arith.addi %mul3A_296, %add3A_297 : i32
      %add3A_299 = arith.constant 1 : i32
      %add3A_300 = arith.addi %add3A_298, %add3A_299 : i32
      %min3A_301 = arith.constant 63 : i32
      %min3A_302 = arith.minsi %add3A_300, %min3A_301 : i32
      %dma_wait3A_303 = arith.constant 0 : i32
      %dma_wait3A_304 = arith.constant 0 : i32
      %dma_wait3A_305 = arith.constant 0 : i32
      %dma_wait3A_306 = tpu.memref_slice %arg6[%dma_wait3A_303, %dma_wait3A_304, %dma_wait3A_305] : memref<2x128x128xi32, #tpu.memory_space<vmem>> -> memref<1x16x128xi32, #tpu.memory_space<vmem>>
      %dma_wait3A_307 = tpu.memref_squeeze %dma_wait3A_306 : memref<1x16x128xi32, #tpu.memory_space<vmem>> -> memref<16x128xi32, #tpu.memory_space<vmem>>
      %dma_wait3A_308 = arith.constant 0 : i32
      %dma_wait3A_309 = arith.constant 0 : i32
      %dma_wait3A_310 = tpu.memref_slice %arg4[%dma_wait3A_308, %dma_wait3A_309] : memref<32768x128xi32, #tpu.memory_space<hbm>> -> memref<16x128xi32, #tpu.memory_space<hbm>>
      %dma_wait3A_311 = arith.constant 0 : i32
      %dma_wait3A_312 = arith.constant 0 : i32
      %dma_wait3A_313 = tpu.memref_slice %arg4[%dma_wait3A_311, %dma_wait3A_312] : memref<32768x128xi32, #tpu.memory_space<hbm>> -> memref<16x128xi32, #tpu.memory_space<hbm>>
      %dma_wait3A_314 = arith.constant 0 : i32
      %dma_wait3A_315 = arith.constant 0 : i32
      %dma_wait3A_316 = tpu.memref_slice %arg6[%dma_wait3A_303, %dma_wait3A_314, %dma_wait3A_315] : memref<2x128x128xi32, #tpu.memory_space<vmem>> -> memref<1x16x128xi32, #tpu.memory_space<vmem>>
      %dma_wait3A_317 = tpu.memref_squeeze %dma_wait3A_316 : memref<1x16x128xi32, #tpu.memory_space<vmem>> -> memref<16x128xi32, #tpu.memory_space<vmem>>
      tpu.wait_dma2 semaphore(%arg9 : memref<!tpu.dma_semaphore, #tpu.memory_space<semaphore_mem>>) src(%dma_wait3A_317 : memref<16x128xi32, #tpu.memory_space<vmem>>) dst(%dma_wait3A_313 : memref<16x128xi32, #tpu.memory_space<hbm>>)
      %mul3A_318 = arith.constant 8 : i32
      %mul3A_319 = arith.muli %min3A_302, %mul3A_318 : i32
      %add3A_320 = arith.constant 0 : i32
      %add3A_321 = arith.addi %mul3A_319, %add3A_320 : i32
      %dma_start3A_322 = arith.constant 0 : i32
      %dma_start3A_323 = arith.constant 0 : i32
      %dma_start3A_324 = arith.constant 0 : i32
      %dma_start3A_325 = tpu.memref_slice %arg6[%dma_start3A_322, %dma_start3A_323, %dma_start3A_324] : memref<2x128x128xi32, #tpu.memory_space<vmem>> -> memref<1x16x128xi32, #tpu.memory_space<vmem>>
      %dma_start3A_326 = tpu.memref_squeeze %dma_start3A_325 : memref<1x16x128xi32, #tpu.memory_space<vmem>> -> memref<16x128xi32, #tpu.memory_space<vmem>>
      %dma_start3A_327 = arith.constant 0 : i32
      %dma_start3A_328 = tpu.memref_slice %arg5[%add3A_321, %dma_start3A_327] : memref<512x16xi32, #tpu.memory_space<vmem>> -> memref<1x16xi32, #tpu.memory_space<vmem>>
      %dma_start3A_329 = tpu.memref_squeeze %dma_start3A_328 : memref<1x16xi32, #tpu.memory_space<vmem>> -> memref<16xi32, #tpu.memory_space<vmem>>
      %dma_start3A_330 = arith.constant 0 : i32
      %dma_start3A_331 = arith.constant 0 : i32
      %dma_start3A_332 = tpu.memref_slice %arg3[%dma_start3A_330, %dma_start3A_331] : memref<8192x128xi32, #tpu.memory_space<hbm>> -> memref<8192x128xi32, #tpu.memory_space<hbm>>
      tpu.enqueue_indirect_dma source(%dma_start3A_332 : memref<8192x128xi32, #tpu.memory_space<hbm>>) target(%dma_start3A_326 : memref<16x128xi32, #tpu.memory_space<vmem>>) offsets(%dma_start3A_329 : memref<16xi32, #tpu.memory_space<vmem>>) semaphore(%arg7 : memref<!tpu.dma_semaphore, #tpu.memory_space<semaphore_mem>>)
      %mul3A_333 = arith.constant 8 : i32
      %mul3A_334 = arith.muli %min3A_302, %mul3A_333 : i32
      %add3A_335 = arith.constant 1 : i32
      %add3A_336 = arith.addi %mul3A_334, %add3A_335 : i32
      %dma_start3A_337 = arith.constant 0 : i32
      %dma_start3A_338 = arith.constant 16 : i32
      %dma_start3A_339 = arith.constant 0 : i32
      %dma_start3A_340 = tpu.memref_slice %arg6[%dma_start3A_337, %dma_start3A_338, %dma_start3A_339] : memref<2x128x128xi32, #tpu.memory_space<vmem>> -> memref<1x16x128xi32, #tpu.memory_space<vmem>>
      %dma_start3A_341 = tpu.memref_squeeze %dma_start3A_340 : memref<1x16x128xi32, #tpu.memory_space<vmem>> -> memref<16x128xi32, #tpu.memory_space<vmem>>
      %dma_start3A_342 = arith.constant 0 : i32
      %dma_start3A_343 = tpu.memref_slice %arg5[%add3A_336, %dma_start3A_342] : memref<512x16xi32, #tpu.memory_space<vmem>> -> memref<1x16xi32, #tpu.memory_space<vmem>>
      %dma_start3A_344 = tpu.memref_squeeze %dma_start3A_343 : memref<1x16xi32, #tpu.memory_space<vmem>> -> memref<16xi32, #tpu.memory_space<vmem>>
      %dma_start3A_345 = arith.constant 0 : i32
      %dma_start3A_346 = arith.constant 0 : i32
      %dma_start3A_347 = tpu.memref_slice %arg3[%dma_start3A_345, %dma_start3A_346] : memref<8192x128xi32, #tpu.memory_space<hbm>> -> memref<8192x128xi32, #tpu.memory_space<hbm>>
      tpu.enqueue_indirect_dma source(%dma_start3A_347 : memref<8192x128xi32, #tpu.memory_space<hbm>>) target(%dma_start3A_341 : memref<16x128xi32, #tpu.memory_space<vmem>>) offsets(%dma_start3A_344 : memref<16xi32, #tpu.memory_space<vmem>>) semaphore(%arg7 : memref<!tpu.dma_semaphore, #tpu.memory_space<semaphore_mem>>)
      %mul3A_348 = arith.constant 8 : i32
      %mul3A_349 = arith.muli %min3A_302, %mul3A_348 : i32
      %add3A_350 = arith.constant 2 : i32
      %add3A_351 = arith.addi %mul3A_349, %add3A_350 : i32
      %dma_start3A_352 = arith.constant 0 : i32
      %dma_start3A_353 = arith.constant 32 : i32
      %dma_start3A_354 = arith.constant 0 : i32
      %dma_start3A_355 = tpu.memref_slice %arg6[%dma_start3A_352, %dma_start3A_353, %dma_start3A_354] : memref<2x128x128xi32, #tpu.memory_space<vmem>> -> memref<1x16x128xi32, #tpu.memory_space<vmem>>
      %dma_start3A_356 = tpu.memref_squeeze %dma_start3A_355 : memref<1x16x128xi32, #tpu.memory_space<vmem>> -> memref<16x128xi32, #tpu.memory_space<vmem>>
      %dma_start3A_357 = arith.constant 0 : i32
      %dma_start3A_358 = tpu.memref_slice %arg5[%add3A_351, %dma_start3A_357] : memref<512x16xi32, #tpu.memory_space<vmem>> -> memref<1x16xi32, #tpu.memory_space<vmem>>
      %dma_start3A_359 = tpu.memref_squeeze %dma_start3A_358 : memref<1x16xi32, #tpu.memory_space<vmem>> -> memref<16xi32, #tpu.memory_space<vmem>>
      %dma_start3A_360 = arith.constant 0 : i32
      %dma_start3A_361 = arith.constant 0 : i32
      %dma_start3A_362 = tpu.memref_slice %arg3[%dma_start3A_360, %dma_start3A_361] : memref<8192x128xi32, #tpu.memory_space<hbm>> -> memref<8192x128xi32, #tpu.memory_space<hbm>>
      tpu.enqueue_indirect_dma source(%dma_start3A_362 : memref<8192x128xi32, #tpu.memory_space<hbm>>) target(%dma_start3A_356 : memref<16x128xi32, #tpu.memory_space<vmem>>) offsets(%dma_start3A_359 : memref<16xi32, #tpu.memory_space<vmem>>) semaphore(%arg7 : memref<!tpu.dma_semaphore, #tpu.memory_space<semaphore_mem>>)
      %mul3A_363 = arith.constant 8 : i32
      %mul3A_364 = arith.muli %min3A_302, %mul3A_363 : i32
      %add3A_365 = arith.constant 3 : i32
      %add3A_366 = arith.addi %mul3A_364, %add3A_365 : i32
      %dma_start3A_367 = arith.constant 0 : i32
      %dma_start3A_368 = arith.constant 48 : i32
      %dma_start3A_369 = arith.constant 0 : i32
      %dma_start3A_370 = tpu.memref_slice %arg6[%dma_start3A_367, %dma_start3A_368, %dma_start3A_369] : memref<2x128x128xi32, #tpu.memory_space<vmem>> -> memref<1x16x128xi32, #tpu.memory_space<vmem>>
      %dma_start3A_371 = tpu.memref_squeeze %dma_start3A_370 : memref<1x16x128xi32, #tpu.memory_space<vmem>> -> memref<16x128xi32, #tpu.memory_space<vmem>>
      %dma_start3A_372 = arith.constant 0 : i32
      %dma_start3A_373 = tpu.memref_slice %arg5[%add3A_366, %dma_start3A_372] : memref<512x16xi32, #tpu.memory_space<vmem>> -> memref<1x16xi32, #tpu.memory_space<vmem>>
      %dma_start3A_374 = tpu.memref_squeeze %dma_start3A_373 : memref<1x16xi32, #tpu.memory_space<vmem>> -> memref<16xi32, #tpu.memory_space<vmem>>
      %dma_start3A_375 = arith.constant 0 : i32
      %dma_start3A_376 = arith.constant 0 : i32
      %dma_start3A_377 = tpu.memref_slice %arg3[%dma_start3A_375, %dma_start3A_376] : memref<8192x128xi32, #tpu.memory_space<hbm>> -> memref<8192x128xi32, #tpu.memory_space<hbm>>
      tpu.enqueue_indirect_dma source(%dma_start3A_377 : memref<8192x128xi32, #tpu.memory_space<hbm>>) target(%dma_start3A_371 : memref<16x128xi32, #tpu.memory_space<vmem>>) offsets(%dma_start3A_374 : memref<16xi32, #tpu.memory_space<vmem>>) semaphore(%arg7 : memref<!tpu.dma_semaphore, #tpu.memory_space<semaphore_mem>>)
      %mul3A_378 = arith.constant 8 : i32
      %mul3A_379 = arith.muli %min3A_302, %mul3A_378 : i32
      %add3A_380 = arith.constant 4 : i32
      %add3A_381 = arith.addi %mul3A_379, %add3A_380 : i32
      %dma_start3A_382 = arith.constant 0 : i32
      %dma_start3A_383 = arith.constant 64 : i32
      %dma_start3A_384 = arith.constant 0 : i32
      %dma_start3A_385 = tpu.memref_slice %arg6[%dma_start3A_382, %dma_start3A_383, %dma_start3A_384] : memref<2x128x128xi32, #tpu.memory_space<vmem>> -> memref<1x16x128xi32, #tpu.memory_space<vmem>>
      %dma_start3A_386 = tpu.memref_squeeze %dma_start3A_385 : memref<1x16x128xi32, #tpu.memory_space<vmem>> -> memref<16x128xi32, #tpu.memory_space<vmem>>
      %dma_start3A_387 = arith.constant 0 : i32
      %dma_start3A_388 = tpu.memref_slice %arg5[%add3A_381, %dma_start3A_387] : memref<512x16xi32, #tpu.memory_space<vmem>> -> memref<1x16xi32, #tpu.memory_space<vmem>>
      %dma_start3A_389 = tpu.memref_squeeze %dma_start3A_388 : memref<1x16xi32, #tpu.memory_space<vmem>> -> memref<16xi32, #tpu.memory_space<vmem>>
      %dma_start3A_390 = arith.constant 0 : i32
      %dma_start3A_391 = arith.constant 0 : i32
      %dma_start3A_392 = tpu.memref_slice %arg3[%dma_start3A_390, %dma_start3A_391] : memref<8192x128xi32, #tpu.memory_space<hbm>> -> memref<8192x128xi32, #tpu.memory_space<hbm>>
      tpu.enqueue_indirect_dma source(%dma_start3A_392 : memref<8192x128xi32, #tpu.memory_space<hbm>>) target(%dma_start3A_386 : memref<16x128xi32, #tpu.memory_space<vmem>>) offsets(%dma_start3A_389 : memref<16xi32, #tpu.memory_space<vmem>>) semaphore(%arg7 : memref<!tpu.dma_semaphore, #tpu.memory_space<semaphore_mem>>)
      %mul3A_393 = arith.constant 8 : i32
      %mul3A_394 = arith.muli %min3A_302, %mul3A_393 : i32
      %add3A_395 = arith.constant 5 : i32
      %add3A_396 = arith.addi %mul3A_394, %add3A_395 : i32
      %dma_start3A_397 = arith.constant 0 : i32
      %dma_start3A_398 = arith.constant 80 : i32
      %dma_start3A_399 = arith.constant 0 : i32
      %dma_start3A_400 = tpu.memref_slice %arg6[%dma_start3A_397, %dma_start3A_398, %dma_start3A_399] : memref<2x128x128xi32, #tpu.memory_space<vmem>> -> memref<1x16x128xi32, #tpu.memory_space<vmem>>
      %dma_start3A_401 = tpu.memref_squeeze %dma_start3A_400 : memref<1x16x128xi32, #tpu.memory_space<vmem>> -> memref<16x128xi32, #tpu.memory_space<vmem>>
      %dma_start3A_402 = arith.constant 0 : i32
      %dma_start3A_403 = tpu.memref_slice %arg5[%add3A_396, %dma_start3A_402] : memref<512x16xi32, #tpu.memory_space<vmem>> -> memref<1x16xi32, #tpu.memory_space<vmem>>
      %dma_start3A_404 = tpu.memref_squeeze %dma_start3A_403 : memref<1x16xi32, #tpu.memory_space<vmem>> -> memref<16xi32, #tpu.memory_space<vmem>>
      %dma_start3A_405 = arith.constant 0 : i32
      %dma_start3A_406 = arith.constant 0 : i32
      %dma_start3A_407 = tpu.memref_slice %arg3[%dma_start3A_405, %dma_start3A_406] : memref<8192x128xi32, #tpu.memory_space<hbm>> -> memref<8192x128xi32, #tpu.memory_space<hbm>>
      tpu.enqueue_indirect_dma source(%dma_start3A_407 : memref<8192x128xi32, #tpu.memory_space<hbm>>) target(%dma_start3A_401 : memref<16x128xi32, #tpu.memory_space<vmem>>) offsets(%dma_start3A_404 : memref<16xi32, #tpu.memory_space<vmem>>) semaphore(%arg7 : memref<!tpu.dma_semaphore, #tpu.memory_space<semaphore_mem>>)
      %mul3A_408 = arith.constant 8 : i32
      %mul3A_409 = arith.muli %min3A_302, %mul3A_408 : i32
      %add3A_410 = arith.constant 6 : i32
      %add3A_411 = arith.addi %mul3A_409, %add3A_410 : i32
      %dma_start3A_412 = arith.constant 0 : i32
      %dma_start3A_413 = arith.constant 96 : i32
      %dma_start3A_414 = arith.constant 0 : i32
      %dma_start3A_415 = tpu.memref_slice %arg6[%dma_start3A_412, %dma_start3A_413, %dma_start3A_414] : memref<2x128x128xi32, #tpu.memory_space<vmem>> -> memref<1x16x128xi32, #tpu.memory_space<vmem>>
      %dma_start3A_416 = tpu.memref_squeeze %dma_start3A_415 : memref<1x16x128xi32, #tpu.memory_space<vmem>> -> memref<16x128xi32, #tpu.memory_space<vmem>>
      %dma_start3A_417 = arith.constant 0 : i32
      %dma_start3A_418 = tpu.memref_slice %arg5[%add3A_411, %dma_start3A_417] : memref<512x16xi32, #tpu.memory_space<vmem>> -> memref<1x16xi32, #tpu.memory_space<vmem>>
      %dma_start3A_419 = tpu.memref_squeeze %dma_start3A_418 : memref<1x16xi32, #tpu.memory_space<vmem>> -> memref<16xi32, #tpu.memory_space<vmem>>
      %dma_start3A_420 = arith.constant 0 : i32
      %dma_start3A_421 = arith.constant 0 : i32
      %dma_start3A_422 = tpu.memref_slice %arg3[%dma_start3A_420, %dma_start3A_421] : memref<8192x128xi32, #tpu.memory_space<hbm>> -> memref<8192x128xi32, #tpu.memory_space<hbm>>
      tpu.enqueue_indirect_dma source(%dma_start3A_422 : memref<8192x128xi32, #tpu.memory_space<hbm>>) target(%dma_start3A_416 : memref<16x128xi32, #tpu.memory_space<vmem>>) offsets(%dma_start3A_419 : memref<16xi32, #tpu.memory_space<vmem>>) semaphore(%arg7 : memref<!tpu.dma_semaphore, #tpu.memory_space<semaphore_mem>>)
      %mul3A_423 = arith.constant 8 : i32
      %mul3A_424 = arith.muli %min3A_302, %mul3A_423 : i32
      %add3A_425 = arith.constant 7 : i32
      %add3A_426 = arith.addi %mul3A_424, %add3A_425 : i32
      %dma_start3A_427 = arith.constant 0 : i32
      %dma_start3A_428 = arith.constant 112 : i32
      %dma_start3A_429 = arith.constant 0 : i32
      %dma_start3A_430 = tpu.memref_slice %arg6[%dma_start3A_427, %dma_start3A_428, %dma_start3A_429] : memref<2x128x128xi32, #tpu.memory_space<vmem>> -> memref<1x16x128xi32, #tpu.memory_space<vmem>>
      %dma_start3A_431 = tpu.memref_squeeze %dma_start3A_430 : memref<1x16x128xi32, #tpu.memory_space<vmem>> -> memref<16x128xi32, #tpu.memory_space<vmem>>
      %dma_start3A_432 = arith.constant 0 : i32
      %dma_start3A_433 = tpu.memref_slice %arg5[%add3A_426, %dma_start3A_432] : memref<512x16xi32, #tpu.memory_space<vmem>> -> memref<1x16xi32, #tpu.memory_space<vmem>>
      %dma_start3A_434 = tpu.memref_squeeze %dma_start3A_433 : memref<1x16xi32, #tpu.memory_space<vmem>> -> memref<16xi32, #tpu.memory_space<vmem>>
      %dma_start3A_435 = arith.constant 0 : i32
      %dma_start3A_436 = arith.constant 0 : i32
      %dma_start3A_437 = tpu.memref_slice %arg3[%dma_start3A_435, %dma_start3A_436] : memref<8192x128xi32, #tpu.memory_space<hbm>> -> memref<8192x128xi32, #tpu.memory_space<hbm>>
      tpu.enqueue_indirect_dma source(%dma_start3A_437 : memref<8192x128xi32, #tpu.memory_space<hbm>>) target(%dma_start3A_431 : memref<16x128xi32, #tpu.memory_space<vmem>>) offsets(%dma_start3A_434 : memref<16xi32, #tpu.memory_space<vmem>>) semaphore(%arg7 : memref<!tpu.dma_semaphore, #tpu.memory_space<semaphore_mem>>)
      %dma_wait3A_438 = arith.constant 1 : i32
      %dma_wait3A_439 = arith.constant 0 : i32
      %dma_wait3A_440 = arith.constant 0 : i32
      %dma_wait3A_441 = tpu.memref_slice %arg6[%dma_wait3A_438, %dma_wait3A_439, %dma_wait3A_440] : memref<2x128x128xi32, #tpu.memory_space<vmem>> -> memref<1x128x128xi32, #tpu.memory_space<vmem>>
      %dma_wait3A_442 = tpu.memref_squeeze %dma_wait3A_441 : memref<1x128x128xi32, #tpu.memory_space<vmem>> -> memref<128x128xi32, #tpu.memory_space<vmem>>
      %dma_wait3A_443 = arith.constant 0 : i32
      %dma_wait3A_444 = arith.constant 0 : i32
      %dma_wait3A_445 = tpu.memref_slice %arg3[%dma_wait3A_443, %dma_wait3A_444] : memref<8192x128xi32, #tpu.memory_space<hbm>> -> memref<128x128xi32, #tpu.memory_space<hbm>>
      %dma_wait3A_446 = arith.constant 0 : i32
      %dma_wait3A_447 = arith.constant 0 : i32
      %dma_wait3A_448 = tpu.memref_slice %arg6[%dma_wait3A_438, %dma_wait3A_446, %dma_wait3A_447] : memref<2x128x128xi32, #tpu.memory_space<vmem>> -> memref<1x128x128xi32, #tpu.memory_space<vmem>>
      %dma_wait3A_449 = tpu.memref_squeeze %dma_wait3A_448 : memref<1x128x128xi32, #tpu.memory_space<vmem>> -> memref<128x128xi32, #tpu.memory_space<vmem>>
      %dma_wait3A_450 = arith.constant 0 : i32
      %dma_wait3A_451 = arith.constant 0 : i32
      %dma_wait3A_452 = tpu.memref_slice %arg3[%dma_wait3A_450, %dma_wait3A_451] : memref<8192x128xi32, #tpu.memory_space<hbm>> -> memref<128x128xi32, #tpu.memory_space<hbm>>
      tpu.wait_dma2 semaphore(%arg8 : memref<!tpu.dma_semaphore, #tpu.memory_space<semaphore_mem>>) src(%dma_wait3A_452 : memref<128x128xi32, #tpu.memory_space<hbm>>) dst(%dma_wait3A_449 : memref<128x128xi32, #tpu.memory_space<vmem>>)
      %parallel_loop3A_453 = arith.constant 0 : i32
      %parallel_loop3A_454 = arith.constant 16 : i32
      %parallel_loop3A_455 = arith.constant 1 : i32
      scf.for %parallel_loop3A_474 = %parallel_loop3A_453 to %parallel_loop3A_454 step %parallel_loop3A_455  : i32 {
        %parallel_loop3A_475 = arith.constant 0 : i32
        %parallel_loop3A_476 = arith.addi %parallel_loop3A_475, %parallel_loop3A_474 : i32
        %parallel_loop3A_477 = arith.constant 1 : i32
        %parallel_loop3A_478 = arith.index_cast %parallel_loop3A_477 : i32 to index
        %parallel_loop3A_479 = arith.index_cast %parallel_loop3A_476 : i32 to index
        %parallel_loop3A_480 = arith.constant 0 : index
        %parallel_loop3A_481 = tpu.vector_load %arg6[%parallel_loop3A_478, %parallel_loop3A_479, %parallel_loop3A_480] {strides = array<i32>} : memref<2x128x128xi32, #tpu.memory_space<vmem>>, vector<16xi32>,
        %parallel_loop3A_482 = vector.bitcast %parallel_loop3A_481 : vector<16xi32> to vector<32xbf16>
        %parallel_loop3A_483 = arith.constant 16 : i32
        %parallel_loop3A_484 = arith.addi %parallel_loop3A_483, %parallel_loop3A_474 : i32
        %parallel_loop3A_485 = arith.constant 1 : i32
        %parallel_loop3A_486 = arith.index_cast %parallel_loop3A_485 : i32 to index
        %parallel_loop3A_487 = arith.index_cast %parallel_loop3A_484 : i32 to index
        %parallel_loop3A_488 = arith.constant 0 : index
        %parallel_loop3A_489 = tpu.vector_load %arg6[%parallel_loop3A_486, %parallel_loop3A_487, %parallel_loop3A_488] {strides = array<i32>} : memref<2x128x128xi32, #tpu.memory_space<vmem>>, vector<16xi32>,
        %parallel_loop3A_490 = vector.bitcast %parallel_loop3A_489 : vector<16xi32> to vector<32xbf16>
        %parallel_loop3A_491 = arith.addf %parallel_loop3A_482, %parallel_loop3A_490 : vector<32xbf16>
        %parallel_loop3A_492 = arith.constant 32 : i32
        %parallel_loop3A_493 = arith.addi %parallel_loop3A_492, %parallel_loop3A_474 : i32
        %parallel_loop3A_494 = arith.constant 1 : i32
        %parallel_loop3A_495 = arith.index_cast %parallel_loop3A_494 : i32 to index
        %parallel_loop3A_496 = arith.index_cast %parallel_loop3A_493 : i32 to index
        %parallel_loop3A_497 = arith.constant 0 : index
        %parallel_loop3A_498 = tpu.vector_load %arg6[%parallel_loop3A_495, %parallel_loop3A_496, %parallel_loop3A_497] {strides = array<i32>} : memref<2x128x128xi32, #tpu.memory_space<vmem>>, vector<16xi32>,
        %parallel_loop3A_499 = vector.bitcast %parallel_loop3A_498 : vector<16xi32> to vector<32xbf16>
        %parallel_loop3A_500 = arith.constant 48 : i32
        %parallel_loop3A_501 = arith.addi %parallel_loop3A_500, %parallel_loop3A_474 : i32
        %parallel_loop3A_502 = arith.constant 1 : i32
        %parallel_loop3A_503 = arith.index_cast %parallel_loop3A_502 : i32 to index
        %parallel_loop3A_504 = arith.index_cast %parallel_loop3A_501 : i32 to index
        %parallel_loop3A_505 = arith.constant 0 : index
        %parallel_loop3A_506 = tpu.vector_load %arg6[%parallel_loop3A_503, %parallel_loop3A_504, %parallel_loop3A_505] {strides = array<i32>} : memref<2x128x128xi32, #tpu.memory_space<vmem>>, vector<16xi32>,
        %parallel_loop3A_507 = vector.bitcast %parallel_loop3A_506 : vector<16xi32> to vector<32xbf16>
        %parallel_loop3A_508 = arith.addf %parallel_loop3A_499, %parallel_loop3A_507 : vector<32xbf16>
        %parallel_loop3A_509 = arith.constant 64 : i32
        %parallel_loop3A_510 = arith.addi %parallel_loop3A_509, %parallel_loop3A_474 : i32
        %parallel_loop3A_511 = arith.constant 1 : i32
        %parallel_loop3A_512 = arith.index_cast %parallel_loop3A_511 : i32 to index
        %parallel_loop3A_513 = arith.index_cast %parallel_loop3A_510 : i32 to index
        %parallel_loop3A_514 = arith.constant 0 : index
        %parallel_loop3A_515 = tpu.vector_load %arg6[%parallel_loop3A_512, %parallel_loop3A_513, %parallel_loop3A_514] {strides = array<i32>} : memref<2x128x128xi32, #tpu.memory_space<vmem>>, vector<16xi32>,
        %parallel_loop3A_516 = vector.bitcast %parallel_loop3A_515 : vector<16xi32> to vector<32xbf16>
        %parallel_loop3A_517 = arith.constant 80 : i32
        %parallel_loop3A_518 = arith.addi %parallel_loop3A_517, %parallel_loop3A_474 : i32
        %parallel_loop3A_519 = arith.constant 1 : i32
        %parallel_loop3A_520 = arith.index_cast %parallel_loop3A_519 : i32 to index
        %parallel_loop3A_521 = arith.index_cast %parallel_loop3A_518 : i32 to index
        %parallel_loop3A_522 = arith.constant 0 : index
        %parallel_loop3A_523 = tpu.vector_load %arg6[%parallel_loop3A_520, %parallel_loop3A_521, %parallel_loop3A_522] {strides = array<i32>} : memref<2x128x128xi32, #tpu.memory_space<vmem>>, vector<16xi32>,
        %parallel_loop3A_524 = vector.bitcast %parallel_loop3A_523 : vector<16xi32> to vector<32xbf16>
        %parallel_loop3A_525 = arith.addf %parallel_loop3A_516, %parallel_loop3A_524 : vector<32xbf16>
        %parallel_loop3A_526 = arith.constant 96 : i32
        %parallel_loop3A_527 = arith.addi %parallel_loop3A_526, %parallel_loop3A_474 : i32
        %parallel_loop3A_528 = arith.constant 1 : i32
        %parallel_loop3A_529 = arith.index_cast %parallel_loop3A_528 : i32 to index
        %parallel_loop3A_530 = arith.index_cast %parallel_loop3A_527 : i32 to index
        %parallel_loop3A_531 = arith.constant 0 : index
        %parallel_loop3A_532 = tpu.vector_load %arg6[%parallel_loop3A_529, %parallel_loop3A_530, %parallel_loop3A_531] {strides = array<i32>} : memref<2x128x128xi32, #tpu.memory_space<vmem>>, vector<16xi32>,
        %parallel_loop3A_533 = vector.bitcast %parallel_loop3A_532 : vector<16xi32> to vector<32xbf16>
        %parallel_loop3A_534 = arith.constant 112 : i32
        %parallel_loop3A_535 = arith.addi %parallel_loop3A_534, %parallel_loop3A_474 : i32
        %parallel_loop3A_536 = arith.constant 1 : i32
        %parallel_loop3A_537 = arith.index_cast %parallel_loop3A_536 : i32 to index
        %parallel_loop3A_538 = arith.index_cast %parallel_loop3A_535 : i32 to index
        %parallel_loop3A_539 = arith.constant 0 : index
        %parallel_loop3A_540 = tpu.vector_load %arg6[%parallel_loop3A_537, %parallel_loop3A_538, %parallel_loop3A_539] {strides = array<i32>} : memref<2x128x128xi32, #tpu.memory_space<vmem>>, vector<16xi32>,
        %parallel_loop3A_541 = vector.bitcast %parallel_loop3A_540 : vector<16xi32> to vector<32xbf16>
        %parallel_loop3A_542 = arith.addf %parallel_loop3A_533, %parallel_loop3A_541 : vector<32xbf16>
        %parallel_loop3A_543 = arith.addf %parallel_loop3A_491, %parallel_loop3A_508 : vector<32xbf16>
        %parallel_loop3A_544 = arith.addf %parallel_loop3A_525, %parallel_loop3A_542 : vector<32xbf16>
        %parallel_loop3A_545 = arith.addf %parallel_loop3A_543, %parallel_loop3A_544 : vector<32xbf16>
        %parallel_loop3A_546 = vector.bitcast %parallel_loop3A_545 : vector<32xbf16> to vector<16xi32>
        %parallel_loop3A_547 = arith.constant 1 : i32
        %parallel_loop3A_548 = arith.index_cast %parallel_loop3A_547 : i32 to index
        %parallel_loop3A_549 = arith.index_cast %parallel_loop3A_474 : i32 to index
        %parallel_loop3A_550 = arith.constant 0 : index
        %parallel_loop3A_551 = tpu.vector_load %arg6[%parallel_loop3A_548, %parallel_loop3A_549, %parallel_loop3A_550] {strides = array<i32>} : memref<2x128x128xi32, #tpu.memory_space<vmem>>, vector<16xi32>,
        tpu.vector_store %arg6[%parallel_loop3A_548, %parallel_loop3A_549, %parallel_loop3A_550], %parallel_loop3A_546 {strides = array<i32>} : memref<2x128x128xi32, #tpu.memory_space<vmem>>, vector<16xi32>,
        %parallel_loop3A_552 = arith.constant 0 : i32
        %parallel_loop3A_553 = arith.addi %parallel_loop3A_552, %parallel_loop3A_474 : i32
        %parallel_loop3A_554 = arith.constant 1 : i32
        %parallel_loop3A_555 = arith.index_cast %parallel_loop3A_554 : i32 to index
        %parallel_loop3A_556 = arith.index_cast %parallel_loop3A_553 : i32 to index
        %parallel_loop3A_557 = arith.constant 16 : index
        %parallel_loop3A_558 = tpu.vector_load %arg6[%parallel_loop3A_555, %parallel_loop3A_556, %parallel_loop3A_557] {strides = array<i32>} : memref<2x128x128xi32, #tpu.memory_space<vmem>>, vector<16xi32>,
        %parallel_loop3A_559 = vector.bitcast %parallel_loop3A_558 : vector<16xi32> to vector<32xbf16>
        %parallel_loop3A_560 = arith.constant 16 : i32
        %parallel_loop3A_561 = arith.addi %parallel_loop3A_560, %parallel_loop3A_474 : i32
        %parallel_loop3A_562 = arith.constant 1 : i32
        %parallel_loop3A_563 = arith.index_cast %parallel_loop3A_562 : i32 to index
        %parallel_loop3A_564 = arith.index_cast %parallel_loop3A_561 : i32 to index
        %parallel_loop3A_565 = arith.constant 16 : index
        %parallel_loop3A_566 = tpu.vector_load %arg6[%parallel_loop3A_563, %parallel_loop3A_564, %parallel_loop3A_565] {strides = array<i32>} : memref<2x128x128xi32, #tpu.memory_space<vmem>>, vector<16xi32>,
        %parallel_loop3A_567 = vector.bitcast %parallel_loop3A_566 : vector<16xi32> to vector<32xbf16>
        %parallel_loop3A_568 = arith.addf %parallel_loop3A_559, %parallel_loop3A_567 : vector<32xbf16>
        %parallel_loop3A_569 = arith.constant 32 : i32
        %parallel_loop3A_570 = arith.addi %parallel_loop3A_569, %parallel_loop3A_474 : i32
        %parallel_loop3A_571 = arith.constant 1 : i32
        %parallel_loop3A_572 = arith.index_cast %parallel_loop3A_571 : i32 to index
        %parallel_loop3A_573 = arith.index_cast %parallel_loop3A_570 : i32 to index
        %parallel_loop3A_574 = arith.constant 16 : index
        %parallel_loop3A_575 = tpu.vector_load %arg6[%parallel_loop3A_572, %parallel_loop3A_573, %parallel_loop3A_574] {strides = array<i32>} : memref<2x128x128xi32, #tpu.memory_space<vmem>>, vector<16xi32>,
        %parallel_loop3A_576 = vector.bitcast %parallel_loop3A_575 : vector<16xi32> to vector<32xbf16>
        %parallel_loop3A_577 = arith.constant 48 : i32
        %parallel_loop3A_578 = arith.addi %parallel_loop3A_577, %parallel_loop3A_474 : i32
        %parallel_loop3A_579 = arith.constant 1 : i32
        %parallel_loop3A_580 = arith.index_cast %parallel_loop3A_579 : i32 to index
        %parallel_loop3A_581 = arith.index_cast %parallel_loop3A_578 : i32 to index
        %parallel_loop3A_582 = arith.constant 16 : index
        %parallel_loop3A_583 = tpu.vector_load %arg6[%parallel_loop3A_580, %parallel_loop3A_581, %parallel_loop3A_582] {strides = array<i32>} : memref<2x128x128xi32, #tpu.memory_space<vmem>>, vector<16xi32>,
        %parallel_loop3A_584 = vector.bitcast %parallel_loop3A_583 : vector<16xi32> to vector<32xbf16>
        %parallel_loop3A_585 = arith.addf %parallel_loop3A_576, %parallel_loop3A_584 : vector<32xbf16>
        %parallel_loop3A_586 = arith.constant 64 : i32
        %parallel_loop3A_587 = arith.addi %parallel_loop3A_586, %parallel_loop3A_474 : i32
        %parallel_loop3A_588 = arith.constant 1 : i32
        %parallel_loop3A_589 = arith.index_cast %parallel_loop3A_588 : i32 to index
        %parallel_loop3A_590 = arith.index_cast %parallel_loop3A_587 : i32 to index
        %parallel_loop3A_591 = arith.constant 16 : index
        %parallel_loop3A_592 = tpu.vector_load %arg6[%parallel_loop3A_589, %parallel_loop3A_590, %parallel_loop3A_591] {strides = array<i32>} : memref<2x128x128xi32, #tpu.memory_space<vmem>>, vector<16xi32>,
        %parallel_loop3A_593 = vector.bitcast %parallel_loop3A_592 : vector<16xi32> to vector<32xbf16>
        %parallel_loop3A_594 = arith.constant 80 : i32
        %parallel_loop3A_595 = arith.addi %parallel_loop3A_594, %parallel_loop3A_474 : i32
        %parallel_loop3A_596 = arith.constant 1 : i32
        %parallel_loop3A_597 = arith.index_cast %parallel_loop3A_596 : i32 to index
        %parallel_loop3A_598 = arith.index_cast %parallel_loop3A_595 : i32 to index
        %parallel_loop3A_599 = arith.constant 16 : index
        %parallel_loop3A_600 = tpu.vector_load %arg6[%parallel_loop3A_597, %parallel_loop3A_598, %parallel_loop3A_599] {strides = array<i32>} : memref<2x128x128xi32, #tpu.memory_space<vmem>>, vector<16xi32>,
        %parallel_loop3A_601 = vector.bitcast %parallel_loop3A_600 : vector<16xi32> to vector<32xbf16>
        %parallel_loop3A_602 = arith.addf %parallel_loop3A_593, %parallel_loop3A_601 : vector<32xbf16>
        %parallel_loop3A_603 = arith.constant 96 : i32
        %parallel_loop3A_604 = arith.addi %parallel_loop3A_603, %parallel_loop3A_474 : i32
        %parallel_loop3A_605 = arith.constant 1 : i32
        %parallel_loop3A_606 = arith.index_cast %parallel_loop3A_605 : i32 to index
        %parallel_loop3A_607 = arith.index_cast %parallel_loop3A_604 : i32 to index
        %parallel_loop3A_608 = arith.constant 16 : index
        %parallel_loop3A_609 = tpu.vector_load %arg6[%parallel_loop3A_606, %parallel_loop3A_607, %parallel_loop3A_608] {strides = array<i32>} : memref<2x128x128xi32, #tpu.memory_space<vmem>>, vector<16xi32>,
        %parallel_loop3A_610 = vector.bitcast %parallel_loop3A_609 : vector<16xi32> to vector<32xbf16>
        %parallel_loop3A_611 = arith.constant 112 : i32
        %parallel_loop3A_612 = arith.addi %parallel_loop3A_611, %parallel_loop3A_474 : i32
        %parallel_loop3A_613 = arith.constant 1 : i32
        %parallel_loop3A_614 = arith.index_cast %parallel_loop3A_613 : i32 to index
        %parallel_loop3A_615 = arith.index_cast %parallel_loop3A_612 : i32 to index
        %parallel_loop3A_616 = arith.constant 16 : index
        %parallel_loop3A_617 = tpu.vector_load %arg6[%parallel_loop3A_614, %parallel_loop3A_615, %parallel_loop3A_616] {strides = array<i32>} : memref<2x128x128xi32, #tpu.memory_space<vmem>>, vector<16xi32>,
        %parallel_loop3A_618 = vector.bitcast %parallel_loop3A_617 : vector<16xi32> to vector<32xbf16>
        %parallel_loop3A_619 = arith.addf %parallel_loop3A_610, %parallel_loop3A_618 : vector<32xbf16>
        %parallel_loop3A_620 = arith.addf %parallel_loop3A_568, %parallel_loop3A_585 : vector<32xbf16>
        %parallel_loop3A_621 = arith.addf %parallel_loop3A_602, %parallel_loop3A_619 : vector<32xbf16>
        %parallel_loop3A_622 = arith.addf %parallel_loop3A_620, %parallel_loop3A_621 : vector<32xbf16>
        %parallel_loop3A_623 = vector.bitcast %parallel_loop3A_622 : vector<32xbf16> to vector<16xi32>
        %parallel_loop3A_624 = arith.constant 1 : i32
        %parallel_loop3A_625 = arith.index_cast %parallel_loop3A_624 : i32 to index
        %parallel_loop3A_626 = arith.index_cast %parallel_loop3A_474 : i32 to index
        %parallel_loop3A_627 = arith.constant 16 : index
        %parallel_loop3A_628 = tpu.vector_load %arg6[%parallel_loop3A_625, %parallel_loop3A_626, %parallel_loop3A_627] {strides = array<i32>} : memref<2x128x128xi32, #tpu.memory_space<vmem>>, vector<16xi32>,
        tpu.vector_store %arg6[%parallel_loop3A_625, %parallel_loop3A_626, %parallel_loop3A_627], %parallel_loop3A_623 {strides = array<i32>} : memref<2x128x128xi32, #tpu.memory_space<vmem>>, vector<16xi32>,
        %parallel_loop3A_629 = arith.constant 0 : i32
        %parallel_loop3A_630 = arith.addi %parallel_loop3A_629, %parallel_loop3A_474 : i32
        %parallel_loop3A_631 = arith.constant 1 : i32
        %parallel_loop3A_632 = arith.index_cast %parallel_loop3A_631 : i32 to index
        %parallel_loop3A_633 = arith.index_cast %parallel_loop3A_630 : i32 to index
        %parallel_loop3A_634 = arith.constant 32 : index
        %parallel_loop3A_635 = tpu.vector_load %arg6[%parallel_loop3A_632, %parallel_loop3A_633, %parallel_loop3A_634] {strides = array<i32>} : memref<2x128x128xi32, #tpu.memory_space<vmem>>, vector<16xi32>,
        %parallel_loop3A_636 = vector.bitcast %parallel_loop3A_635 : vector<16xi32> to vector<32xbf16>
        %parallel_loop3A_637 = arith.constant 16 : i32
        %parallel_loop3A_638 = arith.addi %parallel_loop3A_637, %parallel_loop3A_474 : i32
        %parallel_loop3A_639 = arith.constant 1 : i32
        %parallel_loop3A_640 = arith.index_cast %parallel_loop3A_639 : i32 to index
        %parallel_loop3A_641 = arith.index_cast %parallel_loop3A_638 : i32 to index
        %parallel_loop3A_642 = arith.constant 32 : index
        %parallel_loop3A_643 = tpu.vector_load %arg6[%parallel_loop3A_640, %parallel_loop3A_641, %parallel_loop3A_642] {strides = array<i32>} : memref<2x128x128xi32, #tpu.memory_space<vmem>>, vector<16xi32>,
        %parallel_loop3A_644 = vector.bitcast %parallel_loop3A_643 : vector<16xi32> to vector<32xbf16>
        %parallel_loop3A_645 = arith.addf %parallel_loop3A_636, %parallel_loop3A_644 : vector<32xbf16>
        %parallel_loop3A_646 = arith.constant 32 : i32
        %parallel_loop3A_647 = arith.addi %parallel_loop3A_646, %parallel_loop3A_474 : i32
        %parallel_loop3A_648 = arith.constant 1 : i32
        %parallel_loop3A_649 = arith.index_cast %parallel_loop3A_648 : i32 to index
        %parallel_loop3A_650 = arith.index_cast %parallel_loop3A_647 : i32 to index
        %parallel_loop3A_651 = arith.constant 32 : index
        %parallel_loop3A_652 = tpu.vector_load %arg6[%parallel_loop3A_649, %parallel_loop3A_650, %parallel_loop3A_651] {strides = array<i32>} : memref<2x128x128xi32, #tpu.memory_space<vmem>>, vector<16xi32>,
        %parallel_loop3A_653 = vector.bitcast %parallel_loop3A_652 : vector<16xi32> to vector<32xbf16>
        %parallel_loop3A_654 = arith.constant 48 : i32
        %parallel_loop3A_655 = arith.addi %parallel_loop3A_654, %parallel_loop3A_474 : i32
        %parallel_loop3A_656 = arith.constant 1 : i32
        %parallel_loop3A_657 = arith.index_cast %parallel_loop3A_656 : i32 to index
        %parallel_loop3A_658 = arith.index_cast %parallel_loop3A_655 : i32 to index
        %parallel_loop3A_659 = arith.constant 32 : index
        %parallel_loop3A_660 = tpu.vector_load %arg6[%parallel_loop3A_657, %parallel_loop3A_658, %parallel_loop3A_659] {strides = array<i32>} : memref<2x128x128xi32, #tpu.memory_space<vmem>>, vector<16xi32>,
        %parallel_loop3A_661 = vector.bitcast %parallel_loop3A_660 : vector<16xi32> to vector<32xbf16>
        %parallel_loop3A_662 = arith.addf %parallel_loop3A_653, %parallel_loop3A_661 : vector<32xbf16>
        %parallel_loop3A_663 = arith.constant 64 : i32
        %parallel_loop3A_664 = arith.addi %parallel_loop3A_663, %parallel_loop3A_474 : i32
        %parallel_loop3A_665 = arith.constant 1 : i32
        %parallel_loop3A_666 = arith.index_cast %parallel_loop3A_665 : i32 to index
        %parallel_loop3A_667 = arith.index_cast %parallel_loop3A_664 : i32 to index
        %parallel_loop3A_668 = arith.constant 32 : index
        %parallel_loop3A_669 = tpu.vector_load %arg6[%parallel_loop3A_666, %parallel_loop3A_667, %parallel_loop3A_668] {strides = array<i32>} : memref<2x128x128xi32, #tpu.memory_space<vmem>>, vector<16xi32>,
        %parallel_loop3A_670 = vector.bitcast %parallel_loop3A_669 : vector<16xi32> to vector<32xbf16>
        %parallel_loop3A_671 = arith.constant 80 : i32
        %parallel_loop3A_672 = arith.addi %parallel_loop3A_671, %parallel_loop3A_474 : i32
        %parallel_loop3A_673 = arith.constant 1 : i32
        %parallel_loop3A_674 = arith.index_cast %parallel_loop3A_673 : i32 to index
        %parallel_loop3A_675 = arith.index_cast %parallel_loop3A_672 : i32 to index
        %parallel_loop3A_676 = arith.constant 32 : index
        %parallel_loop3A_677 = tpu.vector_load %arg6[%parallel_loop3A_674, %parallel_loop3A_675, %parallel_loop3A_676] {strides = array<i32>} : memref<2x128x128xi32, #tpu.memory_space<vmem>>, vector<16xi32>,
        %parallel_loop3A_678 = vector.bitcast %parallel_loop3A_677 : vector<16xi32> to vector<32xbf16>
        %parallel_loop3A_679 = arith.addf %parallel_loop3A_670, %parallel_loop3A_678 : vector<32xbf16>
        %parallel_loop3A_680 = arith.constant 96 : i32
        %parallel_loop3A_681 = arith.addi %parallel_loop3A_680, %parallel_loop3A_474 : i32
        %parallel_loop3A_682 = arith.constant 1 : i32
        %parallel_loop3A_683 = arith.index_cast %parallel_loop3A_682 : i32 to index
        %parallel_loop3A_684 = arith.index_cast %parallel_loop3A_681 : i32 to index
        %parallel_loop3A_685 = arith.constant 32 : index
        %parallel_loop3A_686 = tpu.vector_load %arg6[%parallel_loop3A_683, %parallel_loop3A_684, %parallel_loop3A_685] {strides = array<i32>} : memref<2x128x128xi32, #tpu.memory_space<vmem>>, vector<16xi32>,
        %parallel_loop3A_687 = vector.bitcast %parallel_loop3A_686 : vector<16xi32> to vector<32xbf16>
        %parallel_loop3A_688 = arith.constant 112 : i32
        %parallel_loop3A_689 = arith.addi %parallel_loop3A_688, %parallel_loop3A_474 : i32
        %parallel_loop3A_690 = arith.constant 1 : i32
        %parallel_loop3A_691 = arith.index_cast %parallel_loop3A_690 : i32 to index
        %parallel_loop3A_692 = arith.index_cast %parallel_loop3A_689 : i32 to index
        %parallel_loop3A_693 = arith.constant 32 : index
        %parallel_loop3A_694 = tpu.vector_load %arg6[%parallel_loop3A_691, %parallel_loop3A_692, %parallel_loop3A_693] {strides = array<i32>} : memref<2x128x128xi32, #tpu.memory_space<vmem>>, vector<16xi32>,
        %parallel_loop3A_695 = vector.bitcast %parallel_loop3A_694 : vector<16xi32> to vector<32xbf16>
        %parallel_loop3A_696 = arith.addf %parallel_loop3A_687, %parallel_loop3A_695 : vector<32xbf16>
        %parallel_loop3A_697 = arith.addf %parallel_loop3A_645, %parallel_loop3A_662 : vector<32xbf16>
        %parallel_loop3A_698 = arith.addf %parallel_loop3A_679, %parallel_loop3A_696 : vector<32xbf16>
        %parallel_loop3A_699 = arith.addf %parallel_loop3A_697, %parallel_loop3A_698 : vector<32xbf16>
        %parallel_loop3A_700 = vector.bitcast %parallel_loop3A_699 : vector<32xbf16> to vector<16xi32>
        %parallel_loop3A_701 = arith.constant 1 : i32
        %parallel_loop3A_702 = arith.index_cast %parallel_loop3A_701 : i32 to index
        %parallel_loop3A_703 = arith.index_cast %parallel_loop3A_474 : i32 to index
        %parallel_loop3A_704 = arith.constant 32 : index
        %parallel_loop3A_705 = tpu.vector_load %arg6[%parallel_loop3A_702, %parallel_loop3A_703, %parallel_loop3A_704] {strides = array<i32>} : memref<2x128x128xi32, #tpu.memory_space<vmem>>, vector<16xi32>,
        tpu.vector_store %arg6[%parallel_loop3A_702, %parallel_loop3A_703, %parallel_loop3A_704], %parallel_loop3A_700 {strides = array<i32>} : memref<2x128x128xi32, #tpu.memory_space<vmem>>, vector<16xi32>,
        %parallel_loop3A_706 = arith.constant 0 : i32
        %parallel_loop3A_707 = arith.addi %parallel_loop3A_706, %parallel_loop3A_474 : i32
        %parallel_loop3A_708 = arith.constant 1 : i32
        %parallel_loop3A_709 = arith.index_cast %parallel_loop3A_708 : i32 to index
        %parallel_loop3A_710 = arith.index_cast %parallel_loop3A_707 : i32 to index
        %parallel_loop3A_711 = arith.constant 48 : index
        %parallel_loop3A_712 = tpu.vector_load %arg6[%parallel_loop3A_709, %parallel_loop3A_710, %parallel_loop3A_711] {strides = array<i32>} : memref<2x128x128xi32, #tpu.memory_space<vmem>>, vector<16xi32>,
        %parallel_loop3A_713 = vector.bitcast %parallel_loop3A_712 : vector<16xi32> to vector<32xbf16>
        %parallel_loop3A_714 = arith.constant 16 : i32
        %parallel_loop3A_715 = arith.addi %parallel_loop3A_714, %parallel_loop3A_474 : i32
        %parallel_loop3A_716 = arith.constant 1 : i32
        %parallel_loop3A_717 = arith.index_cast %parallel_loop3A_716 : i32 to index
        %parallel_loop3A_718 = arith.index_cast %parallel_loop3A_715 : i32 to index
        %parallel_loop3A_719 = arith.constant 48 : index
        %parallel_loop3A_720 = tpu.vector_load %arg6[%parallel_loop3A_717, %parallel_loop3A_718, %parallel_loop3A_719] {strides = array<i32>} : memref<2x128x128xi32, #tpu.memory_space<vmem>>, vector<16xi32>,
        %parallel_loop3A_721 = vector.bitcast %parallel_loop3A_720 : vector<16xi32> to vector<32xbf16>
        %parallel_loop3A_722 = arith.addf %parallel_loop3A_713, %parallel_loop3A_721 : vector<32xbf16>
        %parallel_loop3A_723 = arith.constant 32 : i32
        %parallel_loop3A_724 = arith.addi %parallel_loop3A_723, %parallel_loop3A_474 : i32
        %parallel_loop3A_725 = arith.constant 1 : i32
        %parallel_loop3A_726 = arith.index_cast %parallel_loop3A_725 : i32 to index
        %parallel_loop3A_727 = arith.index_cast %parallel_loop3A_724 : i32 to index
        %parallel_loop3A_728 = arith.constant 48 : index
        %parallel_loop3A_729 = tpu.vector_load %arg6[%parallel_loop3A_726, %parallel_loop3A_727, %parallel_loop3A_728] {strides = array<i32>} : memref<2x128x128xi32, #tpu.memory_space<vmem>>, vector<16xi32>,
        %parallel_loop3A_730 = vector.bitcast %parallel_loop3A_729 : vector<16xi32> to vector<32xbf16>
        %parallel_loop3A_731 = arith.constant 48 : i32
        %parallel_loop3A_732 = arith.addi %parallel_loop3A_731, %parallel_loop3A_474 : i32
        %parallel_loop3A_733 = arith.constant 1 : i32
        %parallel_loop3A_734 = arith.index_cast %parallel_loop3A_733 : i32 to index
        %parallel_loop3A_735 = arith.index_cast %parallel_loop3A_732 : i32 to index
        %parallel_loop3A_736 = arith.constant 48 : index
        %parallel_loop3A_737 = tpu.vector_load %arg6[%parallel_loop3A_734, %parallel_loop3A_735, %parallel_loop3A_736] {strides = array<i32>} : memref<2x128x128xi32, #tpu.memory_space<vmem>>, vector<16xi32>,
        %parallel_loop3A_738 = vector.bitcast %parallel_loop3A_737 : vector<16xi32> to vector<32xbf16>
        %parallel_loop3A_739 = arith.addf %parallel_loop3A_730, %parallel_loop3A_738 : vector<32xbf16>
        %parallel_loop3A_740 = arith.constant 64 : i32
        %parallel_loop3A_741 = arith.addi %parallel_loop3A_740, %parallel_loop3A_474 : i32
        %parallel_loop3A_742 = arith.constant 1 : i32
        %parallel_loop3A_743 = arith.index_cast %parallel_loop3A_742 : i32 to index
        %parallel_loop3A_744 = arith.index_cast %parallel_loop3A_741 : i32 to index
        %parallel_loop3A_745 = arith.constant 48 : index
        %parallel_loop3A_746 = tpu.vector_load %arg6[%parallel_loop3A_743, %parallel_loop3A_744, %parallel_loop3A_745] {strides = array<i32>} : memref<2x128x128xi32, #tpu.memory_space<vmem>>, vector<16xi32>,
        %parallel_loop3A_747 = vector.bitcast %parallel_loop3A_746 : vector<16xi32> to vector<32xbf16>
        %parallel_loop3A_748 = arith.constant 80 : i32
        %parallel_loop3A_749 = arith.addi %parallel_loop3A_748, %parallel_loop3A_474 : i32
        %parallel_loop3A_750 = arith.constant 1 : i32
        %parallel_loop3A_751 = arith.index_cast %parallel_loop3A_750 : i32 to index
        %parallel_loop3A_752 = arith.index_cast %parallel_loop3A_749 : i32 to index
        %parallel_loop3A_753 = arith.constant 48 : index
        %parallel_loop3A_754 = tpu.vector_load %arg6[%parallel_loop3A_751, %parallel_loop3A_752, %parallel_loop3A_753] {strides = array<i32>} : memref<2x128x128xi32, #tpu.memory_space<vmem>>, vector<16xi32>,
        %parallel_loop3A_755 = vector.bitcast %parallel_loop3A_754 : vector<16xi32> to vector<32xbf16>
        %parallel_loop3A_756 = arith.addf %parallel_loop3A_747, %parallel_loop3A_755 : vector<32xbf16>
        %parallel_loop3A_757 = arith.constant 96 : i32
        %parallel_loop3A_758 = arith.addi %parallel_loop3A_757, %parallel_loop3A_474 : i32
        %parallel_loop3A_759 = arith.constant 1 : i32
        %parallel_loop3A_760 = arith.index_cast %parallel_loop3A_759 : i32 to index
        %parallel_loop3A_761 = arith.index_cast %parallel_loop3A_758 : i32 to index
        %parallel_loop3A_762 = arith.constant 48 : index
        %parallel_loop3A_763 = tpu.vector_load %arg6[%parallel_loop3A_760, %parallel_loop3A_761, %parallel_loop3A_762] {strides = array<i32>} : memref<2x128x128xi32, #tpu.memory_space<vmem>>, vector<16xi32>,
        %parallel_loop3A_764 = vector.bitcast %parallel_loop3A_763 : vector<16xi32> to vector<32xbf16>
        %parallel_loop3A_765 = arith.constant 112 : i32
        %parallel_loop3A_766 = arith.addi %parallel_loop3A_765, %parallel_loop3A_474 : i32
        %parallel_loop3A_767 = arith.constant 1 : i32
        %parallel_loop3A_768 = arith.index_cast %parallel_loop3A_767 : i32 to index
        %parallel_loop3A_769 = arith.index_cast %parallel_loop3A_766 : i32 to index
        %parallel_loop3A_770 = arith.constant 48 : index
        %parallel_loop3A_771 = tpu.vector_load %arg6[%parallel_loop3A_768, %parallel_loop3A_769, %parallel_loop3A_770] {strides = array<i32>} : memref<2x128x128xi32, #tpu.memory_space<vmem>>, vector<16xi32>,
        %parallel_loop3A_772 = vector.bitcast %parallel_loop3A_771 : vector<16xi32> to vector<32xbf16>
        %parallel_loop3A_773 = arith.addf %parallel_loop3A_764, %parallel_loop3A_772 : vector<32xbf16>
        %parallel_loop3A_774 = arith.addf %parallel_loop3A_722, %parallel_loop3A_739 : vector<32xbf16>
        %parallel_loop3A_775 = arith.addf %parallel_loop3A_756, %parallel_loop3A_773 : vector<32xbf16>
        %parallel_loop3A_776 = arith.addf %parallel_loop3A_774, %parallel_loop3A_775 : vector<32xbf16>
        %parallel_loop3A_777 = vector.bitcast %parallel_loop3A_776 : vector<32xbf16> to vector<16xi32>
        %parallel_loop3A_778 = arith.constant 1 : i32
        %parallel_loop3A_779 = arith.index_cast %parallel_loop3A_778 : i32 to index
        %parallel_loop3A_780 = arith.index_cast %parallel_loop3A_474 : i32 to index
        %parallel_loop3A_781 = arith.constant 48 : index
        %parallel_loop3A_782 = tpu.vector_load %arg6[%parallel_loop3A_779, %parallel_loop3A_780, %parallel_loop3A_781] {strides = array<i32>} : memref<2x128x128xi32, #tpu.memory_space<vmem>>, vector<16xi32>,
        tpu.vector_store %arg6[%parallel_loop3A_779, %parallel_loop3A_780, %parallel_loop3A_781], %parallel_loop3A_777 {strides = array<i32>} : memref<2x128x128xi32, #tpu.memory_space<vmem>>, vector<16xi32>,
        %parallel_loop3A_783 = arith.constant 0 : i32
        %parallel_loop3A_784 = arith.addi %parallel_loop3A_783, %parallel_loop3A_474 : i32
        %parallel_loop3A_785 = arith.constant 1 : i32
        %parallel_loop3A_786 = arith.index_cast %parallel_loop3A_785 : i32 to index
        %parallel_loop3A_787 = arith.index_cast %parallel_loop3A_784 : i32 to index
        %parallel_loop3A_788 = arith.constant 64 : index
        %parallel_loop3A_789 = tpu.vector_load %arg6[%parallel_loop3A_786, %parallel_loop3A_787, %parallel_loop3A_788] {strides = array<i32>} : memref<2x128x128xi32, #tpu.memory_space<vmem>>, vector<16xi32>,
        %parallel_loop3A_790 = vector.bitcast %parallel_loop3A_789 : vector<16xi32> to vector<32xbf16>
        %parallel_loop3A_791 = arith.constant 16 : i32
        %parallel_loop3A_792 = arith.addi %parallel_loop3A_791, %parallel_loop3A_474 : i32
        %parallel_loop3A_793 = arith.constant 1 : i32
        %parallel_loop3A_794 = arith.index_cast %parallel_loop3A_793 : i32 to index
        %parallel_loop3A_795 = arith.index_cast %parallel_loop3A_792 : i32 to index
        %parallel_loop3A_796 = arith.constant 64 : index
        %parallel_loop3A_797 = tpu.vector_load %arg6[%parallel_loop3A_794, %parallel_loop3A_795, %parallel_loop3A_796] {strides = array<i32>} : memref<2x128x128xi32, #tpu.memory_space<vmem>>, vector<16xi32>,
        %parallel_loop3A_798 = vector.bitcast %parallel_loop3A_797 : vector<16xi32> to vector<32xbf16>
        %parallel_loop3A_799 = arith.addf %parallel_loop3A_790, %parallel_loop3A_798 : vector<32xbf16>
        %parallel_loop3A_800 = arith.constant 32 : i32
        %parallel_loop3A_801 = arith.addi %parallel_loop3A_800, %parallel_loop3A_474 : i32
        %parallel_loop3A_802 = arith.constant 1 : i32
        %parallel_loop3A_803 = arith.index_cast %parallel_loop3A_802 : i32 to index
        %parallel_loop3A_804 = arith.index_cast %parallel_loop3A_801 : i32 to index
        %parallel_loop3A_805 = arith.constant 64 : index
        %parallel_loop3A_806 = tpu.vector_load %arg6[%parallel_loop3A_803, %parallel_loop3A_804, %parallel_loop3A_805] {strides = array<i32>} : memref<2x128x128xi32, #tpu.memory_space<vmem>>, vector<16xi32>,
        %parallel_loop3A_807 = vector.bitcast %parallel_loop3A_806 : vector<16xi32> to vector<32xbf16>
        %parallel_loop3A_808 = arith.constant 48 : i32
        %parallel_loop3A_809 = arith.addi %parallel_loop3A_808, %parallel_loop3A_474 : i32
        %parallel_loop3A_810 = arith.constant 1 : i32
        %parallel_loop3A_811 = arith.index_cast %parallel_loop3A_810 : i32 to index
        %parallel_loop3A_812 = arith.index_cast %parallel_loop3A_809 : i32 to index
        %parallel_loop3A_813 = arith.constant 64 : index
        %parallel_loop3A_814 = tpu.vector_load %arg6[%parallel_loop3A_811, %parallel_loop3A_812, %parallel_loop3A_813] {strides = array<i32>} : memref<2x128x128xi32, #tpu.memory_space<vmem>>, vector<16xi32>,
        %parallel_loop3A_815 = vector.bitcast %parallel_loop3A_814 : vector<16xi32> to vector<32xbf16>
        %parallel_loop3A_816 = arith.addf %parallel_loop3A_807, %parallel_loop3A_815 : vector<32xbf16>
        %parallel_loop3A_817 = arith.constant 64 : i32
        %parallel_loop3A_818 = arith.addi %parallel_loop3A_817, %parallel_loop3A_474 : i32
        %parallel_loop3A_819 = arith.constant 1 : i32
        %parallel_loop3A_820 = arith.index_cast %parallel_loop3A_819 : i32 to index
        %parallel_loop3A_821 = arith.index_cast %parallel_loop3A_818 : i32 to index
        %parallel_loop3A_822 = arith.constant 64 : index
        %parallel_loop3A_823 = tpu.vector_load %arg6[%parallel_loop3A_820, %parallel_loop3A_821, %parallel_loop3A_822] {strides = array<i32>} : memref<2x128x128xi32, #tpu.memory_space<vmem>>, vector<16xi32>,
        %parallel_loop3A_824 = vector.bitcast %parallel_loop3A_823 : vector<16xi32> to vector<32xbf16>
        %parallel_loop3A_825 = arith.constant 80 : i32
        %parallel_loop3A_826 = arith.addi %parallel_loop3A_825, %parallel_loop3A_474 : i32
        %parallel_loop3A_827 = arith.constant 1 : i32
        %parallel_loop3A_828 = arith.index_cast %parallel_loop3A_827 : i32 to index
        %parallel_loop3A_829 = arith.index_cast %parallel_loop3A_826 : i32 to index
        %parallel_loop3A_830 = arith.constant 64 : index
        %parallel_loop3A_831 = tpu.vector_load %arg6[%parallel_loop3A_828, %parallel_loop3A_829, %parallel_loop3A_830] {strides = array<i32>} : memref<2x128x128xi32, #tpu.memory_space<vmem>>, vector<16xi32>,
        %parallel_loop3A_832 = vector.bitcast %parallel_loop3A_831 : vector<16xi32> to vector<32xbf16>
        %parallel_loop3A_833 = arith.addf %parallel_loop3A_824, %parallel_loop3A_832 : vector<32xbf16>
        %parallel_loop3A_834 = arith.constant 96 : i32
        %parallel_loop3A_835 = arith.addi %parallel_loop3A_834, %parallel_loop3A_474 : i32
        %parallel_loop3A_836 = arith.constant 1 : i32
        %parallel_loop3A_837 = arith.index_cast %parallel_loop3A_836 : i32 to index
        %parallel_loop3A_838 = arith.index_cast %parallel_loop3A_835 : i32 to index
        %parallel_loop3A_839 = arith.constant 64 : index
        %parallel_loop3A_840 = tpu.vector_load %arg6[%parallel_loop3A_837, %parallel_loop3A_838, %parallel_loop3A_839] {strides = array<i32>} : memref<2x128x128xi32, #tpu.memory_space<vmem>>, vector<16xi32>,
        %parallel_loop3A_841 = vector.bitcast %parallel_loop3A_840 : vector<16xi32> to vector<32xbf16>
        %parallel_loop3A_842 = arith.constant 112 : i32
        %parallel_loop3A_843 = arith.addi %parallel_loop3A_842, %parallel_loop3A_474 : i32
        %parallel_loop3A_844 = arith.constant 1 : i32
        %parallel_loop3A_845 = arith.index_cast %parallel_loop3A_844 : i32 to index
        %parallel_loop3A_846 = arith.index_cast %parallel_loop3A_843 : i32 to index
        %parallel_loop3A_847 = arith.constant 64 : index
        %parallel_loop3A_848 = tpu.vector_load %arg6[%parallel_loop3A_845, %parallel_loop3A_846, %parallel_loop3A_847] {strides = array<i32>} : memref<2x128x128xi32, #tpu.memory_space<vmem>>, vector<16xi32>,
        %parallel_loop3A_849 = vector.bitcast %parallel_loop3A_848 : vector<16xi32> to vector<32xbf16>
        %parallel_loop3A_850 = arith.addf %parallel_loop3A_841, %parallel_loop3A_849 : vector<32xbf16>
        %parallel_loop3A_851 = arith.addf %parallel_loop3A_799, %parallel_loop3A_816 : vector<32xbf16>
        %parallel_loop3A_852 = arith.addf %parallel_loop3A_833, %parallel_loop3A_850 : vector<32xbf16>
        %parallel_loop3A_853 = arith.addf %parallel_loop3A_851, %parallel_loop3A_852 : vector<32xbf16>
        %parallel_loop3A_854 = vector.bitcast %parallel_loop3A_853 : vector<32xbf16> to vector<16xi32>
        %parallel_loop3A_855 = arith.constant 1 : i32
        %parallel_loop3A_856 = arith.index_cast %parallel_loop3A_855 : i32 to index
        %parallel_loop3A_857 = arith.index_cast %parallel_loop3A_474 : i32 to index
        %parallel_loop3A_858 = arith.constant 64 : index
        %parallel_loop3A_859 = tpu.vector_load %arg6[%parallel_loop3A_856, %parallel_loop3A_857, %parallel_loop3A_858] {strides = array<i32>} : memref<2x128x128xi32, #tpu.memory_space<vmem>>, vector<16xi32>,
        tpu.vector_store %arg6[%parallel_loop3A_856, %parallel_loop3A_857, %parallel_loop3A_858], %parallel_loop3A_854 {strides = array<i32>} : memref<2x128x128xi32, #tpu.memory_space<vmem>>, vector<16xi32>,
        %parallel_loop3A_860 = arith.constant 0 : i32
        %parallel_loop3A_861 = arith.addi %parallel_loop3A_860, %parallel_loop3A_474 : i32
        %parallel_loop3A_862 = arith.constant 1 : i32
        %parallel_loop3A_863 = arith.index_cast %parallel_loop3A_862 : i32 to index
        %parallel_loop3A_864 = arith.index_cast %parallel_loop3A_861 : i32 to index
        %parallel_loop3A_865 = arith.constant 80 : index
        %parallel_loop3A_866 = tpu.vector_load %arg6[%parallel_loop3A_863, %parallel_loop3A_864, %parallel_loop3A_865] {strides = array<i32>} : memref<2x128x128xi32, #tpu.memory_space<vmem>>, vector<16xi32>,
        %parallel_loop3A_867 = vector.bitcast %parallel_loop3A_866 : vector<16xi32> to vector<32xbf16>
        %parallel_loop3A_868 = arith.constant 16 : i32
        %parallel_loop3A_869 = arith.addi %parallel_loop3A_868, %parallel_loop3A_474 : i32
        %parallel_loop3A_870 = arith.constant 1 : i32
        %parallel_loop3A_871 = arith.index_cast %parallel_loop3A_870 : i32 to index
        %parallel_loop3A_872 = arith.index_cast %parallel_loop3A_869 : i32 to index
        %parallel_loop3A_873 = arith.constant 80 : index
        %parallel_loop3A_874 = tpu.vector_load %arg6[%parallel_loop3A_871, %parallel_loop3A_872, %parallel_loop3A_873] {strides = array<i32>} : memref<2x128x128xi32, #tpu.memory_space<vmem>>, vector<16xi32>,
        %parallel_loop3A_875 = vector.bitcast %parallel_loop3A_874 : vector<16xi32> to vector<32xbf16>
        %parallel_loop3A_876 = arith.addf %parallel_loop3A_867, %parallel_loop3A_875 : vector<32xbf16>
        %parallel_loop3A_877 = arith.constant 32 : i32
        %parallel_loop3A_878 = arith.addi %parallel_loop3A_877, %parallel_loop3A_474 : i32
        %parallel_loop3A_879 = arith.constant 1 : i32
        %parallel_loop3A_880 = arith.index_cast %parallel_loop3A_879 : i32 to index
        %parallel_loop3A_881 = arith.index_cast %parallel_loop3A_878 : i32 to index
        %parallel_loop3A_882 = arith.constant 80 : index
        %parallel_loop3A_883 = tpu.vector_load %arg6[%parallel_loop3A_880, %parallel_loop3A_881, %parallel_loop3A_882] {strides = array<i32>} : memref<2x128x128xi32, #tpu.memory_space<vmem>>, vector<16xi32>,
        %parallel_loop3A_884 = vector.bitcast %parallel_loop3A_883 : vector<16xi32> to vector<32xbf16>
        %parallel_loop3A_885 = arith.constant 48 : i32
        %parallel_loop3A_886 = arith.addi %parallel_loop3A_885, %parallel_loop3A_474 : i32
        %parallel_loop3A_887 = arith.constant 1 : i32
        %parallel_loop3A_888 = arith.index_cast %parallel_loop3A_887 : i32 to index
        %parallel_loop3A_889 = arith.index_cast %parallel_loop3A_886 : i32 to index
        %parallel_loop3A_890 = arith.constant 80 : index
        %parallel_loop3A_891 = tpu.vector_load %arg6[%parallel_loop3A_888, %parallel_loop3A_889, %parallel_loop3A_890] {strides = array<i32>} : memref<2x128x128xi32, #tpu.memory_space<vmem>>, vector<16xi32>,
        %parallel_loop3A_892 = vector.bitcast %parallel_loop3A_891 : vector<16xi32> to vector<32xbf16>
        %parallel_loop3A_893 = arith.addf %parallel_loop3A_884, %parallel_loop3A_892 : vector<32xbf16>
        %parallel_loop3A_894 = arith.constant 64 : i32
        %parallel_loop3A_895 = arith.addi %parallel_loop3A_894, %parallel_loop3A_474 : i32
        %parallel_loop3A_896 = arith.constant 1 : i32
        %parallel_loop3A_897 = arith.index_cast %parallel_loop3A_896 : i32 to index
        %parallel_loop3A_898 = arith.index_cast %parallel_loop3A_895 : i32 to index
        %parallel_loop3A_899 = arith.constant 80 : index
        %parallel_loop3A_900 = tpu.vector_load %arg6[%parallel_loop3A_897, %parallel_loop3A_898, %parallel_loop3A_899] {strides = array<i32>} : memref<2x128x128xi32, #tpu.memory_space<vmem>>, vector<16xi32>,
        %parallel_loop3A_901 = vector.bitcast %parallel_loop3A_900 : vector<16xi32> to vector<32xbf16>
        %parallel_loop3A_902 = arith.constant 80 : i32
        %parallel_loop3A_903 = arith.addi %parallel_loop3A_902, %parallel_loop3A_474 : i32
        %parallel_loop3A_904 = arith.constant 1 : i32
        %parallel_loop3A_905 = arith.index_cast %parallel_loop3A_904 : i32 to index
        %parallel_loop3A_906 = arith.index_cast %parallel_loop3A_903 : i32 to index
        %parallel_loop3A_907 = arith.constant 80 : index
        %parallel_loop3A_908 = tpu.vector_load %arg6[%parallel_loop3A_905, %parallel_loop3A_906, %parallel_loop3A_907] {strides = array<i32>} : memref<2x128x128xi32, #tpu.memory_space<vmem>>, vector<16xi32>,
        %parallel_loop3A_909 = vector.bitcast %parallel_loop3A_908 : vector<16xi32> to vector<32xbf16>
        %parallel_loop3A_910 = arith.addf %parallel_loop3A_901, %parallel_loop3A_909 : vector<32xbf16>
        %parallel_loop3A_911 = arith.constant 96 : i32
        %parallel_loop3A_912 = arith.addi %parallel_loop3A_911, %parallel_loop3A_474 : i32
        %parallel_loop3A_913 = arith.constant 1 : i32
        %parallel_loop3A_914 = arith.index_cast %parallel_loop3A_913 : i32 to index
        %parallel_loop3A_915 = arith.index_cast %parallel_loop3A_912 : i32 to index
        %parallel_loop3A_916 = arith.constant 80 : index
        %parallel_loop3A_917 = tpu.vector_load %arg6[%parallel_loop3A_914, %parallel_loop3A_915, %parallel_loop3A_916] {strides = array<i32>} : memref<2x128x128xi32, #tpu.memory_space<vmem>>, vector<16xi32>,
        %parallel_loop3A_918 = vector.bitcast %parallel_loop3A_917 : vector<16xi32> to vector<32xbf16>
        %parallel_loop3A_919 = arith.constant 112 : i32
        %parallel_loop3A_920 = arith.addi %parallel_loop3A_919, %parallel_loop3A_474 : i32
        %parallel_loop3A_921 = arith.constant 1 : i32
        %parallel_loop3A_922 = arith.index_cast %parallel_loop3A_921 : i32 to index
        %parallel_loop3A_923 = arith.index_cast %parallel_loop3A_920 : i32 to index
        %parallel_loop3A_924 = arith.constant 80 : index
        %parallel_loop3A_925 = tpu.vector_load %arg6[%parallel_loop3A_922, %parallel_loop3A_923, %parallel_loop3A_924] {strides = array<i32>} : memref<2x128x128xi32, #tpu.memory_space<vmem>>, vector<16xi32>,
        %parallel_loop3A_926 = vector.bitcast %parallel_loop3A_925 : vector<16xi32> to vector<32xbf16>
        %parallel_loop3A_927 = arith.addf %parallel_loop3A_918, %parallel_loop3A_926 : vector<32xbf16>
        %parallel_loop3A_928 = arith.addf %parallel_loop3A_876, %parallel_loop3A_893 : vector<32xbf16>
        %parallel_loop3A_929 = arith.addf %parallel_loop3A_910, %parallel_loop3A_927 : vector<32xbf16>
        %parallel_loop3A_930 = arith.addf %parallel_loop3A_928, %parallel_loop3A_929 : vector<32xbf16>
        %parallel_loop3A_931 = vector.bitcast %parallel_loop3A_930 : vector<32xbf16> to vector<16xi32>
        %parallel_loop3A_932 = arith.constant 1 : i32
        %parallel_loop3A_933 = arith.index_cast %parallel_loop3A_932 : i32 to index
        %parallel_loop3A_934 = arith.index_cast %parallel_loop3A_474 : i32 to index
        %parallel_loop3A_935 = arith.constant 80 : index
        %parallel_loop3A_936 = tpu.vector_load %arg6[%parallel_loop3A_933, %parallel_loop3A_934, %parallel_loop3A_935] {strides = array<i32>} : memref<2x128x128xi32, #tpu.memory_space<vmem>>, vector<16xi32>,
        tpu.vector_store %arg6[%parallel_loop3A_933, %parallel_loop3A_934, %parallel_loop3A_935], %parallel_loop3A_931 {strides = array<i32>} : memref<2x128x128xi32, #tpu.memory_space<vmem>>, vector<16xi32>,
        %parallel_loop3A_937 = arith.constant 0 : i32
        %parallel_loop3A_938 = arith.addi %parallel_loop3A_937, %parallel_loop3A_474 : i32
        %parallel_loop3A_939 = arith.constant 1 : i32
        %parallel_loop3A_940 = arith.index_cast %parallel_loop3A_939 : i32 to index
        %parallel_loop3A_941 = arith.index_cast %parallel_loop3A_938 : i32 to index
        %parallel_loop3A_942 = arith.constant 96 : index
        %parallel_loop3A_943 = tpu.vector_load %arg6[%parallel_loop3A_940, %parallel_loop3A_941, %parallel_loop3A_942] {strides = array<i32>} : memref<2x128x128xi32, #tpu.memory_space<vmem>>, vector<16xi32>,
        %parallel_loop3A_944 = vector.bitcast %parallel_loop3A_943 : vector<16xi32> to vector<32xbf16>
        %parallel_loop3A_945 = arith.constant 16 : i32
        %parallel_loop3A_946 = arith.addi %parallel_loop3A_945, %parallel_loop3A_474 : i32
        %parallel_loop3A_947 = arith.constant 1 : i32
        %parallel_loop3A_948 = arith.index_cast %parallel_loop3A_947 : i32 to index
        %parallel_loop3A_949 = arith.index_cast %parallel_loop3A_946 : i32 to index
        %parallel_loop3A_950 = arith.constant 96 : index
        %parallel_loop3A_951 = tpu.vector_load %arg6[%parallel_loop3A_948, %parallel_loop3A_949, %parallel_loop3A_950] {strides = array<i32>} : memref<2x128x128xi32, #tpu.memory_space<vmem>>, vector<16xi32>,
        %parallel_loop3A_952 = vector.bitcast %parallel_loop3A_951 : vector<16xi32> to vector<32xbf16>
        %parallel_loop3A_953 = arith.addf %parallel_loop3A_944, %parallel_loop3A_952 : vector<32xbf16>
        %parallel_loop3A_954 = arith.constant 32 : i32
        %parallel_loop3A_955 = arith.addi %parallel_loop3A_954, %parallel_loop3A_474 : i32
        %parallel_loop3A_956 = arith.constant 1 : i32
        %parallel_loop3A_957 = arith.index_cast %parallel_loop3A_956 : i32 to index
        %parallel_loop3A_958 = arith.index_cast %parallel_loop3A_955 : i32 to index
        %parallel_loop3A_959 = arith.constant 96 : index
        %parallel_loop3A_960 = tpu.vector_load %arg6[%parallel_loop3A_957, %parallel_loop3A_958, %parallel_loop3A_959] {strides = array<i32>} : memref<2x128x128xi32, #tpu.memory_space<vmem>>, vector<16xi32>,
        %parallel_loop3A_961 = vector.bitcast %parallel_loop3A_960 : vector<16xi32> to vector<32xbf16>
        %parallel_loop3A_962 = arith.constant 48 : i32
        %parallel_loop3A_963 = arith.addi %parallel_loop3A_962, %parallel_loop3A_474 : i32
        %parallel_loop3A_964 = arith.constant 1 : i32
        %parallel_loop3A_965 = arith.index_cast %parallel_loop3A_964 : i32 to index
        %parallel_loop3A_966 = arith.index_cast %parallel_loop3A_963 : i32 to index
        %parallel_loop3A_967 = arith.constant 96 : index
        %parallel_loop3A_968 = tpu.vector_load %arg6[%parallel_loop3A_965, %parallel_loop3A_966, %parallel_loop3A_967] {strides = array<i32>} : memref<2x128x128xi32, #tpu.memory_space<vmem>>, vector<16xi32>,
        %parallel_loop3A_969 = vector.bitcast %parallel_loop3A_968 : vector<16xi32> to vector<32xbf16>
        %parallel_loop3A_970 = arith.addf %parallel_loop3A_961, %parallel_loop3A_969 : vector<32xbf16>
        %parallel_loop3A_971 = arith.constant 64 : i32
        %parallel_loop3A_972 = arith.addi %parallel_loop3A_971, %parallel_loop3A_474 : i32
        %parallel_loop3A_973 = arith.constant 1 : i32
        %parallel_loop3A_974 = arith.index_cast %parallel_loop3A_973 : i32 to index
        %parallel_loop3A_975 = arith.index_cast %parallel_loop3A_972 : i32 to index
        %parallel_loop3A_976 = arith.constant 96 : index
        %parallel_loop3A_977 = tpu.vector_load %arg6[%parallel_loop3A_974, %parallel_loop3A_975, %parallel_loop3A_976] {strides = array<i32>} : memref<2x128x128xi32, #tpu.memory_space<vmem>>, vector<16xi32>,
        %parallel_loop3A_978 = vector.bitcast %parallel_loop3A_977 : vector<16xi32> to vector<32xbf16>
        %parallel_loop3A_979 = arith.constant 80 : i32
        %parallel_loop3A_980 = arith.addi %parallel_loop3A_979, %parallel_loop3A_474 : i32
        %parallel_loop3A_981 = arith.constant 1 : i32
        %parallel_loop3A_982 = arith.index_cast %parallel_loop3A_981 : i32 to index
        %parallel_loop3A_983 = arith.index_cast %parallel_loop3A_980 : i32 to index
        %parallel_loop3A_984 = arith.constant 96 : index
        %parallel_loop3A_985 = tpu.vector_load %arg6[%parallel_loop3A_982, %parallel_loop3A_983, %parallel_loop3A_984] {strides = array<i32>} : memref<2x128x128xi32, #tpu.memory_space<vmem>>, vector<16xi32>,
        %parallel_loop3A_986 = vector.bitcast %parallel_loop3A_985 : vector<16xi32> to vector<32xbf16>
        %parallel_loop3A_987 = arith.addf %parallel_loop3A_978, %parallel_loop3A_986 : vector<32xbf16>
        %parallel_loop3A_988 = arith.constant 96 : i32
        %parallel_loop3A_989 = arith.addi %parallel_loop3A_988, %parallel_loop3A_474 : i32
        %parallel_loop3A_990 = arith.constant 1 : i32
        %parallel_loop3A_991 = arith.index_cast %parallel_loop3A_990 : i32 to index
        %parallel_loop3A_992 = arith.index_cast %parallel_loop3A_989 : i32 to index
        %parallel_loop3A_993 = arith.constant 96 : index
        %parallel_loop3A_994 = tpu.vector_load %arg6[%parallel_loop3A_991, %parallel_loop3A_992, %parallel_loop3A_993] {strides = array<i32>} : memref<2x128x128xi32, #tpu.memory_space<vmem>>, vector<16xi32>,
        %parallel_loop3A_995 = vector.bitcast %parallel_loop3A_994 : vector<16xi32> to vector<32xbf16>
        %parallel_loop3A_996 = arith.constant 112 : i32
        %parallel_loop3A_997 = arith.addi %parallel_loop3A_996, %parallel_loop3A_474 : i32
        %parallel_loop3A_998 = arith.constant 1 : i32
        %parallel_loop3A_999 = arith.index_cast %parallel_loop3A_998 : i32 to index
        %parallel_loop3A_1000 = arith.index_cast %parallel_loop3A_997 : i32 to index
        %parallel_loop3A_1001 = arith.constant 96 : index
        %parallel_loop3A_1002 = tpu.vector_load %arg6[%parallel_loop3A_999, %parallel_loop3A_1000, %parallel_loop3A_1001] {strides = array<i32>} : memref<2x128x128xi32, #tpu.memory_space<vmem>>, vector<16xi32>,
        %parallel_loop3A_1003 = vector.bitcast %parallel_loop3A_1002 : vector<16xi32> to vector<32xbf16>
        %parallel_loop3A_1004 = arith.addf %parallel_loop3A_995, %parallel_loop3A_1003 : vector<32xbf16>
        %parallel_loop3A_1005 = arith.addf %parallel_loop3A_953, %parallel_loop3A_970 : vector<32xbf16>
        %parallel_loop3A_1006 = arith.addf %parallel_loop3A_987, %parallel_loop3A_1004 : vector<32xbf16>
        %parallel_loop3A_1007 = arith.addf %parallel_loop3A_1005, %parallel_loop3A_1006 : vector<32xbf16>
        %parallel_loop3A_1008 = vector.bitcast %parallel_loop3A_1007 : vector<32xbf16> to vector<16xi32>
        %parallel_loop3A_1009 = arith.constant 1 : i32
        %parallel_loop3A_1010 = arith.index_cast %parallel_loop3A_1009 : i32 to index
        %parallel_loop3A_1011 = arith.index_cast %parallel_loop3A_474 : i32 to index
        %parallel_loop3A_1012 = arith.constant 96 : index
        %parallel_loop3A_1013 = tpu.vector_load %arg6[%parallel_loop3A_1010, %parallel_loop3A_1011, %parallel_loop3A_1012] {strides = array<i32>} : memref<2x128x128xi32, #tpu.memory_space<vmem>>, vector<16xi32>,
        tpu.vector_store %arg6[%parallel_loop3A_1010, %parallel_loop3A_1011, %parallel_loop3A_1012], %parallel_loop3A_1008 {strides = array<i32>} : memref<2x128x128xi32, #tpu.memory_space<vmem>>, vector<16xi32>,
        %parallel_loop3A_1014 = arith.constant 0 : i32
        %parallel_loop3A_1015 = arith.addi %parallel_loop3A_1014, %parallel_loop3A_474 : i32
        %parallel_loop3A_1016 = arith.constant 1 : i32
        %parallel_loop3A_1017 = arith.index_cast %parallel_loop3A_1016 : i32 to index
        %parallel_loop3A_1018 = arith.index_cast %parallel_loop3A_1015 : i32 to index
        %parallel_loop3A_1019 = arith.constant 112 : index
        %parallel_loop3A_1020 = tpu.vector_load %arg6[%parallel_loop3A_1017, %parallel_loop3A_1018, %parallel_loop3A_1019] {strides = array<i32>} : memref<2x128x128xi32, #tpu.memory_space<vmem>>, vector<16xi32>,
        %parallel_loop3A_1021 = vector.bitcast %parallel_loop3A_1020 : vector<16xi32> to vector<32xbf16>
        %parallel_loop3A_1022 = arith.constant 16 : i32
        %parallel_loop3A_1023 = arith.addi %parallel_loop3A_1022, %parallel_loop3A_474 : i32
        %parallel_loop3A_1024 = arith.constant 1 : i32
        %parallel_loop3A_1025 = arith.index_cast %parallel_loop3A_1024 : i32 to index
        %parallel_loop3A_1026 = arith.index_cast %parallel_loop3A_1023 : i32 to index
        %parallel_loop3A_1027 = arith.constant 112 : index
        %parallel_loop3A_1028 = tpu.vector_load %arg6[%parallel_loop3A_1025, %parallel_loop3A_1026, %parallel_loop3A_1027] {strides = array<i32>} : memref<2x128x128xi32, #tpu.memory_space<vmem>>, vector<16xi32>,
        %parallel_loop3A_1029 = vector.bitcast %parallel_loop3A_1028 : vector<16xi32> to vector<32xbf16>
        %parallel_loop3A_1030 = arith.addf %parallel_loop3A_1021, %parallel_loop3A_1029 : vector<32xbf16>
        %parallel_loop3A_1031 = arith.constant 32 : i32
        %parallel_loop3A_1032 = arith.addi %parallel_loop3A_1031, %parallel_loop3A_474 : i32
        %parallel_loop3A_1033 = arith.constant 1 : i32
        %parallel_loop3A_1034 = arith.index_cast %parallel_loop3A_1033 : i32 to index
        %parallel_loop3A_1035 = arith.index_cast %parallel_loop3A_1032 : i32 to index
        %parallel_loop3A_1036 = arith.constant 112 : index
        %parallel_loop3A_1037 = tpu.vector_load %arg6[%parallel_loop3A_1034, %parallel_loop3A_1035, %parallel_loop3A_1036] {strides = array<i32>} : memref<2x128x128xi32, #tpu.memory_space<vmem>>, vector<16xi32>,
        %parallel_loop3A_1038 = vector.bitcast %parallel_loop3A_1037 : vector<16xi32> to vector<32xbf16>
        %parallel_loop3A_1039 = arith.constant 48 : i32
        %parallel_loop3A_1040 = arith.addi %parallel_loop3A_1039, %parallel_loop3A_474 : i32
        %parallel_loop3A_1041 = arith.constant 1 : i32
        %parallel_loop3A_1042 = arith.index_cast %parallel_loop3A_1041 : i32 to index
        %parallel_loop3A_1043 = arith.index_cast %parallel_loop3A_1040 : i32 to index
        %parallel_loop3A_1044 = arith.constant 112 : index
        %parallel_loop3A_1045 = tpu.vector_load %arg6[%parallel_loop3A_1042, %parallel_loop3A_1043, %parallel_loop3A_1044] {strides = array<i32>} : memref<2x128x128xi32, #tpu.memory_space<vmem>>, vector<16xi32>,
        %parallel_loop3A_1046 = vector.bitcast %parallel_loop3A_1045 : vector<16xi32> to vector<32xbf16>
        %parallel_loop3A_1047 = arith.addf %parallel_loop3A_1038, %parallel_loop3A_1046 : vector<32xbf16>
        %parallel_loop3A_1048 = arith.constant 64 : i32
        %parallel_loop3A_1049 = arith.addi %parallel_loop3A_1048, %parallel_loop3A_474 : i32
        %parallel_loop3A_1050 = arith.constant 1 : i32
        %parallel_loop3A_1051 = arith.index_cast %parallel_loop3A_1050 : i32 to index
        %parallel_loop3A_1052 = arith.index_cast %parallel_loop3A_1049 : i32 to index
        %parallel_loop3A_1053 = arith.constant 112 : index
        %parallel_loop3A_1054 = tpu.vector_load %arg6[%parallel_loop3A_1051, %parallel_loop3A_1052, %parallel_loop3A_1053] {strides = array<i32>} : memref<2x128x128xi32, #tpu.memory_space<vmem>>, vector<16xi32>,
        %parallel_loop3A_1055 = vector.bitcast %parallel_loop3A_1054 : vector<16xi32> to vector<32xbf16>
        %parallel_loop3A_1056 = arith.constant 80 : i32
        %parallel_loop3A_1057 = arith.addi %parallel_loop3A_1056, %parallel_loop3A_474 : i32
        %parallel_loop3A_1058 = arith.constant 1 : i32
        %parallel_loop3A_1059 = arith.index_cast %parallel_loop3A_1058 : i32 to index
        %parallel_loop3A_1060 = arith.index_cast %parallel_loop3A_1057 : i32 to index
        %parallel_loop3A_1061 = arith.constant 112 : index
        %parallel_loop3A_1062 = tpu.vector_load %arg6[%parallel_loop3A_1059, %parallel_loop3A_1060, %parallel_loop3A_1061] {strides = array<i32>} : memref<2x128x128xi32, #tpu.memory_space<vmem>>, vector<16xi32>,
        %parallel_loop3A_1063 = vector.bitcast %parallel_loop3A_1062 : vector<16xi32> to vector<32xbf16>
        %parallel_loop3A_1064 = arith.addf %parallel_loop3A_1055, %parallel_loop3A_1063 : vector<32xbf16>
        %parallel_loop3A_1065 = arith.constant 96 : i32
        %parallel_loop3A_1066 = arith.addi %parallel_loop3A_1065, %parallel_loop3A_474 : i32
        %parallel_loop3A_1067 = arith.constant 1 : i32
        %parallel_loop3A_1068 = arith.index_cast %parallel_loop3A_1067 : i32 to index
        %parallel_loop3A_1069 = arith.index_cast %parallel_loop3A_1066 : i32 to index
        %parallel_loop3A_1070 = arith.constant 112 : index
        %parallel_loop3A_1071 = tpu.vector_load %arg6[%parallel_loop3A_1068, %parallel_loop3A_1069, %parallel_loop3A_1070] {strides = array<i32>} : memref<2x128x128xi32, #tpu.memory_space<vmem>>, vector<16xi32>,
        %parallel_loop3A_1072 = vector.bitcast %parallel_loop3A_1071 : vector<16xi32> to vector<32xbf16>
        %parallel_loop3A_1073 = arith.constant 112 : i32
        %parallel_loop3A_1074 = arith.addi %parallel_loop3A_1073, %parallel_loop3A_474 : i32
        %parallel_loop3A_1075 = arith.constant 1 : i32
        %parallel_loop3A_1076 = arith.index_cast %parallel_loop3A_1075 : i32 to index
        %parallel_loop3A_1077 = arith.index_cast %parallel_loop3A_1074 : i32 to index
        %parallel_loop3A_1078 = arith.constant 112 : index
        %parallel_loop3A_1079 = tpu.vector_load %arg6[%parallel_loop3A_1076, %parallel_loop3A_1077, %parallel_loop3A_1078] {strides = array<i32>} : memref<2x128x128xi32, #tpu.memory_space<vmem>>, vector<16xi32>,
        %parallel_loop3A_1080 = vector.bitcast %parallel_loop3A_1079 : vector<16xi32> to vector<32xbf16>
        %parallel_loop3A_1081 = arith.addf %parallel_loop3A_1072, %parallel_loop3A_1080 : vector<32xbf16>
        %parallel_loop3A_1082 = arith.addf %parallel_loop3A_1030, %parallel_loop3A_1047 : vector<32xbf16>
        %parallel_loop3A_1083 = arith.addf %parallel_loop3A_1064, %parallel_loop3A_1081 : vector<32xbf16>
        %parallel_loop3A_1084 = arith.addf %parallel_loop3A_1082, %parallel_loop3A_1083 : vector<32xbf16>
        %parallel_loop3A_1085 = vector.bitcast %parallel_loop3A_1084 : vector<32xbf16> to vector<16xi32>
        %parallel_loop3A_1086 = arith.constant 1 : i32
        %parallel_loop3A_1087 = arith.index_cast %parallel_loop3A_1086 : i32 to index
        %parallel_loop3A_1088 = arith.index_cast %parallel_loop3A_474 : i32 to index
        %parallel_loop3A_1089 = arith.constant 112 : index
        %parallel_loop3A_1090 = tpu.vector_load %arg6[%parallel_loop3A_1087, %parallel_loop3A_1088, %parallel_loop3A_1089] {strides = array<i32>} : memref<2x128x128xi32, #tpu.memory_space<vmem>>, vector<16xi32>,
        tpu.vector_store %arg6[%parallel_loop3A_1087, %parallel_loop3A_1088, %parallel_loop3A_1089], %parallel_loop3A_1085 {strides = array<i32>} : memref<2x128x128xi32, #tpu.memory_space<vmem>>, vector<16xi32>,
      } {sc.loop_unroll_factor = 2 : i64, sc.parallel_access}
      %mul3A_456 = arith.constant 1024 : i32
      %mul3A_457 = arith.muli %add3A, %mul3A_456 : i32
      %mul3A_458 = arith.constant 16 : i32
      %mul3A_459 = arith.muli %add3A_298, %mul3A_458 : i32
      %add3A_460 = arith.addi %mul3A_457, %mul3A_459 : i32
      %dma_start3A_461 = arith.constant 1 : i32
      %dma_start3A_462 = arith.constant 0 : i32
      %dma_start3A_463 = arith.constant 0 : i32
      %dma_start3A_464 = tpu.memref_slice %arg6[%dma_start3A_461, %dma_start3A_462, %dma_start3A_463] : memref<2x128x128xi32, #tpu.memory_space<vmem>> -> memref<1x16x128xi32, #tpu.memory_space<vmem>>
      %dma_start3A_465 = tpu.memref_squeeze %dma_start3A_464 : memref<1x16x128xi32, #tpu.memory_space<vmem>> -> memref<16x128xi32, #tpu.memory_space<vmem>>
      %dma_start3A_466 = arith.constant 0 : i32
      %dma_start3A_467 = tpu.memref_slice %arg4[%add3A_460, %dma_start3A_466] : memref<32768x128xi32, #tpu.memory_space<hbm>> -> memref<16x128xi32, #tpu.memory_space<hbm>>
      %dma_start3A_468 = arith.constant 0 : i32
      %dma_start3A_469 = tpu.memref_slice %arg4[%add3A_460, %dma_start3A_468] : memref<32768x128xi32, #tpu.memory_space<hbm>> -> memref<16x128xi32, #tpu.memory_space<hbm>>
      %dma_start3A_470 = arith.constant 0 : i32
      %dma_start3A_471 = arith.constant 0 : i32
      %dma_start3A_472 = tpu.memref_slice %arg6[%dma_start3A_461, %dma_start3A_470, %dma_start3A_471] : memref<2x128x128xi32, #tpu.memory_space<vmem>> -> memref<1x16x128xi32, #tpu.memory_space<vmem>>
      %dma_start3A_473 = tpu.memref_squeeze %dma_start3A_472 : memref<1x16x128xi32, #tpu.memory_space<vmem>> -> memref<16x128xi32, #tpu.memory_space<vmem>>
      tpu.enqueue_dma source(%dma_start3A_473 : memref<16x128xi32, #tpu.memory_space<vmem>>) target(%dma_start3A_469 : memref<16x128xi32, #tpu.memory_space<hbm>>) target_semaphore(%arg10 : memref<!tpu.dma_semaphore, #tpu.memory_space<semaphore_mem>>)
    }
    %scan3A_100 = arith.constant 32 : i32
    %dma_wait3A = arith.constant 0 : i32
    %dma_wait3A_101 = arith.constant 0 : i32
    %dma_wait3A_102 = arith.constant 0 : i32
    %dma_wait3A_103 = tpu.memref_slice %arg6[%dma_wait3A, %dma_wait3A_101, %dma_wait3A_102] : memref<2x128x128xi32, #tpu.memory_space<vmem>> -> memref<1x128x128xi32, #tpu.memory_space<vmem>>
    %dma_wait3A_104 = tpu.memref_squeeze %dma_wait3A_103 : memref<1x128x128xi32, #tpu.memory_space<vmem>> -> memref<128x128xi32, #tpu.memory_space<vmem>>
    %dma_wait3A_105 = arith.constant 0 : i32
    %dma_wait3A_106 = arith.constant 0 : i32
    %dma_wait3A_107 = tpu.memref_slice %arg3[%dma_wait3A_105, %dma_wait3A_106] : memref<8192x128xi32, #tpu.memory_space<hbm>> -> memref<128x128xi32, #tpu.memory_space<hbm>>
    %dma_wait3A_108 = arith.constant 0 : i32
    %dma_wait3A_109 = arith.constant 0 : i32
    %dma_wait3A_110 = tpu.memref_slice %arg6[%dma_wait3A, %dma_wait3A_108, %dma_wait3A_109] : memref<2x128x128xi32, #tpu.memory_space<vmem>> -> memref<1x128x128xi32, #tpu.memory_space<vmem>>
    %dma_wait3A_111 = tpu.memref_squeeze %dma_wait3A_110 : memref<1x128x128xi32, #tpu.memory_space<vmem>> -> memref<128x128xi32, #tpu.memory_space<vmem>>
    %dma_wait3A_112 = arith.constant 0 : i32
    %dma_wait3A_113 = arith.constant 0 : i32
    %dma_wait3A_114 = tpu.memref_slice %arg3[%dma_wait3A_112, %dma_wait3A_113] : memref<8192x128xi32, #tpu.memory_space<hbm>> -> memref<128x128xi32, #tpu.memory_space<hbm>>
    tpu.wait_dma2 semaphore(%arg7 : memref<!tpu.dma_semaphore, #tpu.memory_space<semaphore_mem>>) src(%dma_wait3A_114 : memref<128x128xi32, #tpu.memory_space<hbm>>) dst(%dma_wait3A_111 : memref<128x128xi32, #tpu.memory_space<vmem>>)
    %dma_wait3A_115 = arith.constant 1 : i32
    %dma_wait3A_116 = arith.constant 0 : i32
    %dma_wait3A_117 = arith.constant 0 : i32
    %dma_wait3A_118 = tpu.memref_slice %arg6[%dma_wait3A_115, %dma_wait3A_116, %dma_wait3A_117] : memref<2x128x128xi32, #tpu.memory_space<vmem>> -> memref<1x16x128xi32, #tpu.memory_space<vmem>>
    %dma_wait3A_119 = tpu.memref_squeeze %dma_wait3A_118 : memref<1x16x128xi32, #tpu.memory_space<vmem>> -> memref<16x128xi32, #tpu.memory_space<vmem>>
    %dma_wait3A_120 = arith.constant 0 : i32
    %dma_wait3A_121 = arith.constant 0 : i32
    %dma_wait3A_122 = tpu.memref_slice %arg4[%dma_wait3A_120, %dma_wait3A_121] : memref<32768x128xi32, #tpu.memory_space<hbm>> -> memref<16x128xi32, #tpu.memory_space<hbm>>
    %dma_wait3A_123 = arith.constant 0 : i32
    %dma_wait3A_124 = arith.constant 0 : i32
    %dma_wait3A_125 = tpu.memref_slice %arg4[%dma_wait3A_123, %dma_wait3A_124] : memref<32768x128xi32, #tpu.memory_space<hbm>> -> memref<16x128xi32, #tpu.memory_space<hbm>>
    %dma_wait3A_126 = arith.constant 0 : i32
    %dma_wait3A_127 = arith.constant 0 : i32
    %dma_wait3A_128 = tpu.memref_slice %arg6[%dma_wait3A_115, %dma_wait3A_126, %dma_wait3A_127] : memref<2x128x128xi32, #tpu.memory_space<vmem>> -> memref<1x16x128xi32, #tpu.memory_space<vmem>>
    %dma_wait3A_129 = tpu.memref_squeeze %dma_wait3A_128 : memref<1x16x128xi32, #tpu.memory_space<vmem>> -> memref<16x128xi32, #tpu.memory_space<vmem>>
    tpu.wait_dma2 semaphore(%arg10 : memref<!tpu.dma_semaphore, #tpu.memory_space<semaphore_mem>>) src(%dma_wait3A_129 : memref<16x128xi32, #tpu.memory_space<vmem>>) dst(%dma_wait3A_125 : memref<16x128xi32, #tpu.memory_space<hbm>>)
    return
  }
}

module attributes {stable_mosaic.version = 14 : i64} {
  func.func @body(%arg0: i32, %arg1: i32, %arg2: memref<1x1024x256xf32, #tpu.memory_space<vmem>>, %arg3: memref<1x1024x128xi32, #tpu.memory_space<vmem>>) attributes {dimension_semantics = [#tpu.dimension_semantics<arbitrary>, #tpu.dimension_semantics<arbitrary>], iteration_bounds = array<i64: 8, 1>, scalar_prefetch = 0 : i64, scratch_operands = 0 : i64, tpu.core_type = #tpu.core_type<tc>, window_params = [{transform_indices = @transform_0, window_bounds = array<i64: 1, 1024, 256>}, {transform_indices = @transform_1, window_bounds = array<i64: 1, 1024, 128>}]} {
    %get3A = arith.constant 0 : index
    %get3A_0 = arith.constant 0 : index
    %get3A_1 = arith.constant 0 : index
    %get3A_2 = vector.load %arg2[%get3A, %get3A_0, %get3A_1] : memref<1x1024x256xf32, #tpu.memory_space<vmem>>, vector<1x1024x256xf32>
    %get3A_3 = vector.shape_cast %get3A_2 : vector<1x1024x256xf32> to vector<1024x256xf32>
    %convert_element_type3A = arith.truncf %get3A_3 : vector<1024x256xf32> to vector<1024x256xbf16>
    %bitcast_convert_type3A = tpu.bitcast %convert_element_type3A : vector<1024x256xbf16> -> vector<1024x256xi16>
    %convert_element_type3A_4 = arith.extui %bitcast_convert_type3A : vector<1024x256xi16> to vector<1024x256xi32>
    %slice3A = vector.extract_strided_slice %convert_element_type3A_4 {offsets = [0, 0], sizes = [1024, 128], strides = [1, 1]} : vector<1024x256xi32> to vector<1024x128xi32>
    %slice3A_5 = vector.extract_strided_slice %convert_element_type3A_4 {offsets = [0, 128], sizes = [1024, 128], strides = [1, 1]} : vector<1024x256xi32> to vector<1024x128xi32>
    %shift_left3A = arith.constant 16 : i32
    %shift_left3A_6 = vector.broadcast %shift_left3A : i32 to vector<1024x128xi32>
    %shift_left3A_7 = arith.shli %slice3A_5, %shift_left3A_6 : vector<1024x128xi32>
    %or3A = arith.ori %slice3A, %shift_left3A_7 : vector<1024x128xi32>
    %bitcast_convert_type3A_8 = tpu.bitcast %or3A : vector<1024x128xi32> -> vector<1024x128xi32>
    %swap3A = arith.constant 0 : index
    %swap3A_9 = arith.constant 0 : index
    %swap3A_10 = arith.constant 0 : index
    %swap3A_11 = vector.load %arg3[%swap3A, %swap3A_9, %swap3A_10] : memref<1x1024x128xi32, #tpu.memory_space<vmem>>, vector<1x1024x128xi32>
    %swap3A_12 = vector.shape_cast %swap3A_11 : vector<1x1024x128xi32> to vector<1024x128xi32>
    %swap3A_13 = vector.shape_cast %bitcast_convert_type3A_8 : vector<1024x128xi32> to vector<1x1024x128xi32>
    tpu.vector_store %arg3[%swap3A, %swap3A_9, %swap3A_10], %swap3A_13 {strides = array<i32>} : memref<1x1024x128xi32, #tpu.memory_space<vmem>>, vector<1x1024x128xi32>,
    return
  }
  func.func @transform_0(%arg0: i32, %arg1: i32) -> (i32, i32, i32) {
    %c0_i32 = arith.constant 0 : i32
    %c0_i32_0 = arith.constant 0 : i32
    return %arg0, %arg1, %c0_i32 : i32, i32, i32
  }
  func.func @transform_1(%arg0: i32, %arg1: i32) -> (i32, i32, i32) {
    %c0_i32 = arith.constant 0 : i32
    %c0_i32_0 = arith.constant 0 : i32
    return %arg0, %arg1, %c0_i32 : i32, i32, i32
  }
}

module attributes {stable_mosaic.version = 14 : i64} {
  func.func @body(%arg0: i32, %arg1: i32, %arg2: memref<1x2048x128xi32, #tpu.memory_space<vmem>>, %arg3: memref<1x256x2048xf32, #tpu.memory_space<vmem>>) attributes {dimension_semantics = [#tpu.dimension_semantics<arbitrary>, #tpu.dimension_semantics<arbitrary>], iteration_bounds = array<i64: 16, 1>, scalar_prefetch = 0 : i64, scratch_operands = 0 : i64, tpu.core_type = #tpu.core_type<tc>, window_params = [{transform_indices = @transform_0, window_bounds = array<i64: 1, 2048, 128>}, {transform_indices = @transform_1, window_bounds = array<i64: 1, 256, 2048>}]} {
    %get3A = arith.constant 0 : index
    %get3A_0 = arith.constant 0 : index
    %get3A_1 = arith.constant 0 : index
    %get3A_2 = vector.load %arg2[%get3A, %get3A_0, %get3A_1] : memref<1x2048x128xi32, #tpu.memory_space<vmem>>, vector<1x2048x128xi32>
    %get3A_3 = vector.shape_cast %get3A_2 : vector<1x2048x128xi32> to vector<2048x128xi32>
    %shift_left3A = arith.constant 16 : i32
    %shift_left3A_4 = vector.broadcast %shift_left3A : i32 to vector<2048x128xi32>
    %shift_left3A_5 = arith.shli %get3A_3, %shift_left3A_4 : vector<2048x128xi32>
    %bitcast_convert_type3A = tpu.bitcast %shift_left3A_5 : vector<2048x128xi32> -> vector<2048x128xf32>
    %and3A = arith.constant -65536 : i32
    %and3A_6 = vector.broadcast %and3A : i32 to vector<2048x128xi32>
    %and3A_7 = arith.andi %get3A_3, %and3A_6 : vector<2048x128xi32>
    %bitcast_convert_type3A_8 = tpu.bitcast %and3A_7 : vector<2048x128xi32> -> vector<2048x128xf32>
    %transpose3A = tpu.transpose %bitcast_convert_type3A, [1, 0] : vector<2048x128xf32> -> vector<128x2048xf32>
    %swap3A = arith.constant 0 : index
    %swap3A_9 = arith.constant 0 : index
    %swap3A_10 = arith.constant 0 : index
    %swap3A_11 = vector.load %arg3[%swap3A, %swap3A_9, %swap3A_10] : memref<1x256x2048xf32, #tpu.memory_space<vmem>>, vector<1x128x2048xf32>
    %swap3A_12 = vector.shape_cast %swap3A_11 : vector<1x128x2048xf32> to vector<128x2048xf32>
    %swap3A_13 = vector.shape_cast %transpose3A : vector<128x2048xf32> to vector<1x128x2048xf32>
    tpu.vector_store %arg3[%swap3A, %swap3A_9, %swap3A_10], %swap3A_13 {strides = array<i32>} : memref<1x256x2048xf32, #tpu.memory_space<vmem>>, vector<1x128x2048xf32>,
    %transpose3A_14 = tpu.transpose %bitcast_convert_type3A_8, [1, 0] : vector<2048x128xf32> -> vector<128x2048xf32>
    %swap3A_15 = arith.constant 0 : index
    %swap3A_16 = arith.constant 128 : index
    %swap3A_17 = arith.constant 0 : index
    %swap3A_18 = vector.load %arg3[%swap3A_15, %swap3A_16, %swap3A_17] : memref<1x256x2048xf32, #tpu.memory_space<vmem>>, vector<1x128x2048xf32>
    %swap3A_19 = vector.shape_cast %swap3A_18 : vector<1x128x2048xf32> to vector<128x2048xf32>
    %swap3A_20 = vector.shape_cast %transpose3A_14 : vector<128x2048xf32> to vector<1x128x2048xf32>
    tpu.vector_store %arg3[%swap3A_15, %swap3A_16, %swap3A_17], %swap3A_20 {strides = array<i32>} : memref<1x256x2048xf32, #tpu.memory_space<vmem>>, vector<1x128x2048xf32>,
    return
  }
  func.func @transform_0(%arg0: i32, %arg1: i32) -> (i32, i32, i32) {
    %c0_i32 = arith.constant 0 : i32
    %c0_i32_0 = arith.constant 0 : i32
    return %arg0, %arg1, %c0_i32 : i32, i32, i32
  }
  func.func @transform_1(%arg0: i32, %arg1: i32) -> (i32, i32, i32) {
    %c0_i32 = arith.constant 0 : i32
    %c0_i32_0 = arith.constant 0 : i32
    return %arg0, %c0_i32, %arg1 : i32, i32, i32
  }
}

</mosaic_0001>

<sc_bundles>
// kernel: kernel.5.cloned.1.call-start
scs
__scs_entry_jumppad:
0x0: {  	(pc) =	sbr.rel $0x88, $3  }
0x1: {  	(tag) =	ssettag $0x0;
	lr =	simm.s32 $0x1  }
0x2: {  	[smem:$0x3F9F] =	sst lr;
	_ =	strace $0xD0000000  }
0x3: {  	_ = 	snop  }
0x4: {  	_ = 	snop  }
0x5: {  	_ = 	snop  }
0x6: {  	_ = 	snop  }
0x7: {  	_ = 	snop  }
__scs_overlays_trampoline_lowered:
0x8: {  	[smem:$0x3FAE] =	sst s0  }
0x9: {  	[smem:$0x3FAF] =	sst s1  }
0xa: {  	[smem:$0x3FB0] =	sst s2  }
0xb: {  	[smem:$0x3FB1] =	sst s3  }
0xc: {  	[smem:$0x3FB2] =	sst s4  }
0xd: {  	[smem:$0x3FB3] =	sst s5  }
0xe: {  	[smem:$0x3FB4] =	sst s6  }
0xf: {  	[smem:$0x3FB5] =	sst s7  }
0x10: {  	[smem:$0x3FB6] =	sst s8  }
0x11: {  	[smem:$0x3FB7] =	sst s9;
	s0 =	simm.s32 @!p0 $0x0  }
0x12: {  	s1 =	sld [smem:$0x3F9D];
	s0 =	simm.s32 @p0 $0x1  }
0x13: {  	[smem:$0x3FB8] =	sst s0;
	s0 =	simm.s32 @!p1 $0x0  }
0x14: {  	s2 =	sld [smem:$0x3F9C];
	s0 =	simm.s32 @p1 $0x1  }
0x15: {  	[smem:$0x3FB9] =	sst s0;
	s0 =	simm.s32 @!p2 $0x0  }
0x16: {  	s3 =	sld [smem:$0x3FDB];
	s0 =	simm.s32 @p2 $0x1  }
0x17: {  	s4 =	simm.s32 $0x1BF5;
	[smem:$0x3FBB] =	sst s0  }
0x18: {  	s0 =	sld [smem:$0x3F9E];
	_ =	swait.ge [sflag:s4], $0x0  }
0x19: {  	s7 =	sld [smem:$0x3F9F]  }
0x1a: {  	s8 =	sadd.s32 $0xFFFFE003, lr  }
0x1b: {  	s9 =	sadd.s32 $0xFFFFFEF7, lr;
	s5 =	simm.s32 $0xFFFFFFFF;
	p2 =	slt.u32 s8, $0xFFFFF086  }
0x1c: {  	p1 =	slt.u32 s9, $0xF7A;
	s5 =	simm.s32 @!p2 $0x0  }
0x1d: {  	s5 =	simm.s32 @p1 $0x1;
	p0 =	seq.s32 s7, s2  }
0x1e: {  	s7 =	smul.u32 @!p0 $0xF7A, s2;
	p2 =	seq.s32 @!p0 s5, $0x0  }
0x1f: {  	s9 =	smul.u32 $0xF7A, s1;
	s8 =	simm.s32 @!p0 $0x1BF5;
	p2 =	por !p2, p0  }
0x20: {  	[sflag:s8] =	ssyncset.s32 @!p0 $0xFFFFF086;
	s6 =	sadd.s32 @!p0 s3, s7;
	s7 =	simm.s32 @!p0 $0x108  }
0x21: {  	s3 =	sadd.s32 s3, s9;
	s6 =	sadd.s32 @!p0 $0x88, s6;
	s7 =	simm.s32 @p2 $0x1082  }
0x22: {  	[simem:s7], [sflag:s8] =	dma.local @!p0 [hbm:s6], $0xF7A  }
0x23: {  	s9 =	sor.u32 $0xD0000000, s2;
	s6 =	simm.s32 $0x108;
	_ =	swait.ge @!p0 [sflag:s8], $0x0  }
0x24: {  	s3 =	sadd.s32 $0x88, s3;
	s6 =	simm.s32 @!p1 $0x1082;
	[sflag:s4] =	ssyncset.s32 $0xFFFFF086  }
0x25: {  	[simem:s6], [sflag:s4] =	dma.local [hbm:s3], $0xF7A  }
0x26: {  	[smem:$0x3F9F] =	sst s1;
	(tag) =	ssettag s2;
	_ =	strace s9  }
0x27: {  	s1 =	sld [smem:$0x3FAF]  }
0x28: {  	s2 =	sld [smem:$0x3FB0]  }
0x29: {  	s4 =	sld [smem:$0x3FB2]  }
0x2a: {  	p0 =	seq.s32 s5, $0x0;
	s5 =	sld [smem:$0x3FB3]  }
0x2b: {  	s6 =	sld [smem:$0x3FB4]  }
0x2c: {  	s7 =	sld [smem:$0x3FB5]  }
0x2d: {  	s3 =	simm.s32 $0x108;
	s8 =	sld [smem:$0x3FB6]  }
0x2e: {  	s3 =	simm.s32 @!p0 $0x1082;
	s9 =	sld [smem:$0x3FB7]  }
0x2f: {  	lr =	sadd.s32 s0, s3;
	s0 =	sld [smem:$0x3FAE]  }
0x30: {  	s3 =	sld [smem:$0x3FB1]  }
0x31: {  	[smem:$0x3FBA] =	sst s10  }
0x32: {  	s10 =	sld [smem:$0x3FB8];
	_ =	sdelay $0x3  }
0x33: {  	p0 =	seq.s32 s10, $0x1;
	s10 =	sld [smem:$0x3FBA];
	_ =	sdelay $0x3  }
0x34: {  	[smem:$0x3FBA] =	sst s10  }
0x35: {  	s10 =	sld [smem:$0x3FB9];
	_ =	sdelay $0x3  }
0x36: {  	p1 =	seq.s32 s10, $0x1;
	s10 =	sld [smem:$0x3FBA];
	_ =	sdelay $0x3  }
0x37: {  	[smem:$0x3FBA] =	sst s10  }
0x38: {  	s10 =	sld [smem:$0x3FBB]  }
0x39: {  	_ = 	snop;
	(pc) =	sbr.ind lr, $3  }
0x3a: {  	_ = 	snop  }
0x3b: {  	_ = 	snop  }
0x3c: {  	p2 =	seq.s32 s10, $0x1;
	s10 =	sld [smem:$0x3FBA]  }
0x3d: {  	_ =	shalt  }
0x3e: {  	_ =	shalt  }
0x3f: {  	_ =	shalt  }
0x40: {  	_ =	shalt  }
0x41: {  	_ =	shalt  }
0x42: {  	_ =	shalt  }
0x43: {  	_ =	shalt  }
0x44: {  	_ =	shalt  }
0x45: {  	_ =	shalt  }
0x46: {  	_ =	shalt  }
0x47: {  	_ =	shalt  }
0x48: {  	_ =	shalt  }
0x49: {  	_ =	shalt  }
0x4a: {  	_ =	shalt  }
0x4b: {  	_ =	shalt  }
0x4c: {  	_ =	shalt  }
0x4d: {  	_ =	shalt  }
0x4e: {  	_ =	shalt  }
0x4f: {  	_ =	shalt  }
0x50: {  	_ =	shalt  }
0x51: {  	_ =	shalt  }
0x52: {  	_ =	shalt  }
0x53: {  	_ =	shalt  }
0x54: {  	_ =	shalt  }
0x55: {  	_ =	shalt  }
0x56: {  	_ =	shalt  }
0x57: {  	_ =	shalt  }
0x58: {  	_ =	shalt  }
0x59: {  	_ =	shalt  }
0x5a: {  	_ =	shalt  }
0x5b: {  	_ =	shalt  }
0x5c: {  	_ =	shalt  }
0x5d: {  	_ =	shalt  }
0x5e: {  	_ =	shalt  }
0x5f: {  	_ =	shalt  }
0x60: {  	_ =	shalt  }
0x61: {  	_ =	shalt  }
0x62: {  	_ =	shalt  }
0x63: {  	_ =	shalt  }
0x64: {  	_ =	shalt  }
0x65: {  	_ =	shalt  }
0x66: {  	_ =	shalt  }
0x67: {  	_ =	shalt  }
0x68: {  	_ =	shalt  }
0x69: {  	_ =	shalt  }
0x6a: {  	_ =	shalt  }
0x6b: {  	_ =	shalt  }
0x6c: {  	_ =	shalt  }
0x6d: {  	_ =	shalt  }
0x6e: {  	_ =	shalt  }
0x6f: {  	_ =	shalt  }
0x70: {  	_ =	shalt  }
0x71: {  	_ =	shalt  }
0x72: {  	_ =	shalt  }
0x73: {  	_ =	shalt  }
0x74: {  	_ =	shalt  }
0x75: {  	_ =	shalt  }
0x76: {  	_ =	shalt  }
0x77: {  	_ =	shalt  }
0x78: {  	_ =	shalt  }
0x79: {  	_ =	shalt  }
0x7a: {  	_ =	shalt  }
0x7b: {  	_ =	shalt  }
0x7c: {  	_ =	shalt  }
0x7d: {  	_ =	shalt  }
0x7e: {  	_ =	shalt  }
0x7f: {  	_ =	shalt  }
0x80: {  	_ =	shalt  }
0x81: {  	_ =	shalt  }
0x82: {  	_ =	shalt  }
0x83: {  	_ =	shalt  }
0x84: {  	_ =	shalt  }
0x85: {  	_ =	shalt  }
0x86: {  	_ =	shalt  }
0x87: {  	_ =	shalt  }
.Lfunc_end0:
.L_simem_size_0:
called_computation_lowered:
.L_overlay_start_0:
0x88: {  	s2 =	sld [smem:$0x3FD9]  }
0x89: {  	s3 =	sld [smem:$0x3FFE];
	_ =	sdelay $0x1  }
0x8a: {  	s1 =	srdreg.scid  }
0x8b: {  	s0 =	sand.u32 $0x1, s1  }
0x8c: {  	s17 =	sshll.u32 s0, $0xA;
	s2 =	sadd.s32 s3, s2  }
0x8d: {  	s2 =	sadd.s32 s2, s17  }
0x8e: {  	[smem:$0x3FC6] =	sst s2  }
0x8f: {  	_ = 	snop  }
0x90: {  	s2 =	sld [smem:$0x3FD0];
	(tm) =	ssettm $0x1  }
0x91: {  	s18 =	sld [smem:$0x3FFB];
	_ =	sdelay $0x3  }
0x92: {  	_ =	strace s18  }
0x93: {  	s3 =	sld [smem:$0x3FFC];
	_ =	sdelay $0x3  }
0x94: {  	_ =	strace s3  }
0x95: {  	s3 =	sld [smem:$0x3FFD];
	_ =	sdelay $0x3  }
0x96: {  	_ =	strace s3  }
0x97: {  	_ =	strace $0x8FFFFFFF  }
0x98: {  	s19 =	sld [smem:$0x3FDB];
	_ =	sdelay $0x1  }
0x99: {  	s4 =	simm.s32 $_scs_section_size  }
0x9a: {  	s5 =	simm.s32 $_size__tile_overlayer_lowered;
	s6 =	simm.s32 $_tile_overlayer_lowered  }
0x9b: {  	s22 =	simm.s32 $0x1BFF;
	s21 =	sshll.u32 s6, $0x1;
	s3 =	sadd.s32 s4, s19  }
0x9c: {  	s7 =	simm.s32 $0x0;
	s20 =	sshll.u32 s5, $0x1;
	s5 =	sadd.s32 s21, s3  }
0x9d: {  	[timem:s7], [sflag:s22] =	dma.local [hbm:s5], s20  }
0x9e: {  	_ =	swait.ge [sflag:s22], s20  }
0x9f: {  	s4 =	ssub.s32 $0x0, s20;
	[sflag:s22] =	ssyncset.done $0x0  }
0xa0: {  	[sflag:s22] =	ssyncadd.s32 s4;
	_ =	sdelay $0x1  }
0xa1: {  	s23 =	simm.s32 $0x1B8B  }
0xa2: {  	_ =	swait.ge [sflag:s23], $0x1  }
0xa3: {  	[sflag:s23] =	ssyncset.done $0x0  }
0xa4: {  	s25 =	simm.s32 $0x1B8E;
	s24 =	sld [smem:$0x3FFE];
	[sflag:s23] =	ssyncadd.s32 $0xFFFFFFFF  }
0xa5: {  	s26 =	simm.s32 $execute0_lowered;
	[smem:$0x3FD2] =	sst s25  }
0xa6: {  	s5 =	sshll.u32 s26, $0x1;
	_ =	strace $0x80000046;
	[dreg:$0x1] =	wrdreg $0xFFFFFFFF  }
0xa7: {  	s28 =	simm.s32 $_size_execute0_lowered;
	s3 =	sadd.s32 s3, s5;
	[dreg:$0x0] =	wrdreg $0x0  }
0xa8: {  	s5 =	sshll.u32 s28, $0x1;
	[dreg:$0x2] =	wrdreg s3  }
0xa9: {  	[dreg:$0x3] =	wrdreg s5  }
0xaa: {  	[dreg:$0x4] =	wrdreg $0xC0  }
0xab: {  	_ =	task [dreg:s7], $0x5FFFF  }
0xac: {  	[dreg:$0x1] =	wrdreg $0xFFFFFFFF  }
0xad: {  	[dreg:$0x0] =	wrdreg $0x60  }
0xae: {  	[dreg:$0x2] =	wrdreg s24  }
0xaf: {  	[dreg:$0x3] =	wrdreg s2  }
0xb0: {  	[dreg:$0x4] =	wrdreg $0x9  }
0xb1: {  	_ =	task.clear_ibuf [dreg:s7], $0x5FFFF;
	_ =	strace $0x90000046  }
0xb2: {  	s29 =	simm.s32 $0x9;
	_ =	strace $0x80000048  }
0xb3: {  	_ =	swait.ge [sflag:s29], $0x1  }
0xb4: {  	[sflag:s29] =	ssyncadd.s32 $0xFFFFFFFF  }
0xb5: {  	_ =	strace $0x90000048  }
0xb6: {  	_ =	sfence  }
0xb7: {  	s30 =	sld [smem:$0x0];
	_ =	sdelay $0x2  }
0xb8: {  	s31 =	sshll.u32 s1, $0xD;
	s1 =	sshrl.u32 s1, $0x2  }
0xb9: {  	s3 =	sand.u32 $0x4000, s31;
	s1 =	sadd.s32 s1, s30  }
0xba: {  	s0 =	sor.u32 s3, s0;
	s1 =	sshll.u32 s1, $0x11  }
0xbb: {  	s0 =	sor.u32 s1, s0  }
0xbc: {  	s0 =	sadd.s32 $0x8F2B, s0  }
0xbd: {  	[sflag:s0] =	ssyncadd.remote.s32 $0x1  }
0xbe: {  	_ =	sfence.sel $0xFFFF  }
0xbf: {  	[dreg:$0x0] =	wrdreg $0xFFFFFFFF;
	(pc) =	sbr.abs _section_cstart, $3  }
0xc0: {  	[dreg:$0x1] =	wrdreg $0xFFFFFFFF  }
0xc1: {  	_ =	task.clear_ibuf [dreg:s7], $0x2FFFF;
	_ =	strace $0x9FFFFFFF  }
0xc2: {  	(tm) =	ssettm $0x7FFFFFFF  }
0xc3: {  	_ =	shalt  }
tec
execute0_lowered:
.L_overlay_start_1:
0x0: {  	(tag) =	ssettag $0x1  }
0x1: {  	s0 =	rddreg [dreg:$0x0];
	s1 =	srdreg.scid  }
0x2: {  	s2 =	stileid.u32;
	s4 =	rddreg [dreg:$0x1];
	s8 =	simm.s32 $0x10  }
0x3: {  	s9 =	simm.s32 $0x10000;
	s11 =	simm.s32 $0x10800;
	s13 =	simm.s32 $0x11000  }
0x4: {  	s15 =	simm.s32 $0x11800;
	s17 =	simm.s32 $0x12000;
	s19 =	simm.s32 $0x12800  }
0x5: {  	s21 =	simm.s32 $0x13000;
	s23 =	simm.s32 $0x13800;
	s28 =	simm.s32 $0x15800  }
0x6: {  	s29 =	simm.s32 $0x16000;
	s30 =	simm.s32 $0x16800;
	s31 =	simm.s32 $0x17000  }
0x7: {  	s10 =	simm.s32 $0x3;
	s12 =	simm.s32 $0x2;
	s14 =	simm.s32 $0x4  }
0x8: {  	s1 =	sand.u32 $0x1, s1;
	s3 =	sshll.u32 s2, $0x1;
	s2 =	simm.s32 $0x0  }
0x9: {  	s16 =	simm.s32 $0x0;
	s5 =	sor.u32 s1, s3;
	[smem:$0x7FF] =	sst s2  }
0xa: {  	s1 =	ssub.s32 $0x2, s1;
	s3 =	sshll.u32 s5, $0xD;
	_ =	strace $0x80000047  }
0xb: {  	s7 =	sshrl.u32 s1, $0x1;
	s25 =	sshll.u32 s5, $0xE;
	s6 =	sadd.s32 s3, s0  }
0xc: {  	s3 =	sadd.s32 $0xC00, s0;
	s24 =	ssub.s32 s1, s7;
	s5 =	sadd.s32 s4, s25  }
0xd: {  	s25 =	simm.s32 $0x14800;
	s1 =	simm.s32 $0x17800;
	s26 =	sadd.s32 $0x20C00, s6  }
0xe: {  	s0 =	smax.u32 s24, $0x1;
	s24 =	simm.s32 $0x14000;
	[dreg:$0x3] =	wrdreg s26  }
0xf: {  	[dreg:$0x4] =	wrdreg s0;
	s26 =	simm.s32 $0x15000;
	s0 =	simm.s32 $0x1  }
.LBB2_1:
0x10: {  	s4 =	rddreg [dreg:$0x3];
	s18 =	simm.s32 $0x5  }
0x11: {  	[tilespmem:s2], [sflag:$0x5] =	stream.linear.gather [hbm4b:s4+s2], $0x10000, $0x38;
	[tilespmem:$0x18000] =	vst v63  }
0x12: {  	_ =	swait.ge [sflag:s18], $0x10000  }
0x13: {  	[sflag:s18] =	ssyncset.done $0x0  }
0x14: {  	[sflag:s18] =	ssyncadd.s32 $0xFFFF0000  }
0x15: {  	[tilespmem:s9], [sflag:$0x1] =	stream.indirect.gather [hbm4b:s3+s8], $0x80, s2, s8, $0xb8;
	[tilespmem:$0x18000] =	vst v63  }
0x16: {  	s20 =	simm.s32 $0x80  }
0x17: {  	[tilespmem:s11], [sflag:$0x1] =	stream.indirect.gather [hbm4b:s3+s8], $0x80, s20, s8, $0xb8;
	[tilespmem:$0x18000] =	vst v63  }
0x18: {  	s22 =	simm.s32 $0x100  }
0x19: {  	[tilespmem:s13], [sflag:$0x1] =	stream.indirect.gather [hbm4b:s3+s8], $0x80, s22, s8, $0xb8;
	[tilespmem:$0x18000] =	vst v63  }
0x1a: {  	s6 =	simm.s32 $0x180  }
0x1b: {  	[tilespmem:s15], [sflag:$0x1] =	stream.indirect.gather [hbm4b:s3+s8], $0x80, s6, s8, $0xb8;
	[tilespmem:$0x18000] =	vst v63  }
0x1c: {  	s7 =	simm.s32 $0x200  }
0x1d: {  	[tilespmem:s17], [sflag:$0x1] =	stream.indirect.gather [hbm4b:s3+s8], $0x80, s7, s8, $0xb8;
	[tilespmem:$0x18000] =	vst v63  }
0x1e: {  	s18 =	simm.s32 $0x280  }
0x1f: {  	[tilespmem:s19], [sflag:$0x1] =	stream.indirect.gather [hbm4b:s3+s8], $0x80, s18, s8, $0xb8;
	[tilespmem:$0x18000] =	vst v63  }
0x20: {  	s20 =	simm.s32 $0x300  }
0x21: {  	[tilespmem:s21], [sflag:$0x1] =	stream.indirect.gather [hbm4b:s3+s8], $0x80, s20, s8, $0xb8;
	[tilespmem:$0x18000] =	vst v63  }
0x22: {  	s22 =	simm.s32 $0x380;
	s18 =	simm.s32 $0x0  }
0x23: {  	[tilespmem:s23], [sflag:$0x1] =	stream.indirect.gather [hbm4b:s3+s8], $0x80, s22, s8, $0xb8;
	[tilespmem:$0x18000] =	vst v63  }
.LBB2_2:
0x24: {  	p0 =	seq.s32 s18, $0x0  }
0x25: {  	s4 =	simm.s32 @!p0 $0x4  }
0x26: {  	s20 =	sshllo.u32 s18, $0x1;
	_ =	swait.ge @!p0 [sflag:s4], $0x800  }
0x27: {  	s6 =	sshll.u32 s20, $0xA;
	[sflag:s4] =	ssyncset.done @!p0 $0x0  }
0x28: {  	[sflag:s4] =	ssyncadd.s32 @!p0 $0xFFFFF800;
	s4 =	sand.u32 $0x3FFFFC00, s6  }
0x29: {  	[tilespmem:s24], [sflag:$0x2] =	stream.indirect.gather [hbm4b:s3+s8], $0x80, s4, s8, $0xb8;
	[tilespmem:$0x18000] =	vst v63  }
0x2a: {  	s6 =	sor.u32 $0x80, s4  }
0x2b: {  	[tilespmem:s25], [sflag:$0x2] =	stream.indirect.gather [hbm4b:s3+s8], $0x80, s6, s8, $0xb8;
	[tilespmem:$0x18000] =	vst v63  }
0x2c: {  	s22 =	sor.u32 $0x100, s4  }
0x2d: {  	[tilespmem:s26], [sflag:$0x2] =	stream.indirect.gather [hbm4b:s3+s8], $0x80, s22, s8, $0xb8;
	[tilespmem:$0x18000] =	vst v63  }
0x2e: {  	s7 =	sor.u32 $0x180, s4  }
0x2f: {  	[tilespmem:s28], [sflag:$0x2] =	stream.indirect.gather [hbm4b:s3+s8], $0x80, s7, s8, $0xb8;
	[tilespmem:$0x18000] =	vst v63  }
0x30: {  	s22 =	sor.u32 $0x200, s4  }
0x31: {  	[tilespmem:s29], [sflag:$0x2] =	stream.indirect.gather [hbm4b:s3+s8], $0x80, s22, s8, $0xb8;
	[tilespmem:$0x18000] =	vst v63  }
0x32: {  	s7 =	sor.u32 $0x280, s4  }
0x33: {  	[tilespmem:s30], [sflag:$0x2] =	stream.indirect.gather [hbm4b:s3+s8], $0x80, s7, s8, $0xb8;
	[tilespmem:$0x18000] =	vst v63  }
0x34: {  	s22 =	sor.u32 $0x300, s4  }
0x35: {  	[tilespmem:s31], [sflag:$0x2] =	stream.indirect.gather [hbm4b:s3+s8], $0x80, s22, s8, $0xb8;
	[tilespmem:$0x18000] =	vst v63  }
0x36: {  	s4 =	sor.u32 $0x380, s4  }
0x37: {  	[tilespmem:s1], [sflag:$0x2] =	stream.indirect.gather [hbm4b:s3+s8], $0x80, s4, s8, $0xb8;
	[tilespmem:$0x18000] =	vst v63  }
0x38: {  	_ =	swait.ge [sflag:s0], $0x4000  }
0x39: {  	[sflag:s0] =	ssyncset.done $0x0  }
0x3a: {  	s22 =	simm.s32 $0x12000;
	[sflag:s0] =	ssyncadd.s32 $0xFFFFC000  }
0x3b: {  	v7 =	vld [tilespmem:s22+$0xFFFFE0F0]  }
0x3c: {  	v8 =	vld [tilespmem:s22+$0xFFFFE8F0]  }
0x3d: {  	v9 =	vld [tilespmem:s22+$0xFFFFF0F0]  }
0x3e: {  	v10 =	vld [tilespmem:s22+$0xFFFFF8F0]  }
0x3f: {  	v11 =	vld [tilespmem:s22+$0xF0]  }
0x40: {  	v1 =	vld [tilespmem:s22+$0xFFFFF000]  }
0x41: {  	v6 =	vld [tilespmem:s22+$0xFFFFF800]  }
0x42: {  	v4 =	vld [tilespmem:s22+$0x0]  }
0x43: {  	v5 =	vld [tilespmem:s22+$0x800]  }
0x44: {  	v2 =	vld [tilespmem:s22+$0x1000]  }
0x45: {  	v3 =	vld [tilespmem:s22+$0x1800]  }
0x46: {  	v12 =	vld [tilespmem:s22+$0xFFFFE010]  }
0x47: {  	v13 =	vld [tilespmem:s22+$0xFFFFE810]  }
0x48: {  	v14 =	vld [tilespmem:s22+$0xFFFFF010]  }
0x49: {  	v15 =	vld [tilespmem:s22+$0xFFFFF810]  }
0x4a: {  	v16 =	vld [tilespmem:s22+$0x10]  }
0x4b: {  	v17 =	vld [tilespmem:s22+$0x810]  }
0x4c: {  	v18 =	vld [tilespmem:s22+$0x1010]  }
0x4d: {  	v19 =	vld [tilespmem:s22+$0x1810]  }
0x4e: {  	v20 =	vld [tilespmem:s22+$0xFFFFE020]  }
0x4f: {  	v21 =	vld [tilespmem:s22+$0xFFFFE820]  }
0x50: {  	v22 =	vld [tilespmem:s22+$0xFFFFF020]  }
0x51: {  	v37 =	vld [tilespmem:s22+$0xFFFFF820]  }
0x52: {  	v40 =	vld [tilespmem:s22+$0x20]  }
0x53: {  	v41 =	vld [tilespmem:s22+$0x820]  }
0x54: {  	v43 =	vld [tilespmem:s22+$0x1020]  }
0x55: {  	v44 =	vld [tilespmem:s22+$0x1820]  }
0x56: {  	v45 =	vld [tilespmem:s22+$0xFFFFE030]  }
0x57: {  	v46 =	vld [tilespmem:s22+$0xFFFFE830]  }
0x58: {  	v23 =	vld [tilespmem:s22+$0x8F0]  }
0x59: {  	v47 =	vld [tilespmem:s22+$0xFFFFF030]  }
0x5a: {  	v48 =	vld [tilespmem:s22+$0xFFFFF830]  }
0x5b: {  	v49 =	vld [tilespmem:s22+$0x30]  }
0x5c: {  	v50 =	vld [tilespmem:s22+$0x830]  }
0x5d: {  	v51 =	vld [tilespmem:s22+$0x1030]  }
0x5e: {  	v52 =	vld [tilespmem:s22+$0x1830]  }
0x5f: {  	v53 =	vld [tilespmem:s22+$0xFFFFE040]  }
0x60: {  	v54 =	vld [tilespmem:s22+$0xFFFFE840]  }
0x61: {  	v24 =	vld [tilespmem:s22+$0x10F0]  }
0x62: {  	v55 =	vld [tilespmem:s22+$0xFFFFF040]  }
0x63: {  	v56 =	vld [tilespmem:s22+$0xFFFFF840]  }
0x64: {  	v57 =	vld [tilespmem:s22+$0x40]  }
0x65: {  	v58 =	vld [tilespmem:s22+$0x840]  }
0x66: {  	v60 =	vld [tilespmem:s22+$0x1040]  }
0x67: {  	v61 =	vld [tilespmem:s22+$0x1840]  }
0x68: {  	v62 =	vld [tilespmem:s22+$0xFFFFE050]  }
0x69: {  	v63 =	vld [tilespmem:s22+$0xFFFFE850]  }
0x6a: {  	v25 =	vld [tilespmem:s22+$0x18F0]  }
0x6b: {  	v26 =	vld [tilespmem:s22+$0xFFFFF050]  }
0x6c: {  	v27 =	vld [tilespmem:s22+$0xFFFFF850]  }
0x6d: {  	v28 =	vld [tilespmem:s22+$0x50]  }
0x6e: {  	v29 =	vld [tilespmem:s22+$0x850]  }
0x6f: {  	v31 =	vld [tilespmem:s22+$0x1050]  }
0x70: {  	v32 =	vld [tilespmem:s22+$0x1850]  }
0x71: {  	v36 =	vadd.bf16 v15, v14;
	v14 =	vadd.bf16 v37, v22;
	v22 =	vld [tilespmem:s22+$0xFFFFE860]  }
0x72: {  	v7 =	vadd.bf16 v8, v7;
	v8 =	vadd.bf16 v10, v9;
	v9 =	vld [tilespmem:s22+$0xFFFFF060]  }
0x73: {  	v39 =	vadd.bf16 v19, v18;
	v19 =	vld [tilespmem:s22+$0x860]  }
0x74: {  	v37 =	vld [tilespmem:s22+$0xFFFFF080]  }
0x75: {  	v38 =	vadd.bf16 v17, v16;
	v17 =	vadd.bf16 v41, v40;
	v40 =	vld [tilespmem:s22+$0x880]  }
0x76: {  	v41 =	vld [tilespmem:s22+$0x1080]  }
0x77: {  	v33 =	vadd.bf16 v29, v28;
	v28 =	vld [tilespmem:s22+$0xFFFFE890]  }
0x78: {  	v29 =	vld [tilespmem:s22+$0xFFFFF090]  }
0x79: {  	v15 =	vadd.bf16 v44, v43;
	v43 =	vld [tilespmem:s22+$0xFFFFF890]  }
0x7a: {  	v12 =	vadd.bf16 v13, v12;
	v13 =	vadd.bf16 v46, v45;
	v46 =	vld [tilespmem:s22+$0x90]  }
0x7b: {  	v16 =	vadd.bf16 v50, v49;
	v49 =	vld [tilespmem:s22+$0x1090]  }
0x7c: {  	v50 =	vld [tilespmem:s22+$0x1890]  }
0x7d: {  	v18 =	vadd.bf16 v58, v57;
	v57 =	vld [tilespmem:s22+$0x18A0]  }
0x7e: {  	v58 =	vld [tilespmem:s22+$0xFFFFE0B0]  }
0x7f: {  	v10 =	vadd.bf16 v63, v62;
	v62 =	vld [tilespmem:s22+$0xB0]  }
0x80: {  	v63 =	vld [tilespmem:s22+$0x8B0]  }
0x81: {  	v7 =	vadd.bf16 v8, v7;
	v8 =	vld [tilespmem:s22+$0x1860]  }
0x82: {  	v12 =	vadd.bf16 v36, v12;
	v36 =	vld [tilespmem:s22+$0xFFFFE880]  }
0x83: {  	v20 =	vadd.bf16 v21, v20;
	v42 =	vadd.bf16 v39, v38;
	v38 =	vld [tilespmem:s22+$0xFFFFF880]  }
0x84: {  	v11 =	vadd.bf16 v23, v11;
	v34 =	vadd.bf16 v25, v24;
	v39 =	vld [tilespmem:s22+$0x80]  }
0x85: {  	v15 =	vadd.bf16 v15, v17;
	v17 =	vadd.bf16 v52, v51;
	v51 =	vld [tilespmem:s22+$0xFFFFE0A0]  }
0x86: {  	v11 =	vadd.bf16 v34, v11;
	v52 =	vld [tilespmem:s22+$0xFFFFE8A0]  }
0x87: {  	v14 =	vadd.bf16 v14, v20;
	v59 =	vadd.bf16 v17, v16;
	v17 =	vld [tilespmem:s22+$0x60]  }
0x88: {  	v7 =	vadd.bf16 v11, v7;
	v11 =	vld [tilespmem:s22+$0xFFFFE080]  }
0x89: {  	v14 =	vadd.bf16 v15, v14;
	v15 =	vadd.bf16 v54, v53;
	v53 =	vld [tilespmem:s22+$0xFFFFF8A0]  }
0x8a: {  	v54 =	vld [tilespmem:s22+$0xA0]  }
0x8b: {  	v16 =	vadd.bf16 v61, v60;
	v60 =	vld [tilespmem:s22+$0xFFFFF0B0]  }
0x8c: {  	v12 =	vadd.bf16 v42, v12;
	v61 =	vld [tilespmem:s22+$0xFFFFF8B0]  }
0x8d: {  	v20 =	vadd.bf16 v43, v29;
	v43 =	vld [tilespmem:s22+$0x8C0]  }
0x8e: {  	v21 =	vadd.bf16 v50, v49;
	v49 =	vld [tilespmem:s22+$0x1870];
	[tilespmem:s22+$0xFFFFE010] =	vst v12;
	v12 =	vadd.bf16 v48, v47  }
0x8f: {  	[tilespmem:s22+$0xFFFFE0F0] =	vst v7;
	v7 =	vld [tilespmem:s22+$0xFFFFF870]  }
0x90: {  	v47 =	vld [tilespmem:s22+$0x890];
	v12 =	vadd.bf16 v12, v13  }
0x91: {  	[tilespmem:s22+$0xFFFFE020] =	vst v14;
	v14 =	vadd.bf16 v56, v55;
	v55 =	vld [tilespmem:s22+$0x8A0]  }
0x92: {  	v56 =	vld [tilespmem:s22+$0x10A0];
	v12 =	vadd.bf16 v59, v12  }
0x93: {  	v30 =	vadd.bf16 v16, v18;
	v16 =	vadd.bf16 v32, v31;
	v31 =	vld [tilespmem:s22+$0x870]  }
0x94: {  	[tilespmem:s22+$0xFFFFE030] =	vst v12;
	v12 =	vadd.bf16 v27, v26;
	v26 =	vld [tilespmem:s22+$0x1880]  }
0x95: {  	v32 =	vld [tilespmem:s22+$0x1070]  }
0x96: {  	v42 =	vadd.bf16 v38, v37;
	v37 =	vld [tilespmem:s22+$0x10B0]  }
0x97: {  	v38 =	vld [tilespmem:s22+$0x18B0]  }
0x98: {  	v44 =	vadd.bf16 v40, v39;
	v39 =	vld [tilespmem:s22+$0xFFFFE0C0]  }
0x99: {  	v40 =	vld [tilespmem:s22+$0xFFFFE8C0];
	v11 =	vadd.bf16 v36, v11;
	v45 =	vadd.bf16 v26, v41  }
0x9a: {  	v18 =	vadd.bf16 v52, v51;
	v51 =	vld [tilespmem:s22+$0xFFFFF0D0]  }
0x9b: {  	v52 =	vld [tilespmem:s22+$0xFFFFF8D0];
	v11 =	vadd.bf16 v42, v11;
	v48 =	vadd.bf16 v45, v44  }
0x9c: {  	v14 =	vadd.bf16 v14, v15;
	v15 =	vld [tilespmem:s22+$0xFFFFE060]  }
0x9d: {  	v13 =	vld [tilespmem:s22+$0xFFFFF860];
	v11 =	vadd.bf16 v48, v11  }
0x9e: {  	v35 =	vadd.bf16 v16, v33;
	v16 =	vld [tilespmem:s22+$0xFFFFE870]  }
0x9f: {  	v1 =	vadd.bf16 v6, v1;
	v2 =	vadd.bf16 v3, v2;
	[tilespmem:s22+$0xFFFFE080] =	vst v11;
	v11 =	vld [tilespmem:s22+$0xFFFFF0A0]  }
0xa0: {  	v25 =	vadd.bf16 v63, v62;
	v50 =	vadd.bf16 v19, v17;
	v59 =	vld [tilespmem:s22+$0xFFFFE8B0]  }
0xa1: {  	v14 =	vadd.bf16 v30, v14;
	v24 =	vadd.bf16 v47, v46;
	v42 =	vld [tilespmem:s22+$0xC0]  }
0xa2: {  	v23 =	vadd.bf16 v55, v54;
	v46 =	vld [tilespmem:s22+$0x18C0];
	v62 =	vadd.bf16 v52, v51  }
0xa3: {  	v27 =	vld [tilespmem:s22+$0xFFFFE090];
	v21 =	vadd.bf16 v21, v24;
	v24 =	vadd.bf16 v57, v56  }
0xa4: {  	[tilespmem:s22+$0xFFFFE040] =	vst v14;
	v14 =	vld [tilespmem:s22+$0x1060];
	v6 =	vadd.bf16 v22, v15;
	v11 =	vadd.bf16 v53, v11  }
0xa5: {  	v55 =	vld [tilespmem:s22+$0xD0];
	v9 =	vadd.bf16 v13, v9;
	v10 =	vadd.bf16 v12, v10  }
0xa6: {  	v12 =	vld [tilespmem:s22+$0xFFFFE070];
	v36 =	vadd.bf16 v24, v23;
	v11 =	vadd.bf16 v11, v18  }
0xa7: {  	v15 =	vadd.bf16 v49, v32;
	v6 =	vadd.bf16 v9, v6;
	v9 =	vld [tilespmem:s22+$0x8D0]  }
0xa8: {  	v27 =	vadd.bf16 v28, v27;
	v41 =	vld [tilespmem:s22+$0xFFFFF8C0];
	v11 =	vadd.bf16 v36, v11  }
0xa9: {  	v23 =	vadd.bf16 v38, v37;
	v8 =	vadd.bf16 v8, v14;
	v45 =	vld [tilespmem:s22+$0x10C0]  }
0xaa: {  	v10 =	vadd.bf16 v35, v10;
	v20 =	vadd.bf16 v20, v27;
	[tilespmem:s22+$0xFFFFE0A0] =	vst v11;
	v11 =	vld [tilespmem:s22+$0xFFFFF0C0]  }
0xab: {  	v30 =	vld [tilespmem:s22+$0x70];
	v44 =	vadd.bf16 v23, v25;
	v8 =	vadd.bf16 v8, v50  }
0xac: {  	v47 =	vld [tilespmem:s22+$0xFFFFE0D0];
	v12 =	vadd.bf16 v16, v12;
	v9 =	vadd.bf16 v9, v55  }
0xad: {  	[tilespmem:s22+$0xFFFFE050] =	vst v10;
	v10 =	vld [tilespmem:s22+$0xFFFFF070];
	v20 =	vadd.bf16 v21, v20;
	v21 =	vadd.bf16 v59, v58  }
0xae: {  	v57 =	vld [tilespmem:s22+$0x10D0];
	v54 =	vadd.bf16 v46, v45;
	v53 =	vadd.bf16 v43, v42  }
0xaf: {  	v48 =	vld [tilespmem:s22+$0xFFFFE8D0];
	v18 =	vadd.bf16 v40, v39;
	v11 =	vadd.bf16 v41, v11  }
0xb0: {  	v58 =	vld [tilespmem:s22+$0x18D0];
	v59 =	vadd.bf16 v31, v30;
	[tilespmem:s22+$0xFFFFE090] =	vst v20;
	v20 =	vadd.bf16 v61, v60  }
0xb1: {  	v0 =	vld [tilespmem:s22+$0xFFFFE800];
	v56 =	vadd.bf16 v54, v53;
	v11 =	vadd.bf16 v11, v18  }
0xb2: {  	v63 =	vld [tilespmem:s22+$0xFFFFF8E0];
	v7 =	vadd.bf16 v7, v10;
	v61 =	vadd.bf16 v5, v4  }
0xb3: {  	v60 =	vld [tilespmem:s22+$0xFFFFE8E0];
	v5 =	vadd.bf16 v8, v6;
	v10 =	vadd.bf16 v56, v11  }
0xb4: {  	v20 =	vadd.bf16 v20, v21;
	v6 =	vadd.bf16 v7, v12;
	v11 =	vld [tilespmem:s22+$0xFFFFE0E0]  }
0xb5: {  	v8 =	vadd.bf16 v48, v47;
	v13 =	vadd.bf16 v58, v57;
	[tilespmem:s22+$0xFFFFE0C0] =	vst v10;
	v10 =	vld [tilespmem:s22+$0xFFFFF0E0]  }
0xb6: {  	v3 =	vld [tilespmem:s22+$0x8E0];
	v7 =	vadd.bf16 v15, v59;
	v20 =	vadd.bf16 v44, v20  }
0xb7: {  	v4 =	vld [tilespmem:s22+$0xE0];
	v12 =	vadd.bf16 v62, v8;
	v9 =	vadd.bf16 v13, v9  }
0xb8: {  	[tilespmem:s22+$0xFFFFE060] =	vst v5;
	v5 =	vld [tilespmem:s22+$0x10E0];
	v6 =	vadd.bf16 v7, v6  }
0xb9: {  	v2 =	vadd.bf16 v2, v61;
	v7 =	vld [tilespmem:s22+$0x18E0];
	[tilespmem:s22+$0xFFFFE0B0] =	vst v20;
	v9 =	vadd.bf16 v9, v12  }
0xba: {  	s6 =	simm.s32 $0x0;
	s7 =	simm.s32 $0x12100;
	s4 =	sshll.u32 s18, $0x1;
	v8 =	vld [tilespmem:s22+$0xFFFFE000];
	[tilespmem:s22+$0xFFFFE070] =	vst v6;
	v6 =	vadd.bf16 v60, v11;
	v10 =	vadd.bf16 v63, v10  }
.LBB2_3:
0xbb: {  	v11 =	vld [tilespmem:s7+$0xFFFFE0F0]  }
0xbc: {  	v12 =	vld [tilespmem:s7+$0xFFFFE8F0];
	[tilespmem:s22+$0xFFFFE0D0] =	vst v9;
	v3 =	vadd.bf16 v3, v4;
	v4 =	vadd.bf16 v10, v6  }
0xbd: {  	v6 =	vld [tilespmem:s7+$0xFFFFF0F0]  }
0xbe: {  	v9 =	vld [tilespmem:s7+$0xFFFFF8F0];
	v5 =	vadd.bf16 v7, v5  }
0xbf: {  	v7 =	vld [tilespmem:s7+$0xF0];
	v0 =	vadd.bf16 v0, v8  }
0xc0: {  	v8 =	vld [tilespmem:s7+$0x8F0];
	v3 =	vadd.bf16 v5, v3  }
0xc1: {  	v5 =	vld [tilespmem:s7+$0x10F0];
	v1 =	vadd.bf16 v1, v0  }
0xc2: {  	s6 =	sadd.s32 $0x2, s6;
	v10 =	vld [tilespmem:s7+$0x18F0];
	v3 =	vadd.bf16 v3, v4  }
0xc3: {  	p0 =	slt.u32 s6, $0xE;
	v0 =	vld [tilespmem:s7+$0xFFFFE800];
	v1 =	vadd.bf16 v2, v1  }
0xc4: {  	v2 =	vld [tilespmem:s7+$0xFFFFF000];
	[tilespmem:s22+$0xFFFFE0E0] =	vst v3  }
0xc5: {  	v3 =	vld [tilespmem:s7+$0xFFFFF800];
	[tilespmem:s22+$0xFFFFE000] =	vst v1;
	s22 =	smov.u32 s7  }
0xc6: {  	v6 =	vadd.bf16 v9, v6;
	v1 =	vadd.bf16 v12, v11;
	v4 =	vld [tilespmem:s7+$0x0]  }
0xc7: {  	v7 =	vadd.bf16 v8, v7;
	v9 =	vld [tilespmem:s7+$0x800];
	v5 =	vadd.bf16 v10, v5  }
0xc8: {  	v8 =	vld [tilespmem:s7+$0x1000]  }
0xc9: {  	v6 =	vadd.bf16 v6, v1;
	v10 =	vld [tilespmem:s7+$0x1800];
	v5 =	vadd.bf16 v5, v7  }
0xca: {  	v1 =	vadd.bf16 v3, v2;
	v3 =	vld [tilespmem:s7+$0xFFFFE010]  }
0xcb: {  	v7 =	vld [tilespmem:s7+$0xFFFFE810];
	v2 =	vadd.bf16 v5, v6  }
0xcc: {  	v4 =	vadd.bf16 v9, v4;
	v5 =	vld [tilespmem:s7+$0xFFFFF010]  }
0xcd: {  	v6 =	vld [tilespmem:s7+$0xFFFFF810];
	[tilespmem:s7+$0xFFFFE0F0] =	vst v2  }
0xce: {  	v2 =	vadd.bf16 v10, v8;
	v8 =	vld [tilespmem:s7+$0x10]  }
0xcf: {  	v9 =	vld [tilespmem:s7+$0x810]  }
0xd0: {  	v2 =	vadd.bf16 v2, v4;
	v3 =	vadd.bf16 v7, v3;
	v4 =	vld [tilespmem:s7+$0x1010]  }
0xd1: {  	v7 =	vld [tilespmem:s7+$0x1810]  }
0xd2: {  	v5 =	vadd.bf16 v6, v5;
	v6 =	vld [tilespmem:s7+$0xFFFFE020]  }
0xd3: {  	v10 =	vld [tilespmem:s7+$0xFFFFE820]  }
0xd4: {  	v8 =	vadd.bf16 v9, v8;
	v3 =	vadd.bf16 v5, v3;
	v5 =	vld [tilespmem:s7+$0xFFFFF020]  }
0xd5: {  	v9 =	vld [tilespmem:s7+$0xFFFFF820]  }
0xd6: {  	v4 =	vadd.bf16 v7, v4;
	v7 =	vld [tilespmem:s7+$0x20]  }
0xd7: {  	v11 =	vld [tilespmem:s7+$0x820]  }
0xd8: {  	v4 =	vadd.bf16 v4, v8;
	v6 =	vadd.bf16 v10, v6;
	v8 =	vld [tilespmem:s7+$0x1020]  }
0xd9: {  	v10 =	vld [tilespmem:s7+$0x1820]  }
0xda: {  	v3 =	vadd.bf16 v4, v3;
	v4 =	vadd.bf16 v9, v5;
	v5 =	vld [tilespmem:s7+$0xFFFFE030]  }
0xdb: {  	v9 =	vld [tilespmem:s7+$0xFFFFE830]  }
0xdc: {  	[tilespmem:s7+$0xFFFFE010] =	vst v3;
	v3 =	vadd.bf16 v11, v7;
	v4 =	vadd.bf16 v4, v6;
	v6 =	vld [tilespmem:s7+$0xFFFFF030]  }
0xdd: {  	v7 =	vld [tilespmem:s7+$0xFFFFF830]  }
0xde: {  	v8 =	vadd.bf16 v10, v8;
	v10 =	vld [tilespmem:s7+$0x30]  }
0xdf: {  	v11 =	vld [tilespmem:s7+$0x830]  }
0xe0: {  	v3 =	vadd.bf16 v8, v3;
	v5 =	vadd.bf16 v9, v5;
	v8 =	vld [tilespmem:s7+$0x1030]  }
0xe1: {  	v9 =	vld [tilespmem:s7+$0x1830]  }
0xe2: {  	v3 =	vadd.bf16 v3, v4;
	v4 =	vadd.bf16 v7, v6;
	v6 =	vld [tilespmem:s7+$0xFFFFE040]  }
0xe3: {  	v7 =	vld [tilespmem:s7+$0xFFFFE840]  }
0xe4: {  	[tilespmem:s7+$0xFFFFE020] =	vst v3;
	v3 =	vadd.bf16 v11, v10;
	v4 =	vadd.bf16 v4, v5;
	v5 =	vld [tilespmem:s7+$0xFFFFF040]  }
0xe5: {  	v10 =	vld [tilespmem:s7+$0xFFFFF840]  }
0xe6: {  	v8 =	vadd.bf16 v9, v8;
	v9 =	vld [tilespmem:s7+$0x40]  }
0xe7: {  	v11 =	vld [tilespmem:s7+$0x840]  }
0xe8: {  	v3 =	vadd.bf16 v8, v3;
	v6 =	vadd.bf16 v7, v6;
	v7 =	vld [tilespmem:s7+$0x1040]  }
0xe9: {  	v8 =	vld [tilespmem:s7+$0x1840]  }
0xea: {  	v3 =	vadd.bf16 v3, v4;
	v4 =	vadd.bf16 v10, v5;
	v5 =	vld [tilespmem:s7+$0xFFFFE050]  }
0xeb: {  	v10 =	vld [tilespmem:s7+$0xFFFFE850]  }
0xec: {  	[tilespmem:s7+$0xFFFFE030] =	vst v3;
	v3 =	vadd.bf16 v11, v9;
	v4 =	vadd.bf16 v4, v6;
	v6 =	vld [tilespmem:s7+$0xFFFFF050]  }
0xed: {  	v9 =	vld [tilespmem:s7+$0xFFFFF850]  }
0xee: {  	v7 =	vadd.bf16 v8, v7;
	v8 =	vld [tilespmem:s7+$0x50]  }
0xef: {  	v11 =	vld [tilespmem:s7+$0x850]  }
0xf0: {  	v3 =	vadd.bf16 v7, v3;
	v5 =	vadd.bf16 v10, v5;
	v7 =	vld [tilespmem:s7+$0x1050]  }
0xf1: {  	v10 =	vld [tilespmem:s7+$0x1850]  }
0xf2: {  	v3 =	vadd.bf16 v3, v4;
	v4 =	vadd.bf16 v9, v6;
	v6 =	vld [tilespmem:s7+$0xFFFFE060]  }
0xf3: {  	v9 =	vld [tilespmem:s7+$0xFFFFE860]  }
0xf4: {  	[tilespmem:s7+$0xFFFFE040] =	vst v3;
	v3 =	vadd.bf16 v11, v8;
	v4 =	vadd.bf16 v4, v5;
	v5 =	vld [tilespmem:s7+$0xFFFFF060]  }
0xf5: {  	v8 =	vld [tilespmem:s7+$0xFFFFF860]  }
0xf6: {  	v7 =	vadd.bf16 v10, v7;
	v10 =	vld [tilespmem:s7+$0x60]  }
0xf7: {  	v11 =	vld [tilespmem:s7+$0x860]  }
0xf8: {  	v3 =	vadd.bf16 v7, v3;
	v6 =	vadd.bf16 v9, v6;
	v7 =	vld [tilespmem:s7+$0x1060]  }
0xf9: {  	v9 =	vld [tilespmem:s7+$0x1860]  }
0xfa: {  	v3 =	vadd.bf16 v3, v4;
	v4 =	vadd.bf16 v8, v5;
	v5 =	vld [tilespmem:s7+$0xFFFFE070]  }
0xfb: {  	v8 =	vld [tilespmem:s7+$0xFFFFE870]  }
0xfc: {  	[tilespmem:s7+$0xFFFFE050] =	vst v3;
	v3 =	vadd.bf16 v11, v10;
	v4 =	vadd.bf16 v4, v6;
	v6 =	vld [tilespmem:s7+$0xFFFFF070]  }
0xfd: {  	v10 =	vld [tilespmem:s7+$0xFFFFF870]  }
0xfe: {  	v7 =	vadd.bf16 v9, v7;
	v9 =	vld [tilespmem:s7+$0x70]  }
0xff: {  	v11 =	vld [tilespmem:s7+$0x870]  }
0x100: {  	v3 =	vadd.bf16 v7, v3;
	v5 =	vadd.bf16 v8, v5;
	v7 =	vld [tilespmem:s7+$0x1070]  }
0x101: {  	v8 =	vld [tilespmem:s7+$0x1870]  }
0x102: {  	v3 =	vadd.bf16 v3, v4;
	v4 =	vadd.bf16 v10, v6;
	v6 =	vld [tilespmem:s7+$0xFFFFE080]  }
0x103: {  	v10 =	vld [tilespmem:s7+$0xFFFFE880]  }
0x104: {  	[tilespmem:s7+$0xFFFFE060] =	vst v3;
	v3 =	vadd.bf16 v11, v9;
	v4 =	vadd.bf16 v4, v5;
	v5 =	vld [tilespmem:s7+$0xFFFFF080]  }
0x105: {  	v9 =	vld [tilespmem:s7+$0xFFFFF880]  }
0x106: {  	v7 =	vadd.bf16 v8, v7;
	v8 =	vld [tilespmem:s7+$0x80]  }
0x107: {  	v11 =	vld [tilespmem:s7+$0x880]  }
0x108: {  	v3 =	vadd.bf16 v7, v3;
	v6 =	vadd.bf16 v10, v6;
	v7 =	vld [tilespmem:s7+$0x1080]  }
0x109: {  	v10 =	vld [tilespmem:s7+$0x1880]  }
0x10a: {  	v3 =	vadd.bf16 v3, v4;
	v4 =	vadd.bf16 v9, v5;
	v5 =	vld [tilespmem:s7+$0xFFFFE090]  }
0x10b: {  	v9 =	vld [tilespmem:s7+$0xFFFFE890]  }
0x10c: {  	[tilespmem:s7+$0xFFFFE070] =	vst v3;
	v3 =	vadd.bf16 v11, v8;
	v4 =	vadd.bf16 v4, v6;
	v6 =	vld [tilespmem:s7+$0xFFFFF090]  }
0x10d: {  	v8 =	vld [tilespmem:s7+$0xFFFFF890]  }
0x10e: {  	v7 =	vadd.bf16 v10, v7;
	v10 =	vld [tilespmem:s7+$0x90]  }
0x10f: {  	v11 =	vld [tilespmem:s7+$0x890]  }
0x110: {  	v3 =	vadd.bf16 v7, v3;
	v5 =	vadd.bf16 v9, v5;
	v7 =	vld [tilespmem:s7+$0x1090]  }
0x111: {  	v9 =	vld [tilespmem:s7+$0x1890]  }
0x112: {  	v3 =	vadd.bf16 v3, v4;
	v4 =	vadd.bf16 v8, v6;
	v6 =	vld [tilespmem:s7+$0xFFFFE0A0]  }
0x113: {  	v8 =	vld [tilespmem:s7+$0xFFFFE8A0]  }
0x114: {  	[tilespmem:s7+$0xFFFFE080] =	vst v3;
	v3 =	vadd.bf16 v11, v10;
	v4 =	vadd.bf16 v4, v5;
	v5 =	vld [tilespmem:s7+$0xFFFFF0A0]  }
0x115: {  	v10 =	vld [tilespmem:s7+$0xFFFFF8A0]  }
0x116: {  	v7 =	vadd.bf16 v9, v7;
	v9 =	vld [tilespmem:s7+$0xA0]  }
0x117: {  	v11 =	vld [tilespmem:s7+$0x8A0]  }
0x118: {  	v3 =	vadd.bf16 v7, v3;
	v6 =	vadd.bf16 v8, v6;
	v7 =	vld [tilespmem:s7+$0x10A0]  }
0x119: {  	v8 =	vld [tilespmem:s7+$0x18A0]  }
0x11a: {  	v3 =	vadd.bf16 v3, v4;
	v4 =	vadd.bf16 v10, v5;
	v5 =	vld [tilespmem:s7+$0xFFFFE0B0]  }
0x11b: {  	v10 =	vld [tilespmem:s7+$0xFFFFE8B0]  }
0x11c: {  	[tilespmem:s7+$0xFFFFE090] =	vst v3;
	v3 =	vadd.bf16 v11, v9;
	v4 =	vadd.bf16 v4, v6;
	v6 =	vld [tilespmem:s7+$0xFFFFF0B0]  }
0x11d: {  	v9 =	vld [tilespmem:s7+$0xFFFFF8B0]  }
0x11e: {  	v7 =	vadd.bf16 v8, v7;
	v8 =	vld [tilespmem:s7+$0xB0]  }
0x11f: {  	v11 =	vld [tilespmem:s7+$0x8B0]  }
0x120: {  	v3 =	vadd.bf16 v7, v3;
	v5 =	vadd.bf16 v10, v5;
	v7 =	vld [tilespmem:s7+$0x10B0]  }
0x121: {  	v10 =	vld [tilespmem:s7+$0x18B0]  }
0x122: {  	v3 =	vadd.bf16 v3, v4;
	v4 =	vadd.bf16 v9, v6;
	v6 =	vld [tilespmem:s7+$0xFFFFE0C0]  }
0x123: {  	v9 =	vld [tilespmem:s7+$0xFFFFE8C0]  }
0x124: {  	[tilespmem:s7+$0xFFFFE0A0] =	vst v3;
	v3 =	vadd.bf16 v11, v8;
	v4 =	vadd.bf16 v4, v5;
	v5 =	vld [tilespmem:s7+$0xFFFFF0C0]  }
0x125: {  	v8 =	vld [tilespmem:s7+$0xFFFFF8C0]  }
0x126: {  	v7 =	vadd.bf16 v10, v7;
	v10 =	vld [tilespmem:s7+$0xC0]  }
0x127: {  	v11 =	vld [tilespmem:s7+$0x8C0]  }
0x128: {  	v3 =	vadd.bf16 v7, v3;
	v6 =	vadd.bf16 v9, v6;
	v7 =	vld [tilespmem:s7+$0x10C0]  }
0x129: {  	v9 =	vld [tilespmem:s7+$0x18C0]  }
0x12a: {  	v3 =	vadd.bf16 v3, v4;
	v4 =	vadd.bf16 v8, v5;
	v5 =	vld [tilespmem:s7+$0xFFFFE0D0]  }
0x12b: {  	v8 =	vld [tilespmem:s7+$0xFFFFE8D0]  }
0x12c: {  	[tilespmem:s7+$0xFFFFE0B0] =	vst v3;
	v3 =	vadd.bf16 v11, v10;
	v4 =	vadd.bf16 v4, v6;
	v6 =	vld [tilespmem:s7+$0xFFFFF0D0]  }
0x12d: {  	v10 =	vld [tilespmem:s7+$0xFFFFF8D0]  }
0x12e: {  	v7 =	vadd.bf16 v9, v7;
	v9 =	vld [tilespmem:s7+$0xD0]  }
0x12f: {  	v11 =	vld [tilespmem:s7+$0x8D0]  }
0x130: {  	v3 =	vadd.bf16 v7, v3;
	v5 =	vadd.bf16 v8, v5;
	v7 =	vld [tilespmem:s7+$0x10D0]  }
0x131: {  	v8 =	vld [tilespmem:s7+$0x18D0]  }
0x132: {  	v3 =	vadd.bf16 v3, v4;
	v4 =	vadd.bf16 v10, v6;
	v6 =	vld [tilespmem:s7+$0xFFFFE0E0]  }
0x133: {  	v10 =	vld [tilespmem:s7+$0xFFFFE8E0]  }
0x134: {  	[tilespmem:s7+$0xFFFFE0C0] =	vst v3;
	v9 =	vadd.bf16 v11, v9;
	v11 =	vadd.bf16 v4, v5;
	v12 =	vld [tilespmem:s7+$0xFFFFF0E0]  }
0x135: {  	v13 =	vld [tilespmem:s7+$0xFFFFF8E0]  }
.Ltmp0:
0x136: {  	v5 =	vadd.bf16 v8, v7;
	v4 =	vld [tilespmem:s7+$0xE0];
	(pc) =	sbr.rel @p0 .LBB2_3-.Ltmp0, $4  }
0x137: {  	v3 =	vld [tilespmem:s7+$0x8E0]  }
0x138: {  	v9 =	vadd.bf16 v5, v9;
	v6 =	vadd.bf16 v10, v6;
	v5 =	vld [tilespmem:s7+$0x10E0]  }
0x139: {  	v7 =	vld [tilespmem:s7+$0x18E0]  }
0x13a: {  	s7 =	sadd.s32 $0x100, s7;
	v8 =	vld [tilespmem:s22+$0xFFFFE000];
	v9 =	vadd.bf16 v9, v11;
	v10 =	vadd.bf16 v13, v12  }
0x13b: {  	_ =	sdelay $0x2  }
0x13c: {  	v3 =	vadd.bf16 v3, v4;
	v4 =	vadd.bf16 v7, v5  }
0x13d: {  	v0 =	vadd.bf16 v0, v8  }
0x13e: {  	v5 =	vadd.bf16 v10, v6;
	v3 =	vadd.bf16 v4, v3  }
0x13f: {  	v0 =	vadd.bf16 v1, v0  }
0x140: {  	v1 =	vadd.bf16 v3, v5  }
0x141: {  	[tilespmem:s22+$0xFFFFE0D0] =	vst v9;
	v0 =	vadd.bf16 v2, v0  }
0x142: {  	s6 =	sshll.u32 s18, $0x9;
	[tilespmem:s22+$0xFFFFE0E0] =	vst v1  }
0x143: {  	s6 =	sadd.s32 s6, s5;
	[tilespmem:s22+$0xFFFFE000] =	vst v0  }
0x144: {  	[hbm4b:s6+s2] =	stream.linear.scatter [tilespmem:s9], [sflag:$0x3], $0x800, $0x38;
	[tilespmem:$0x18000] =	vst v63  }
0x145: {  	s4 =	smin.u32 s4, $0x3D;
	_ =	swait.ge [sflag:s10], $0x800  }
0x146: {  	s4 =	sshll.u32 s4, $0xA;
	[sflag:s10] =	ssyncset.done $0x0  }
0x147: {  	s22 =	sadd.s32 $0x800, s4;
	[sflag:s10] =	ssyncadd.s32 $0xFFFFF800  }
0x148: {  	[tilespmem:s9], [sflag:$0x1] =	stream.indirect.gather [hbm4b:s3+s8], $0x80, s22, s8, $0xb8;
	[tilespmem:$0x18000] =	vst v63  }
0x149: {  	s7 =	sadd.s32 $0x880, s4  }
0x14a: {  	[tilespmem:s11], [sflag:$0x1] =	stream.indirect.gather [hbm4b:s3+s8], $0x80, s7, s8, $0xb8;
	[tilespmem:$0x18000] =	vst v63  }
0x14b: {  	s22 =	sadd.s32 $0x900, s4  }
0x14c: {  	[tilespmem:s13], [sflag:$0x1] =	stream.indirect.gather [hbm4b:s3+s8], $0x80, s22, s8, $0xb8;
	[tilespmem:$0x18000] =	vst v63  }
0x14d: {  	s7 =	sadd.s32 $0x980, s4  }
0x14e: {  	[tilespmem:s15], [sflag:$0x1] =	stream.indirect.gather [hbm4b:s3+s8], $0x80, s7, s8, $0xb8;
	[tilespmem:$0x18000] =	vst v63  }
0x14f: {  	s22 =	sadd.s32 $0xA00, s4  }
0x150: {  	[tilespmem:s17], [sflag:$0x1] =	stream.indirect.gather [hbm4b:s3+s8], $0x80, s22, s8, $0xb8;
	[tilespmem:$0x18000] =	vst v63  }
0x151: {  	s7 =	sadd.s32 $0xA80, s4  }
0x152: {  	[tilespmem:s19], [sflag:$0x1] =	stream.indirect.gather [hbm4b:s3+s8], $0x80, s7, s8, $0xb8;
	[tilespmem:$0x18000] =	vst v63  }
0x153: {  	s22 =	sadd.s32 $0xB00, s4  }
0x154: {  	[tilespmem:s21], [sflag:$0x1] =	stream.indirect.gather [hbm4b:s3+s8], $0x80, s22, s8, $0xb8;
	[tilespmem:$0x18000] =	vst v63  }
0x155: {  	s4 =	sadd.s32 $0xB80, s4  }
0x156: {  	[tilespmem:s23], [sflag:$0x1] =	stream.indirect.gather [hbm4b:s3+s8], $0x80, s4, s8, $0xb8;
	[tilespmem:$0x18000] =	vst v63  }
0x157: {  	_ =	swait.ge [sflag:s12], $0x4000  }
0x158: {  	[sflag:s12] =	ssyncset.done $0x0  }
0x159: {  	s22 =	simm.s32 $0x14000;
	[sflag:s12] =	ssyncadd.s32 $0xFFFFC000  }
0x15a: {  	v7 =	vld [tilespmem:s22+$0xF0]  }
0x15b: {  	v8 =	vld [tilespmem:s22+$0x8F0]  }
0x15c: {  	v9 =	vld [tilespmem:s22+$0x10F0]  }
0x15d: {  	v10 =	vld [tilespmem:s22+$0x18F0]  }
0x15e: {  	v11 =	vld [tilespmem:s22+$0x20F0]  }
0x15f: {  	v1 =	vld [tilespmem:s22+$0x1000]  }
0x160: {  	v6 =	vld [tilespmem:s22+$0x1800]  }
0x161: {  	v4 =	vld [tilespmem:s22+$0x2000]  }
0x162: {  	v5 =	vld [tilespmem:s22+$0x2800]  }
0x163: {  	v2 =	vld [tilespmem:s22+$0x3000]  }
0x164: {  	v3 =	vld [tilespmem:s22+$0x3800]  }
0x165: {  	v12 =	vld [tilespmem:s22+$0x10]  }
0x166: {  	v13 =	vld [tilespmem:s22+$0x810]  }
0x167: {  	v14 =	vld [tilespmem:s22+$0x1010]  }
0x168: {  	v15 =	vld [tilespmem:s22+$0x1810]  }
0x169: {  	v16 =	vld [tilespmem:s22+$0x2010]  }
0x16a: {  	v17 =	vld [tilespmem:s22+$0x2810]  }
0x16b: {  	v18 =	vld [tilespmem:s22+$0x3010]  }
0x16c: {  	v19 =	vld [tilespmem:s22+$0x3810]  }
0x16d: {  	v20 =	vld [tilespmem:s22+$0x20]  }
0x16e: {  	v21 =	vld [tilespmem:s22+$0x820]  }
0x16f: {  	v22 =	vld [tilespmem:s22+$0x1020]  }
0x170: {  	v37 =	vld [tilespmem:s22+$0x1820]  }
0x171: {  	v40 =	vld [tilespmem:s22+$0x2020]  }
0x172: {  	v41 =	vld [tilespmem:s22+$0x2820]  }
0x173: {  	v43 =	vld [tilespmem:s22+$0x3020]  }
0x174: {  	v44 =	vld [tilespmem:s22+$0x3820]  }
0x175: {  	v45 =	vld [tilespmem:s22+$0x30]  }
0x176: {  	v46 =	vld [tilespmem:s22+$0x830]  }
0x177: {  	v23 =	vld [tilespmem:s22+$0x28F0]  }
0x178: {  	v47 =	vld [tilespmem:s22+$0x1030]  }
0x179: {  	v48 =	vld [tilespmem:s22+$0x1830]  }
0x17a: {  	v49 =	vld [tilespmem:s22+$0x2030]  }
0x17b: {  	v50 =	vld [tilespmem:s22+$0x2830]  }
0x17c: {  	v51 =	vld [tilespmem:s22+$0x3030]  }
0x17d: {  	v52 =	vld [tilespmem:s22+$0x3830]  }
0x17e: {  	v53 =	vld [tilespmem:s22+$0x40]  }
0x17f: {  	v54 =	vld [tilespmem:s22+$0x840]  }
0x180: {  	v24 =	vld [tilespmem:s22+$0x30F0]  }
0x181: {  	v55 =	vld [tilespmem:s22+$0x1040]  }
0x182: {  	v56 =	vld [tilespmem:s22+$0x1840]  }
0x183: {  	v57 =	vld [tilespmem:s22+$0x2040]  }
0x184: {  	v58 =	vld [tilespmem:s22+$0x2840]  }
0x185: {  	v60 =	vld [tilespmem:s22+$0x3040]  }
0x186: {  	v61 =	vld [tilespmem:s22+$0x3840]  }
0x187: {  	v62 =	vld [tilespmem:s22+$0x50]  }
0x188: {  	v63 =	vld [tilespmem:s22+$0x850]  }
0x189: {  	v25 =	vld [tilespmem:s22+$0x38F0]  }
0x18a: {  	v26 =	vld [tilespmem:s22+$0x1050]  }
0x18b: {  	v27 =	vld [tilespmem:s22+$0x1850]  }
0x18c: {  	v28 =	vld [tilespmem:s22+$0x2050]  }
0x18d: {  	v29 =	vld [tilespmem:s22+$0x2850]  }
0x18e: {  	v31 =	vld [tilespmem:s22+$0x3050]  }
0x18f: {  	v32 =	vld [tilespmem:s22+$0x3850]  }
0x190: {  	v36 =	vadd.bf16 v15, v14;
	v14 =	vadd.bf16 v37, v22;
	v22 =	vld [tilespmem:s22+$0x860]  }
0x191: {  	v7 =	vadd.bf16 v8, v7;
	v8 =	vadd.bf16 v10, v9;
	v9 =	vld [tilespmem:s22+$0x1060]  }
0x192: {  	v39 =	vadd.bf16 v19, v18;
	v19 =	vld [tilespmem:s22+$0x2860]  }
0x193: {  	v37 =	vld [tilespmem:s22+$0x1080]  }
0x194: {  	v38 =	vadd.bf16 v17, v16;
	v17 =	vadd.bf16 v41, v40;
	v40 =	vld [tilespmem:s22+$0x2880]  }
0x195: {  	v41 =	vld [tilespmem:s22+$0x3080]  }
0x196: {  	v33 =	vadd.bf16 v29, v28;
	v28 =	vld [tilespmem:s22+$0x890]  }
0x197: {  	v29 =	vld [tilespmem:s22+$0x1090]  }
0x198: {  	v15 =	vadd.bf16 v44, v43;
	v43 =	vld [tilespmem:s22+$0x1890]  }
0x199: {  	v12 =	vadd.bf16 v13, v12;
	v13 =	vadd.bf16 v46, v45;
	v46 =	vld [tilespmem:s22+$0x2090]  }
0x19a: {  	v16 =	vadd.bf16 v50, v49;
	v49 =	vld [tilespmem:s22+$0x3090]  }
0x19b: {  	v50 =	vld [tilespmem:s22+$0x3890]  }
0x19c: {  	v18 =	vadd.bf16 v58, v57;
	v57 =	vld [tilespmem:s22+$0x38A0]  }
0x19d: {  	v58 =	vld [tilespmem:s22+$0xB0]  }
0x19e: {  	v10 =	vadd.bf16 v63, v62;
	v62 =	vld [tilespmem:s22+$0x20B0]  }
0x19f: {  	v63 =	vld [tilespmem:s22+$0x28B0]  }
0x1a0: {  	v7 =	vadd.bf16 v8, v7;
	v8 =	vld [tilespmem:s22+$0x3860]  }
0x1a1: {  	v12 =	vadd.bf16 v36, v12;
	v36 =	vld [tilespmem:s22+$0x880]  }
0x1a2: {  	v20 =	vadd.bf16 v21, v20;
	v42 =	vadd.bf16 v39, v38;
	v38 =	vld [tilespmem:s22+$0x1880]  }
0x1a3: {  	v11 =	vadd.bf16 v23, v11;
	v34 =	vadd.bf16 v25, v24;
	v39 =	vld [tilespmem:s22+$0x2080]  }
0x1a4: {  	v15 =	vadd.bf16 v15, v17;
	v17 =	vadd.bf16 v52, v51;
	v51 =	vld [tilespmem:s22+$0xA0]  }
0x1a5: {  	v11 =	vadd.bf16 v34, v11;
	v52 =	vld [tilespmem:s22+$0x8A0]  }
0x1a6: {  	v14 =	vadd.bf16 v14, v20;
	v59 =	vadd.bf16 v17, v16;
	v17 =	vld [tilespmem:s22+$0x2060]  }
0x1a7: {  	v7 =	vadd.bf16 v11, v7;
	v11 =	vld [tilespmem:s22+$0x80]  }
0x1a8: {  	v14 =	vadd.bf16 v15, v14;
	v15 =	vadd.bf16 v54, v53;
	v53 =	vld [tilespmem:s22+$0x18A0]  }
0x1a9: {  	v54 =	vld [tilespmem:s22+$0x20A0]  }
0x1aa: {  	v16 =	vadd.bf16 v61, v60;
	v60 =	vld [tilespmem:s22+$0x10B0]  }
0x1ab: {  	v12 =	vadd.bf16 v42, v12;
	v61 =	vld [tilespmem:s22+$0x18B0]  }
0x1ac: {  	v20 =	vadd.bf16 v43, v29;
	v43 =	vld [tilespmem:s22+$0x28C0]  }
0x1ad: {  	v21 =	vadd.bf16 v50, v49;
	v49 =	vld [tilespmem:s22+$0x3870];
	[tilespmem:s22+$0x10] =	vst v12;
	v12 =	vadd.bf16 v48, v47  }
0x1ae: {  	[tilespmem:s22+$0xF0] =	vst v7;
	v7 =	vld [tilespmem:s22+$0x1870]  }
0x1af: {  	v47 =	vld [tilespmem:s22+$0x2890];
	v12 =	vadd.bf16 v12, v13  }
0x1b0: {  	[tilespmem:s22+$0x20] =	vst v14;
	v14 =	vadd.bf16 v56, v55;
	v55 =	vld [tilespmem:s22+$0x28A0]  }
0x1b1: {  	v56 =	vld [tilespmem:s22+$0x30A0];
	v12 =	vadd.bf16 v59, v12  }
0x1b2: {  	v30 =	vadd.bf16 v16, v18;
	v16 =	vadd.bf16 v32, v31;
	v31 =	vld [tilespmem:s22+$0x2870]  }
0x1b3: {  	[tilespmem:s22+$0x30] =	vst v12;
	v12 =	vadd.bf16 v27, v26;
	v26 =	vld [tilespmem:s22+$0x3880]  }
0x1b4: {  	v32 =	vld [tilespmem:s22+$0x3070]  }
0x1b5: {  	v42 =	vadd.bf16 v38, v37;
	v37 =	vld [tilespmem:s22+$0x30B0]  }
0x1b6: {  	v38 =	vld [tilespmem:s22+$0x38B0]  }
0x1b7: {  	v44 =	vadd.bf16 v40, v39;
	v39 =	vld [tilespmem:s22+$0xC0]  }
0x1b8: {  	v40 =	vld [tilespmem:s22+$0x8C0];
	v11 =	vadd.bf16 v36, v11;
	v45 =	vadd.bf16 v26, v41  }
0x1b9: {  	v18 =	vadd.bf16 v52, v51;
	v51 =	vld [tilespmem:s22+$0x10D0]  }
0x1ba: {  	v52 =	vld [tilespmem:s22+$0x18D0];
	v11 =	vadd.bf16 v42, v11;
	v48 =	vadd.bf16 v45, v44  }
0x1bb: {  	v14 =	vadd.bf16 v14, v15;
	v15 =	vld [tilespmem:s22+$0x60]  }
0x1bc: {  	v13 =	vld [tilespmem:s22+$0x1860];
	v11 =	vadd.bf16 v48, v11  }
0x1bd: {  	v35 =	vadd.bf16 v16, v33;
	v16 =	vld [tilespmem:s22+$0x870]  }
0x1be: {  	v1 =	vadd.bf16 v6, v1;
	v2 =	vadd.bf16 v3, v2;
	[tilespmem:s22+$0x80] =	vst v11;
	v11 =	vld [tilespmem:s22+$0x10A0]  }
0x1bf: {  	v25 =	vadd.bf16 v63, v62;
	v50 =	vadd.bf16 v19, v17;
	v59 =	vld [tilespmem:s22+$0x8B0]  }
0x1c0: {  	v14 =	vadd.bf16 v30, v14;
	v24 =	vadd.bf16 v47, v46;
	v42 =	vld [tilespmem:s22+$0x20C0]  }
0x1c1: {  	v23 =	vadd.bf16 v55, v54;
	v46 =	vld [tilespmem:s22+$0x38C0];
	v62 =	vadd.bf16 v52, v51  }
0x1c2: {  	v27 =	vld [tilespmem:s22+$0x90];
	v21 =	vadd.bf16 v21, v24;
	v24 =	vadd.bf16 v57, v56  }
0x1c3: {  	[tilespmem:s22+$0x40] =	vst v14;
	v14 =	vld [tilespmem:s22+$0x3060];
	v6 =	vadd.bf16 v22, v15;
	v11 =	vadd.bf16 v53, v11  }
0x1c4: {  	v55 =	vld [tilespmem:s22+$0x20D0];
	v9 =	vadd.bf16 v13, v9;
	v10 =	vadd.bf16 v12, v10  }
0x1c5: {  	v12 =	vld [tilespmem:s22+$0x70];
	v36 =	vadd.bf16 v24, v23;
	v11 =	vadd.bf16 v11, v18  }
0x1c6: {  	v15 =	vadd.bf16 v49, v32;
	v6 =	vadd.bf16 v9, v6;
	v9 =	vld [tilespmem:s22+$0x28D0]  }
0x1c7: {  	v27 =	vadd.bf16 v28, v27;
	v41 =	vld [tilespmem:s22+$0x18C0];
	v11 =	vadd.bf16 v36, v11  }
0x1c8: {  	v23 =	vadd.bf16 v38, v37;
	v8 =	vadd.bf16 v8, v14;
	v45 =	vld [tilespmem:s22+$0x30C0]  }
0x1c9: {  	v10 =	vadd.bf16 v35, v10;
	v20 =	vadd.bf16 v20, v27;
	[tilespmem:s22+$0xA0] =	vst v11;
	v11 =	vld [tilespmem:s22+$0x10C0]  }
0x1ca: {  	v30 =	vld [tilespmem:s22+$0x2070];
	v44 =	vadd.bf16 v23, v25;
	v8 =	vadd.bf16 v8, v50  }
0x1cb: {  	v47 =	vld [tilespmem:s22+$0xD0];
	v12 =	vadd.bf16 v16, v12;
	v9 =	vadd.bf16 v9, v55  }
0x1cc: {  	[tilespmem:s22+$0x50] =	vst v10;
	v10 =	vld [tilespmem:s22+$0x1070];
	v20 =	vadd.bf16 v21, v20;
	v21 =	vadd.bf16 v59, v58  }
0x1cd: {  	v57 =	vld [tilespmem:s22+$0x30D0];
	v54 =	vadd.bf16 v46, v45;
	v53 =	vadd.bf16 v43, v42  }
0x1ce: {  	v48 =	vld [tilespmem:s22+$0x8D0];
	v18 =	vadd.bf16 v40, v39;
	v11 =	vadd.bf16 v41, v11  }
0x1cf: {  	v58 =	vld [tilespmem:s22+$0x38D0];
	v59 =	vadd.bf16 v31, v30;
	[tilespmem:s22+$0x90] =	vst v20;
	v20 =	vadd.bf16 v61, v60  }
0x1d0: {  	v0 =	vld [tilespmem:s22+$0x800];
	v56 =	vadd.bf16 v54, v53;
	v11 =	vadd.bf16 v11, v18  }
0x1d1: {  	v63 =	vld [tilespmem:s22+$0x18E0];
	v7 =	vadd.bf16 v7, v10;
	v61 =	vadd.bf16 v5, v4  }
0x1d2: {  	v60 =	vld [tilespmem:s22+$0x8E0];
	v5 =	vadd.bf16 v8, v6;
	v10 =	vadd.bf16 v56, v11  }
0x1d3: {  	v20 =	vadd.bf16 v20, v21;
	v6 =	vadd.bf16 v7, v12;
	v11 =	vld [tilespmem:s22+$0xE0]  }
0x1d4: {  	v8 =	vadd.bf16 v48, v47;
	v13 =	vadd.bf16 v58, v57;
	[tilespmem:s22+$0xC0] =	vst v10;
	v10 =	vld [tilespmem:s22+$0x10E0]  }
0x1d5: {  	v3 =	vld [tilespmem:s22+$0x28E0];
	v7 =	vadd.bf16 v15, v59;
	v20 =	vadd.bf16 v44, v20  }
0x1d6: {  	v4 =	vld [tilespmem:s22+$0x20E0];
	v12 =	vadd.bf16 v62, v8;
	v9 =	vadd.bf16 v13, v9  }
0x1d7: {  	[tilespmem:s22+$0x60] =	vst v5;
	v5 =	vld [tilespmem:s22+$0x30E0];
	v6 =	vadd.bf16 v7, v6  }
0x1d8: {  	v2 =	vadd.bf16 v2, v61;
	v7 =	vld [tilespmem:s22+$0x38E0];
	[tilespmem:s22+$0xB0] =	vst v20;
	v9 =	vadd.bf16 v9, v12  }
0x1d9: {  	s6 =	simm.s32 $0x14100;
	s4 =	simm.s32 $0x0;
	v8 =	vld [tilespmem:s22+$0x0];
	[tilespmem:s22+$0x70] =	vst v6;
	v6 =	vadd.bf16 v60, v11;
	v10 =	vadd.bf16 v63, v10  }
.LBB2_5:
0x1da: {  	v11 =	vld [tilespmem:s6+$0xF0]  }
0x1db: {  	v12 =	vld [tilespmem:s6+$0x8F0];
	[tilespmem:s22+$0xD0] =	vst v9;
	v3 =	vadd.bf16 v3, v4;
	v4 =	vadd.bf16 v10, v6  }
0x1dc: {  	v6 =	vld [tilespmem:s6+$0x10F0]  }
0x1dd: {  	v9 =	vld [tilespmem:s6+$0x18F0];
	v5 =	vadd.bf16 v7, v5  }
0x1de: {  	v7 =	vld [tilespmem:s6+$0x20F0];
	v0 =	vadd.bf16 v0, v8  }
0x1df: {  	v8 =	vld [tilespmem:s6+$0x28F0];
	v3 =	vadd.bf16 v5, v3  }
0x1e0: {  	v5 =	vld [tilespmem:s6+$0x30F0];
	v1 =	vadd.bf16 v1, v0  }
0x1e1: {  	s4 =	sadd.s32 $0x2, s4;
	v10 =	vld [tilespmem:s6+$0x38F0];
	v3 =	vadd.bf16 v3, v4  }
0x1e2: {  	p0 =	slt.u32 s4, $0xE;
	v0 =	vld [tilespmem:s6+$0x800];
	v1 =	vadd.bf16 v2, v1  }
0x1e3: {  	v2 =	vld [tilespmem:s6+$0x1000];
	[tilespmem:s22+$0xE0] =	vst v3  }
0x1e4: {  	v3 =	vld [tilespmem:s6+$0x1800];
	[tilespmem:s22+$0x0] =	vst v1;
	s22 =	smov.u32 s6  }
0x1e5: {  	v6 =	vadd.bf16 v9, v6;
	v1 =	vadd.bf16 v12, v11;
	v4 =	vld [tilespmem:s6+$0x2000]  }
0x1e6: {  	v7 =	vadd.bf16 v8, v7;
	v9 =	vld [tilespmem:s6+$0x2800];
	v5 =	vadd.bf16 v10, v5  }
0x1e7: {  	v8 =	vld [tilespmem:s6+$0x3000]  }
0x1e8: {  	v6 =	vadd.bf16 v6, v1;
	v10 =	vld [tilespmem:s6+$0x3800];
	v5 =	vadd.bf16 v5, v7  }
0x1e9: {  	v1 =	vadd.bf16 v3, v2;
	v3 =	vld [tilespmem:s6+$0x10]  }
0x1ea: {  	v7 =	vld [tilespmem:s6+$0x810];
	v2 =	vadd.bf16 v5, v6  }
0x1eb: {  	v4 =	vadd.bf16 v9, v4;
	v5 =	vld [tilespmem:s6+$0x1010]  }
0x1ec: {  	v6 =	vld [tilespmem:s6+$0x1810];
	[tilespmem:s6+$0xF0] =	vst v2  }
0x1ed: {  	v2 =	vadd.bf16 v10, v8;
	v8 =	vld [tilespmem:s6+$0x2010]  }
0x1ee: {  	v9 =	vld [tilespmem:s6+$0x2810]  }
0x1ef: {  	v2 =	vadd.bf16 v2, v4;
	v3 =	vadd.bf16 v7, v3;
	v4 =	vld [tilespmem:s6+$0x3010]  }
0x1f0: {  	v7 =	vld [tilespmem:s6+$0x3810]  }
0x1f1: {  	v5 =	vadd.bf16 v6, v5;
	v6 =	vld [tilespmem:s6+$0x20]  }
0x1f2: {  	v10 =	vld [tilespmem:s6+$0x820]  }
0x1f3: {  	v8 =	vadd.bf16 v9, v8;
	v3 =	vadd.bf16 v5, v3;
	v5 =	vld [tilespmem:s6+$0x1020]  }
0x1f4: {  	v9 =	vld [tilespmem:s6+$0x1820]  }
0x1f5: {  	v4 =	vadd.bf16 v7, v4;
	v7 =	vld [tilespmem:s6+$0x2020]  }
0x1f6: {  	v11 =	vld [tilespmem:s6+$0x2820]  }
0x1f7: {  	v4 =	vadd.bf16 v4, v8;
	v6 =	vadd.bf16 v10, v6;
	v8 =	vld [tilespmem:s6+$0x3020]  }
0x1f8: {  	v10 =	vld [tilespmem:s6+$0x3820]  }
0x1f9: {  	v3 =	vadd.bf16 v4, v3;
	v4 =	vadd.bf16 v9, v5;
	v5 =	vld [tilespmem:s6+$0x30]  }
0x1fa: {  	v9 =	vld [tilespmem:s6+$0x830]  }
0x1fb: {  	[tilespmem:s6+$0x10] =	vst v3;
	v3 =	vadd.bf16 v11, v7;
	v4 =	vadd.bf16 v4, v6;
	v6 =	vld [tilespmem:s6+$0x1030]  }
0x1fc: {  	v7 =	vld [tilespmem:s6+$0x1830]  }
0x1fd: {  	v8 =	vadd.bf16 v10, v8;
	v10 =	vld [tilespmem:s6+$0x2030]  }
0x1fe: {  	v11 =	vld [tilespmem:s6+$0x2830]  }
0x1ff: {  	v3 =	vadd.bf16 v8, v3;
	v5 =	vadd.bf16 v9, v5;
	v8 =	vld [tilespmem:s6+$0x3030]  }
0x200: {  	v9 =	vld [tilespmem:s6+$0x3830]  }
0x201: {  	v3 =	vadd.bf16 v3, v4;
	v4 =	vadd.bf16 v7, v6;
	v6 =	vld [tilespmem:s6+$0x40]  }
0x202: {  	v7 =	vld [tilespmem:s6+$0x840]  }
0x203: {  	[tilespmem:s6+$0x20] =	vst v3;
	v3 =	vadd.bf16 v11, v10;
	v4 =	vadd.bf16 v4, v5;
	v5 =	vld [tilespmem:s6+$0x1040]  }
0x204: {  	v10 =	vld [tilespmem:s6+$0x1840]  }
0x205: {  	v8 =	vadd.bf16 v9, v8;
	v9 =	vld [tilespmem:s6+$0x2040]  }
0x206: {  	v11 =	vld [tilespmem:s6+$0x2840]  }
0x207: {  	v3 =	vadd.bf16 v8, v3;
	v6 =	vadd.bf16 v7, v6;
	v7 =	vld [tilespmem:s6+$0x3040]  }
0x208: {  	v8 =	vld [tilespmem:s6+$0x3840]  }
0x209: {  	v3 =	vadd.bf16 v3, v4;
	v4 =	vadd.bf16 v10, v5;
	v5 =	vld [tilespmem:s6+$0x50]  }
0x20a: {  	v10 =	vld [tilespmem:s6+$0x850]  }
0x20b: {  	[tilespmem:s6+$0x30] =	vst v3;
	v3 =	vadd.bf16 v11, v9;
	v4 =	vadd.bf16 v4, v6;
	v6 =	vld [tilespmem:s6+$0x1050]  }
0x20c: {  	v9 =	vld [tilespmem:s6+$0x1850]  }
0x20d: {  	v7 =	vadd.bf16 v8, v7;
	v8 =	vld [tilespmem:s6+$0x2050]  }
0x20e: {  	v11 =	vld [tilespmem:s6+$0x2850]  }
0x20f: {  	v3 =	vadd.bf16 v7, v3;
	v5 =	vadd.bf16 v10, v5;
	v7 =	vld [tilespmem:s6+$0x3050]  }
0x210: {  	v10 =	vld [tilespmem:s6+$0x3850]  }
0x211: {  	v3 =	vadd.bf16 v3, v4;
	v4 =	vadd.bf16 v9, v6;
	v6 =	vld [tilespmem:s6+$0x60]  }
0x212: {  	v9 =	vld [tilespmem:s6+$0x860]  }
0x213: {  	[tilespmem:s6+$0x40] =	vst v3;
	v3 =	vadd.bf16 v11, v8;
	v4 =	vadd.bf16 v4, v5;
	v5 =	vld [tilespmem:s6+$0x1060]  }
0x214: {  	v8 =	vld [tilespmem:s6+$0x1860]  }
0x215: {  	v7 =	vadd.bf16 v10, v7;
	v10 =	vld [tilespmem:s6+$0x2060]  }
0x216: {  	v11 =	vld [tilespmem:s6+$0x2860]  }
0x217: {  	v3 =	vadd.bf16 v7, v3;
	v6 =	vadd.bf16 v9, v6;
	v7 =	vld [tilespmem:s6+$0x3060]  }
0x218: {  	v9 =	vld [tilespmem:s6+$0x3860]  }
0x219: {  	v3 =	vadd.bf16 v3, v4;
	v4 =	vadd.bf16 v8, v5;
	v5 =	vld [tilespmem:s6+$0x70]  }
0x21a: {  	v8 =	vld [tilespmem:s6+$0x870]  }
0x21b: {  	[tilespmem:s6+$0x50] =	vst v3;
	v3 =	vadd.bf16 v11, v10;
	v4 =	vadd.bf16 v4, v6;
	v6 =	vld [tilespmem:s6+$0x1070]  }
0x21c: {  	v10 =	vld [tilespmem:s6+$0x1870]  }
0x21d: {  	v7 =	vadd.bf16 v9, v7;
	v9 =	vld [tilespmem:s6+$0x2070]  }
0x21e: {  	v11 =	vld [tilespmem:s6+$0x2870]  }
0x21f: {  	v3 =	vadd.bf16 v7, v3;
	v5 =	vadd.bf16 v8, v5;
	v7 =	vld [tilespmem:s6+$0x3070]  }
0x220: {  	v8 =	vld [tilespmem:s6+$0x3870]  }
0x221: {  	v3 =	vadd.bf16 v3, v4;
	v4 =	vadd.bf16 v10, v6;
	v6 =	vld [tilespmem:s6+$0x80]  }
0x222: {  	v10 =	vld [tilespmem:s6+$0x880]  }
0x223: {  	[tilespmem:s6+$0x60] =	vst v3;
	v3 =	vadd.bf16 v11, v9;
	v4 =	vadd.bf16 v4, v5;
	v5 =	vld [tilespmem:s6+$0x1080]  }
0x224: {  	v9 =	vld [tilespmem:s6+$0x1880]  }
0x225: {  	v7 =	vadd.bf16 v8, v7;
	v8 =	vld [tilespmem:s6+$0x2080]  }
0x226: {  	v11 =	vld [tilespmem:s6+$0x2880]  }
0x227: {  	v3 =	vadd.bf16 v7, v3;
	v6 =	vadd.bf16 v10, v6;
	v7 =	vld [tilespmem:s6+$0x3080]  }
0x228: {  	v10 =	vld [tilespmem:s6+$0x3880]  }
0x229: {  	v3 =	vadd.bf16 v3, v4;
	v4 =	vadd.bf16 v9, v5;
	v5 =	vld [tilespmem:s6+$0x90]  }
0x22a: {  	v9 =	vld [tilespmem:s6+$0x890]  }
0x22b: {  	[tilespmem:s6+$0x70] =	vst v3;
	v3 =	vadd.bf16 v11, v8;
	v4 =	vadd.bf16 v4, v6;
	v6 =	vld [tilespmem:s6+$0x1090]  }
0x22c: {  	v8 =	vld [tilespmem:s6+$0x1890]  }
0x22d: {  	v7 =	vadd.bf16 v10, v7;
	v10 =	vld [tilespmem:s6+$0x2090]  }
0x22e: {  	v11 =	vld [tilespmem:s6+$0x2890]  }
0x22f: {  	v3 =	vadd.bf16 v7, v3;
	v5 =	vadd.bf16 v9, v5;
	v7 =	vld [tilespmem:s6+$0x3090]  }
0x230: {  	v9 =	vld [tilespmem:s6+$0x3890]  }
0x231: {  	v3 =	vadd.bf16 v3, v4;
	v4 =	vadd.bf16 v8, v6;
	v6 =	vld [tilespmem:s6+$0xA0]  }
0x232: {  	v8 =	vld [tilespmem:s6+$0x8A0]  }
0x233: {  	[tilespmem:s6+$0x80] =	vst v3;
	v3 =	vadd.bf16 v11, v10;
	v4 =	vadd.bf16 v4, v5;
	v5 =	vld [tilespmem:s6+$0x10A0]  }
0x234: {  	v10 =	vld [tilespmem:s6+$0x18A0]  }
0x235: {  	v7 =	vadd.bf16 v9, v7;
	v9 =	vld [tilespmem:s6+$0x20A0]  }
0x236: {  	v11 =	vld [tilespmem:s6+$0x28A0]  }
0x237: {  	v3 =	vadd.bf16 v7, v3;
	v6 =	vadd.bf16 v8, v6;
	v7 =	vld [tilespmem:s6+$0x30A0]  }
0x238: {  	v8 =	vld [tilespmem:s6+$0x38A0]  }
0x239: {  	v3 =	vadd.bf16 v3, v4;
	v4 =	vadd.bf16 v10, v5;
	v5 =	vld [tilespmem:s6+$0xB0]  }
0x23a: {  	v10 =	vld [tilespmem:s6+$0x8B0]  }
0x23b: {  	[tilespmem:s6+$0x90] =	vst v3;
	v3 =	vadd.bf16 v11, v9;
	v4 =	vadd.bf16 v4, v6;
	v6 =	vld [tilespmem:s6+$0x10B0]  }
0x23c: {  	v9 =	vld [tilespmem:s6+$0x18B0]  }
0x23d: {  	v7 =	vadd.bf16 v8, v7;
	v8 =	vld [tilespmem:s6+$0x20B0]  }
0x23e: {  	v11 =	vld [tilespmem:s6+$0x28B0]  }
0x23f: {  	v3 =	vadd.bf16 v7, v3;
	v5 =	vadd.bf16 v10, v5;
	v7 =	vld [tilespmem:s6+$0x30B0]  }
0x240: {  	v10 =	vld [tilespmem:s6+$0x38B0]  }
0x241: {  	v3 =	vadd.bf16 v3, v4;
	v4 =	vadd.bf16 v9, v6;
	v6 =	vld [tilespmem:s6+$0xC0]  }
0x242: {  	v9 =	vld [tilespmem:s6+$0x8C0]  }
0x243: {  	[tilespmem:s6+$0xA0] =	vst v3;
	v3 =	vadd.bf16 v11, v8;
	v4 =	vadd.bf16 v4, v5;
	v5 =	vld [tilespmem:s6+$0x10C0]  }
0x244: {  	v8 =	vld [tilespmem:s6+$0x18C0]  }
0x245: {  	v7 =	vadd.bf16 v10, v7;
	v10 =	vld [tilespmem:s6+$0x20C0]  }
0x246: {  	v11 =	vld [tilespmem:s6+$0x28C0]  }
0x247: {  	v3 =	vadd.bf16 v7, v3;
	v6 =	vadd.bf16 v9, v6;
	v7 =	vld [tilespmem:s6+$0x30C0]  }
0x248: {  	v9 =	vld [tilespmem:s6+$0x38C0]  }
0x249: {  	v3 =	vadd.bf16 v3, v4;
	v4 =	vadd.bf16 v8, v5;
	v5 =	vld [tilespmem:s6+$0xD0]  }
0x24a: {  	v8 =	vld [tilespmem:s6+$0x8D0]  }
0x24b: {  	[tilespmem:s6+$0xB0] =	vst v3;
	v3 =	vadd.bf16 v11, v10;
	v4 =	vadd.bf16 v4, v6;
	v6 =	vld [tilespmem:s6+$0x10D0]  }
0x24c: {  	v10 =	vld [tilespmem:s6+$0x18D0]  }
0x24d: {  	v7 =	vadd.bf16 v9, v7;
	v9 =	vld [tilespmem:s6+$0x20D0]  }
0x24e: {  	v11 =	vld [tilespmem:s6+$0x28D0]  }
0x24f: {  	v3 =	vadd.bf16 v7, v3;
	v5 =	vadd.bf16 v8, v5;
	v7 =	vld [tilespmem:s6+$0x30D0]  }
0x250: {  	v8 =	vld [tilespmem:s6+$0x38D0]  }
0x251: {  	v3 =	vadd.bf16 v3, v4;
	v4 =	vadd.bf16 v10, v6;
	v6 =	vld [tilespmem:s6+$0xE0]  }
0x252: {  	v10 =	vld [tilespmem:s6+$0x8E0]  }
0x253: {  	[tilespmem:s6+$0xC0] =	vst v3;
	v9 =	vadd.bf16 v11, v9;
	v11 =	vadd.bf16 v4, v5;
	v12 =	vld [tilespmem:s6+$0x10E0]  }
0x254: {  	v13 =	vld [tilespmem:s6+$0x18E0]  }
.Ltmp1:
0x255: {  	v5 =	vadd.bf16 v8, v7;
	v4 =	vld [tilespmem:s6+$0x20E0];
	(pc) =	sbr.rel @p0 .LBB2_5-.Ltmp1, $4  }
0x256: {  	v3 =	vld [tilespmem:s6+$0x28E0]  }
0x257: {  	v9 =	vadd.bf16 v5, v9;
	v6 =	vadd.bf16 v10, v6;
	v5 =	vld [tilespmem:s6+$0x30E0]  }
0x258: {  	v7 =	vld [tilespmem:s6+$0x38E0]  }
0x259: {  	s6 =	sadd.s32 $0x100, s6;
	v8 =	vld [tilespmem:s22+$0x0];
	v9 =	vadd.bf16 v9, v11;
	v10 =	vadd.bf16 v13, v12  }
0x25a: {  	_ =	sdelay $0x2  }
0x25b: {  	v3 =	vadd.bf16 v3, v4;
	v61 =	vadd.bf16 v7, v5  }
0x25c: {  	v0 =	vadd.bf16 v0, v8  }
0x25d: {  	s18 =	sadd.s32 $0x1, s18;
	v62 =	vadd.bf16 v10, v6;
	v3 =	vadd.bf16 v61, v3  }
0x25e: {  	p0 =	sne.s32 s18, $0x20;
	v0 =	vadd.bf16 v1, v0  }
.Ltmp2:
0x25f: {  	v63 =	vadd.bf16 v3, v62;
	(pc) =	sbr.rel @p0 .LBB2_2-.Ltmp2, $4  }
0x260: {  	[tilespmem:s22+$0xD0] =	vst v9;
	v0 =	vadd.bf16 v2, v0  }
0x261: {  	s4 =	sshll.u32 s20, $0x8;
	[tilespmem:s22+$0xE0] =	vst v63  }
0x262: {  	s4 =	sadd.s32 s4, s5;
	[tilespmem:s22+$0x0] =	vst v0  }
0x263: {  	[hbm4b:s4+s2] =	stream.linear.scatter [tilespmem:s24], [sflag:$0x4], $0x800, $0x38;
	[tilespmem:$0x18000] =	vst v63  }
0x264: {  	_ =	swait.ge [sflag:s0], $0x4000  }
0x265: {  	[sflag:s0] =	ssyncset.done $0x0  }
0x266: {  	[sflag:s0] =	ssyncadd.s32 $0xFFFFC000  }
0x267: {  	_ =	swait.ge [sflag:s14], $0x800  }
0x268: {  	s16 =	sadd.s32 $0x1, s16;
	s4 =	rddreg [dreg:$0x4]  }
0x269: {  	p0 =	sne.s32 s16, s4  }
.Ltmp3:
0x26a: {  	_ = 	snop;
	(pc) =	sbr.rel @p0 .LBB2_1-.Ltmp3, $3  }
0x26b: {  	_ =	sdelay $0x1  }
0x26c: {  	[sflag:s14] =	ssyncset.done $0x0  }
0x26d: {  	[sflag:s14] =	ssyncadd.s32 $0xFFFFF800  }
0x26e: {  	_ =	sfence.sel $0x180000  }
0x26f: {  	[bflag:$0x0] =	sbarrier.arrive $0xFFFF  }
0x270: {  	_ =	strace $0x90000047  }
0x271: {  	s0 =	stileid.u32;
	[bflag:$0x2] =	sbarrier.arrive $0xFFFF  }
0x272: {  	p0 =	sne.s32 s0, $0x0;
	s0 =	rddreg [dreg:$0x2]  }
0x273: {  	s0 =	sadd.s32 @!p0 $0x100000, s0  }
0x274: {  	[sflag:s0] =	ssyncadd.tile.s32 @!p0 $0x1;
	_ =	shalt  }
.Lfunc_end2:
_tile_overlayer_lowered:
.L_overlay_start_2:
0x275: {  	(tag) =	ssettag $0x2  }
0x276: {  	s0 =	rddreg [dreg:$0x0];
	s2 =	stileid.u32  }
0x277: {  	s1 =	rddreg [dreg:$0x1];
	p0 =	sne.s32 s2, $0x0  }
0x278: {  	s3 =	rddreg [dreg:$0x2];
	[bflag:$0x3] =	sbarrier.arrive $0xFFFF;
	s2 =	simm.s32 @!p0 $0x1C05  }
0x279: {  	[timem:s3], [sflag:s2] =	dma.local @!p0 [hbm:s0], s1  }
0x27a: {  	s0 =	simm.s32 @!p0 $0x5  }
0x27b: {  	_ =	swait.ge @!p0 [sflag:s0], s1  }
0x27c: {  	s1 =	ssub.s32 @!p0 $0x0, s1;
	[sflag:s0] =	ssyncset.done @!p0 $0x0  }
0x27d: {  	[sflag:s0] =	ssyncadd.s32 @!p0 s1  }
0x27e: {  	[bflag:$0x3] =	sbarrier.arrive $0xFFFF  }
0x27f: {  	_ =	shalt  }

</sc_bundles>
